<compile_context>
chip_gen: v7x
topology: tpu7x:2x2x1
jax: 0.10.2.dev20260603
libtpu: 0.0.44.dev20260713+nightly
codegen_flags: <defaults>
</compile_context>

<pallas_src>
import functools

import jax
import jax.numpy as jnp
from jax import lax
from jax.experimental import pallas as pl
from jax.experimental.pallas import tpu as pltpu
from jax.experimental.pallas import tpu_sc as plsc

NC = 2
NS = 16
SU = 40
CHUNK = 7936


@jax.jit
def _sc_embedding_lookup(ids2, w_t, w_tail):
    D, V = w_t.shape
    S, B = 200, 4096
    b_per_t = B // (NC * NS)
    unit = SU * b_per_t
    n_u = S // SU
    va = (V // 128) * 128
    tail = V - va
    n_chunks = va // CHUNK
    mesh = plsc.VectorSubcoreMesh(core_axis_name="c", subcore_axis_name="s")

    @functools.partial(
        pl.kernel,
        out_type=jax.ShapeDtypeStruct((S, D // 8, 8, B), jnp.float32),
        mesh=mesh,
        scratch_types=[
            pltpu.VMEM_SHARED((V,), jnp.float32),
            pltpu.VMEM((S * b_per_t,), jnp.int32),
            pltpu.VMEM((CHUNK,), jnp.float32),
            [pltpu.VMEM((1, unit), jnp.float32) for _ in range(2)],
            [pltpu.SemaphoreType.DMA for _ in range(2)],
            [pltpu.SemaphoreType.DMA for _ in range(2)],
        ],
    )
    def body(ids_hbm, w_hbm, wt_hbm, out_hbm, col_sh, idx_v, stg_v, dst,
             sem_g, sem_p):
        cid = lax.axis_index("c")
        sid = lax.axis_index("s")
        wid = cid * NS + sid
        b0 = wid * b_per_t
        pltpu.sync_copy(ids_hbm.at[wid], idx_v)

        def stage(c):
            for r in range((n_chunks + NS - 1) // NS):
                k = sid + r * NS

                @pl.when(k < n_chunks)
                def _():
                    pltpu.sync_copy(w_hbm.at[c, pl.ds(k * CHUNK, CHUNK)], stg_v)
                    pltpu.sync_copy(stg_v, col_sh.at[pl.ds(k * CHUNK, CHUNK)])

            @pl.when(sid == 0)
            def _():
                pltpu.sync_copy(wt_hbm.at[pl.ds(c * tail, tail)],
                                stg_v.at[pl.ds(0, tail)])
                pltpu.sync_copy(stg_v.at[pl.ds(0, tail)],
                                col_sh.at[pl.ds(va, tail)])

        def fire_gather(u, b):
            pltpu.async_copy(col_sh.at[idx_v.at[pl.ds(u * unit, unit)]],
                             dst[b].at[0], sem_g[b])

        def wait_gather(u, b):
            pltpu.make_async_copy(col_sh.at[idx_v.at[pl.ds(u * unit, unit)]],
                                  dst[b].at[0], sem_g[b]).wait()

        def fire_put(c, u, b):
            pltpu.async_copy(
                dst[b].reshape(SU, b_per_t),
                out_hbm.at[pl.ds(u * SU, SU), c // 8, c % 8, pl.ds(b0, b_per_t)],
                sem_p[b])

        def wait_put(b):
            pltpu.make_async_copy(
                dst[b].reshape(SU, b_per_t),
                out_hbm.at[pl.ds(0, SU), 0, 0, pl.ds(b0, b_per_t)],
                sem_p[b]).wait()

        stage(0)
        plsc.subcore_barrier()
        fire_gather(0, 0)

        def pair_step(i, carry):
            for jj in range(2):
                c = 2 * i + jj
                for u in range(n_u):
                    b = (jj * n_u + u) % 2
                    wait_gather(u, b)
                    fire_put(c, u, b)
                    if u < n_u - 1:
                        if jj == 0 and u == 0:
                            @pl.when(i > 0)
                            def _():
                                wait_put(1 - b)
                        else:
                            wait_put(1 - b)
                        fire_gather(u + 1, 1 - b)
                    else:
                        plsc.subcore_barrier()

                        @pl.when(c + 1 < D)
                        def _():
                            stage(c + 1)

                        plsc.subcore_barrier()

                        @pl.when(c + 1 < D)
                        def _():
                            wait_put(1 - b)
                            fire_gather(0, 1 - b)
            return carry

        lax.fori_loop(0, D // 2, pair_step, 0)
        wait_put(0)
        wait_put(1)

    return body(ids2, w_t, w_tail)


def kernel(input_ids, weight):
    ids_t = input_ids.T.astype(jnp.int32)
    w_t = weight.T
    S, B = ids_t.shape
    V = weight.shape[0]
    va = (V // 128) * 128
    nw = NC * NS
    bpt = B // nw
    ids2 = ids_t.reshape(S, nw, bpt).transpose(1, 0, 2).reshape(nw, S * bpt)
    w_tail = weight[va:, :].T.reshape(-1)
    out_p = _sc_embedding_lookup(ids2, w_t, w_tail)
    return out_p.reshape(S, -1, B).transpose(2, 0, 1)

# --- scband reference (transcript-rebuilt; emitter-appended) ---
"""Pipeline reference for scband-token-embedding-31293131718868 (READ-ONLY COPY).

The authoritative reference and input builder live on the scoring server;
editing this copy changes nothing except your own understanding.
"""

import jax, jax.numpy as jnp
import numpy as np

VOCAB_SIZE = 1000000
EMBED_DIM = 64
PAD_TOKEN_ID = 0


def setup_inputs(seed: int = 0) -> dict:
    key = jax.random.key(seed)
    k_ids, k_w = jax.random.split(key)
    input_ids = jax.random.randint(k_ids, (4096, 200), 0, VOCAB_SIZE, dtype=jnp.int64 if jax.config.read('jax_enable_x64') else jnp.int32)
    weight = jax.random.normal(k_w, (VOCAB_SIZE, EMBED_DIM), dtype=jnp.float32)
    # match torch init: zero out the padding row
    weight = weight.at[PAD_TOKEN_ID].set(0.0)
    return {"input_ids": input_ids, "weight": weight}


def reference(input_ids, weight):
    # nn.functional.embedding(input_ids, weight, padding_idx=pad_token_id)
    # forward is a plain row-gather; padding_idx only affects the backward pass
    return jnp.take(weight, input_ids, axis=0)

if __name__ == "__main__":
    import jax
    _d = setup_inputs()
    print(jax.jit(kernel)(*tuple(_d.values())))

</pallas_src>

<mosaic_0001>
#map = affine_map<(d0, d1) -> (0, 0)>
#map1 = affine_map<(d0, d1) -> (0)>
#map2 = affine_map<(d0, d1) -> (0, 0, 0, 0)>
module attributes {stable_mosaic.version = 14 : i64} {
  func.func @body(%arg0: i32, %arg1: i32, %arg2: memref<32x25600xi32, #tpu.memory_space<hbm>>, %arg3: memref<64x1000000xf32, #tpu.memory_space<hbm>>, %arg4: memref<4096xf32, #tpu.memory_space<hbm>>, %arg5: memref<200x8x8x4096xf32, #tpu.memory_space<hbm>>, %arg6: memref<1000000xf32, #tpu.memory_space<vmem_shared>>, %arg7: memref<25600xi32, #tpu.memory_space<vmem>>, %arg8: memref<7936xf32, #tpu.memory_space<vmem>>, %arg9: memref<1x5120xf32, #tpu.memory_space<vmem>>, %arg10: memref<1x5120xf32, #tpu.memory_space<vmem>>, %arg11: memref<!tpu.dma_semaphore, #tpu.memory_space<semaphore_mem>>, %arg12: memref<!tpu.dma_semaphore, #tpu.memory_space<semaphore_mem>>, %arg13: memref<!tpu.dma_semaphore, #tpu.memory_space<semaphore_mem>>, %arg14: memref<!tpu.dma_semaphore, #tpu.memory_space<semaphore_mem>>) attributes {dimension_semantics = [#tpu.dimension_semantics<core_parallel>, #tpu.dimension_semantics<subcore_parallel>], iteration_bounds = array<i64: 2, 16>, scalar_prefetch = 0 : i64, scratch_operands = 9 : i64, tpu.core_type = #tpu.core_type<sc_vector_subcore>, window_params = [{transform_indices = #map}, {transform_indices = #map}, {transform_indices = #map1}, {transform_indices = #map2}]} {
    %mul3A = arith.constant 16 : i32
    %mul3A_0 = arith.muli %arg0, %mul3A : i32
    %add3A = arith.addi %mul3A_0, %arg1 : i32
    %mul3A_1 = arith.constant 128 : i32
    %mul3A_2 = arith.muli %add3A, %mul3A_1 : i32
    "tpu.region"() ({
      %run_scoped3A = tpu.sem_alloc : memref<!tpu.dma_semaphore, #tpu.memory_space<semaphore_mem>>
      %dma_start3A_91 = arith.constant 0 : i32
      %dma_start3A_92 = tpu.memref_slice %arg2[%add3A, %dma_start3A_91] : memref<32x25600xi32, #tpu.memory_space<hbm>> -> memref<1x25600xi32, #tpu.memory_space<hbm>>
      %dma_start3A_93 = tpu.memref_squeeze %dma_start3A_92 : memref<1x25600xi32, #tpu.memory_space<hbm>> -> memref<25600xi32, #tpu.memory_space<hbm>>
      %dma_start3A_94 = arith.constant 0 : i32
      %dma_start3A_95 = tpu.memref_slice %arg2[%add3A, %dma_start3A_94] : memref<32x25600xi32, #tpu.memory_space<hbm>> -> memref<1x25600xi32, #tpu.memory_space<hbm>>
      %dma_start3A_96 = tpu.memref_squeeze %dma_start3A_95 : memref<1x25600xi32, #tpu.memory_space<hbm>> -> memref<25600xi32, #tpu.memory_space<hbm>>
      tpu.enqueue_dma source(%dma_start3A_96 : memref<25600xi32, #tpu.memory_space<hbm>>) target(%arg7 : memref<25600xi32, #tpu.memory_space<vmem>>) target_semaphore(%run_scoped3A : memref<!tpu.dma_semaphore, #tpu.memory_space<semaphore_mem>>)
      %dma_wait3A_97 = arith.constant 0 : i32
      %dma_wait3A_98 = tpu.memref_slice %arg2[%add3A, %dma_wait3A_97] : memref<32x25600xi32, #tpu.memory_space<hbm>> -> memref<1x25600xi32, #tpu.memory_space<hbm>>
      %dma_wait3A_99 = tpu.memref_squeeze %dma_wait3A_98 : memref<1x25600xi32, #tpu.memory_space<hbm>> -> memref<25600xi32, #tpu.memory_space<hbm>>
      %dma_wait3A_100 = arith.constant 0 : i32
      %dma_wait3A_101 = tpu.memref_slice %arg2[%add3A, %dma_wait3A_100] : memref<32x25600xi32, #tpu.memory_space<hbm>> -> memref<1x25600xi32, #tpu.memory_space<hbm>>
      %dma_wait3A_102 = tpu.memref_squeeze %dma_wait3A_101 : memref<1x25600xi32, #tpu.memory_space<hbm>> -> memref<25600xi32, #tpu.memory_space<hbm>>
      tpu.wait_dma2 semaphore(%run_scoped3A : memref<!tpu.dma_semaphore, #tpu.memory_space<semaphore_mem>>) src(%dma_wait3A_102 : memref<25600xi32, #tpu.memory_space<hbm>>) dst(%arg7 : memref<25600xi32, #tpu.memory_space<vmem>>)
      tpu.yield
    }) : () -> ()
    %add3A_3 = arith.constant 0 : i32
    %add3A_4 = arith.addi %arg1, %add3A_3 : i32
    %lt3A = arith.constant 126 : i32
    %lt3A_5 = arith.cmpi slt, %add3A_4, %lt3A : i32
    %convert_element_type3A = arith.extui %lt3A_5 : i1 to i32
    %cond3A = arith.constant 0 : i32
    %cond3A_6 = arith.cmpi ne, %convert_element_type3A, %cond3A : i32
    scf.if %cond3A_6 {
      %mul3A_91 = arith.constant 7936 : i32
      %mul3A_92 = arith.muli %add3A_4, %mul3A_91 : i32
      %run_scoped3A = arith.constant 0 : i32
      "tpu.region"() ({
        %run_scoped3A_95 = tpu.sem_alloc : memref<!tpu.dma_semaphore, #tpu.memory_space<semaphore_mem>>
        %dma_start3A_96 = tpu.memref_slice %arg3[%run_scoped3A, %mul3A_92] : memref<64x1000000xf32, #tpu.memory_space<hbm>> -> memref<1x7936xf32, #tpu.memory_space<hbm>>
        %dma_start3A_97 = tpu.memref_squeeze %dma_start3A_96 : memref<1x7936xf32, #tpu.memory_space<hbm>> -> memref<7936xf32, #tpu.memory_space<hbm>>
        %dma_start3A_98 = tpu.memref_slice %arg3[%run_scoped3A, %mul3A_92] : memref<64x1000000xf32, #tpu.memory_space<hbm>> -> memref<1x7936xf32, #tpu.memory_space<hbm>>
        %dma_start3A_99 = tpu.memref_squeeze %dma_start3A_98 : memref<1x7936xf32, #tpu.memory_space<hbm>> -> memref<7936xf32, #tpu.memory_space<hbm>>
        tpu.enqueue_dma source(%dma_start3A_99 : memref<7936xf32, #tpu.memory_space<hbm>>) target(%arg8 : memref<7936xf32, #tpu.memory_space<vmem>>) target_semaphore(%run_scoped3A_95 : memref<!tpu.dma_semaphore, #tpu.memory_space<semaphore_mem>>)
        %dma_wait3A_100 = tpu.memref_slice %arg3[%run_scoped3A, %mul3A_92] : memref<64x1000000xf32, #tpu.memory_space<hbm>> -> memref<1x7936xf32, #tpu.memory_space<hbm>>
        %dma_wait3A_101 = tpu.memref_squeeze %dma_wait3A_100 : memref<1x7936xf32, #tpu.memory_space<hbm>> -> memref<7936xf32, #tpu.memory_space<hbm>>
        %dma_wait3A_102 = tpu.memref_slice %arg3[%run_scoped3A, %mul3A_92] : memref<64x1000000xf32, #tpu.memory_space<hbm>> -> memref<1x7936xf32, #tpu.memory_space<hbm>>
        %dma_wait3A_103 = tpu.memref_squeeze %dma_wait3A_102 : memref<1x7936xf32, #tpu.memory_space<hbm>> -> memref<7936xf32, #tpu.memory_space<hbm>>
        tpu.wait_dma2 semaphore(%run_scoped3A_95 : memref<!tpu.dma_semaphore, #tpu.memory_space<semaphore_mem>>) src(%dma_wait3A_103 : memref<7936xf32, #tpu.memory_space<hbm>>) dst(%arg8 : memref<7936xf32, #tpu.memory_space<vmem>>)
        tpu.yield
      }) : () -> ()
      %mul3A_93 = arith.constant 7936 : i32
      %mul3A_94 = arith.muli %add3A_4, %mul3A_93 : i32
      "tpu.region"() ({
        %run_scoped3A_95 = tpu.sem_alloc : memref<!tpu.dma_semaphore, #tpu.memory_space<semaphore_mem>>
        %dma_start3A_96 = tpu.memref_slice %arg6[%mul3A_94] : memref<1000000xf32, #tpu.memory_space<vmem_shared>> -> memref<7936xf32, #tpu.memory_space<vmem_shared>>
        %dma_start3A_97 = tpu.memref_slice %arg6[%mul3A_94] : memref<1000000xf32, #tpu.memory_space<vmem_shared>> -> memref<7936xf32, #tpu.memory_space<vmem_shared>>
        tpu.enqueue_dma source(%arg8 : memref<7936xf32, #tpu.memory_space<vmem>>) target(%dma_start3A_97 : memref<7936xf32, #tpu.memory_space<vmem_shared>>) target_semaphore(%run_scoped3A_95 : memref<!tpu.dma_semaphore, #tpu.memory_space<semaphore_mem>>)
        %dma_wait3A_98 = tpu.memref_slice %arg6[%mul3A_94] : memref<1000000xf32, #tpu.memory_space<vmem_shared>> -> memref<7936xf32, #tpu.memory_space<vmem_shared>>
        %dma_wait3A_99 = tpu.memref_slice %arg6[%mul3A_94] : memref<1000000xf32, #tpu.memory_space<vmem_shared>> -> memref<7936xf32, #tpu.memory_space<vmem_shared>>
        tpu.wait_dma2 semaphore(%run_scoped3A_95 : memref<!tpu.dma_semaphore, #tpu.memory_space<semaphore_mem>>) src(%arg8 : memref<7936xf32, #tpu.memory_space<vmem>>) dst(%dma_wait3A_99 : memref<7936xf32, #tpu.memory_space<vmem_shared>>)
        tpu.yield
      }) : () -> ()
    } else {
    }
    %add3A_7 = arith.constant 16 : i32
    %add3A_8 = arith.addi %arg1, %add3A_7 : i32
    %lt3A_9 = arith.constant 126 : i32
    %lt3A_10 = arith.cmpi slt, %add3A_8, %lt3A_9 : i32
    %convert_element_type3A_11 = arith.extui %lt3A_10 : i1 to i32
    %cond3A_12 = arith.constant 0 : i32
    %cond3A_13 = arith.cmpi ne, %convert_element_type3A_11, %cond3A_12 : i32
    scf.if %cond3A_13 {
      %mul3A_91 = arith.constant 7936 : i32
      %mul3A_92 = arith.muli %add3A_8, %mul3A_91 : i32
      %run_scoped3A = arith.constant 0 : i32
      "tpu.region"() ({
        %run_scoped3A_95 = tpu.sem_alloc : memref<!tpu.dma_semaphore, #tpu.memory_space<semaphore_mem>>
        %dma_start3A_96 = tpu.memref_slice %arg3[%run_scoped3A, %mul3A_92] : memref<64x1000000xf32, #tpu.memory_space<hbm>> -> memref<1x7936xf32, #tpu.memory_space<hbm>>
        %dma_start3A_97 = tpu.memref_squeeze %dma_start3A_96 : memref<1x7936xf32, #tpu.memory_space<hbm>> -> memref<7936xf32, #tpu.memory_space<hbm>>
        %dma_start3A_98 = tpu.memref_slice %arg3[%run_scoped3A, %mul3A_92] : memref<64x1000000xf32, #tpu.memory_space<hbm>> -> memref<1x7936xf32, #tpu.memory_space<hbm>>
        %dma_start3A_99 = tpu.memref_squeeze %dma_start3A_98 : memref<1x7936xf32, #tpu.memory_space<hbm>> -> memref<7936xf32, #tpu.memory_space<hbm>>
        tpu.enqueue_dma source(%dma_start3A_99 : memref<7936xf32, #tpu.memory_space<hbm>>) target(%arg8 : memref<7936xf32, #tpu.memory_space<vmem>>) target_semaphore(%run_scoped3A_95 : memref<!tpu.dma_semaphore, #tpu.memory_space<semaphore_mem>>)
        %dma_wait3A_100 = tpu.memref_slice %arg3[%run_scoped3A, %mul3A_92] : memref<64x1000000xf32, #tpu.memory_space<hbm>> -> memref<1x7936xf32, #tpu.memory_space<hbm>>
        %dma_wait3A_101 = tpu.memref_squeeze %dma_wait3A_100 : memref<1x7936xf32, #tpu.memory_space<hbm>> -> memref<7936xf32, #tpu.memory_space<hbm>>
        %dma_wait3A_102 = tpu.memref_slice %arg3[%run_scoped3A, %mul3A_92] : memref<64x1000000xf32, #tpu.memory_space<hbm>> -> memref<1x7936xf32, #tpu.memory_space<hbm>>
        %dma_wait3A_103 = tpu.memref_squeeze %dma_wait3A_102 : memref<1x7936xf32, #tpu.memory_space<hbm>> -> memref<7936xf32, #tpu.memory_space<hbm>>
        tpu.wait_dma2 semaphore(%run_scoped3A_95 : memref<!tpu.dma_semaphore, #tpu.memory_space<semaphore_mem>>) src(%dma_wait3A_103 : memref<7936xf32, #tpu.memory_space<hbm>>) dst(%arg8 : memref<7936xf32, #tpu.memory_space<vmem>>)
        tpu.yield
      }) : () -> ()
      %mul3A_93 = arith.constant 7936 : i32
      %mul3A_94 = arith.muli %add3A_8, %mul3A_93 : i32
      "tpu.region"() ({
        %run_scoped3A_95 = tpu.sem_alloc : memref<!tpu.dma_semaphore, #tpu.memory_space<semaphore_mem>>
        %dma_start3A_96 = tpu.memref_slice %arg6[%mul3A_94] : memref<1000000xf32, #tpu.memory_space<vmem_shared>> -> memref<7936xf32, #tpu.memory_space<vmem_shared>>
        %dma_start3A_97 = tpu.memref_slice %arg6[%mul3A_94] : memref<1000000xf32, #tpu.memory_space<vmem_shared>> -> memref<7936xf32, #tpu.memory_space<vmem_shared>>
        tpu.enqueue_dma source(%arg8 : memref<7936xf32, #tpu.memory_space<vmem>>) target(%dma_start3A_97 : memref<7936xf32, #tpu.memory_space<vmem_shared>>) target_semaphore(%run_scoped3A_95 : memref<!tpu.dma_semaphore, #tpu.memory_space<semaphore_mem>>)
        %dma_wait3A_98 = tpu.memref_slice %arg6[%mul3A_94] : memref<1000000xf32, #tpu.memory_space<vmem_shared>> -> memref<7936xf32, #tpu.memory_space<vmem_shared>>
        %dma_wait3A_99 = tpu.memref_slice %arg6[%mul3A_94] : memref<1000000xf32, #tpu.memory_space<vmem_shared>> -> memref<7936xf32, #tpu.memory_space<vmem_shared>>
        tpu.wait_dma2 semaphore(%run_scoped3A_95 : memref<!tpu.dma_semaphore, #tpu.memory_space<semaphore_mem>>) src(%arg8 : memref<7936xf32, #tpu.memory_space<vmem>>) dst(%dma_wait3A_99 : memref<7936xf32, #tpu.memory_space<vmem_shared>>)
        tpu.yield
      }) : () -> ()
    } else {
    }
    %add3A_14 = arith.constant 32 : i32
    %add3A_15 = arith.addi %arg1, %add3A_14 : i32
    %lt3A_16 = arith.constant 126 : i32
    %lt3A_17 = arith.cmpi slt, %add3A_15, %lt3A_16 : i32
    %convert_element_type3A_18 = arith.extui %lt3A_17 : i1 to i32
    %cond3A_19 = arith.constant 0 : i32
    %cond3A_20 = arith.cmpi ne, %convert_element_type3A_18, %cond3A_19 : i32
    scf.if %cond3A_20 {
      %mul3A_91 = arith.constant 7936 : i32
      %mul3A_92 = arith.muli %add3A_15, %mul3A_91 : i32
      %run_scoped3A = arith.constant 0 : i32
      "tpu.region"() ({
        %run_scoped3A_95 = tpu.sem_alloc : memref<!tpu.dma_semaphore, #tpu.memory_space<semaphore_mem>>
        %dma_start3A_96 = tpu.memref_slice %arg3[%run_scoped3A, %mul3A_92] : memref<64x1000000xf32, #tpu.memory_space<hbm>> -> memref<1x7936xf32, #tpu.memory_space<hbm>>
        %dma_start3A_97 = tpu.memref_squeeze %dma_start3A_96 : memref<1x7936xf32, #tpu.memory_space<hbm>> -> memref<7936xf32, #tpu.memory_space<hbm>>
        %dma_start3A_98 = tpu.memref_slice %arg3[%run_scoped3A, %mul3A_92] : memref<64x1000000xf32, #tpu.memory_space<hbm>> -> memref<1x7936xf32, #tpu.memory_space<hbm>>
        %dma_start3A_99 = tpu.memref_squeeze %dma_start3A_98 : memref<1x7936xf32, #tpu.memory_space<hbm>> -> memref<7936xf32, #tpu.memory_space<hbm>>
        tpu.enqueue_dma source(%dma_start3A_99 : memref<7936xf32, #tpu.memory_space<hbm>>) target(%arg8 : memref<7936xf32, #tpu.memory_space<vmem>>) target_semaphore(%run_scoped3A_95 : memref<!tpu.dma_semaphore, #tpu.memory_space<semaphore_mem>>)
        %dma_wait3A_100 = tpu.memref_slice %arg3[%run_scoped3A, %mul3A_92] : memref<64x1000000xf32, #tpu.memory_space<hbm>> -> memref<1x7936xf32, #tpu.memory_space<hbm>>
        %dma_wait3A_101 = tpu.memref_squeeze %dma_wait3A_100 : memref<1x7936xf32, #tpu.memory_space<hbm>> -> memref<7936xf32, #tpu.memory_space<hbm>>
        %dma_wait3A_102 = tpu.memref_slice %arg3[%run_scoped3A, %mul3A_92] : memref<64x1000000xf32, #tpu.memory_space<hbm>> -> memref<1x7936xf32, #tpu.memory_space<hbm>>
        %dma_wait3A_103 = tpu.memref_squeeze %dma_wait3A_102 : memref<1x7936xf32, #tpu.memory_space<hbm>> -> memref<7936xf32, #tpu.memory_space<hbm>>
        tpu.wait_dma2 semaphore(%run_scoped3A_95 : memref<!tpu.dma_semaphore, #tpu.memory_space<semaphore_mem>>) src(%dma_wait3A_103 : memref<7936xf32, #tpu.memory_space<hbm>>) dst(%arg8 : memref<7936xf32, #tpu.memory_space<vmem>>)
        tpu.yield
      }) : () -> ()
      %mul3A_93 = arith.constant 7936 : i32
      %mul3A_94 = arith.muli %add3A_15, %mul3A_93 : i32
      "tpu.region"() ({
        %run_scoped3A_95 = tpu.sem_alloc : memref<!tpu.dma_semaphore, #tpu.memory_space<semaphore_mem>>
        %dma_start3A_96 = tpu.memref_slice %arg6[%mul3A_94] : memref<1000000xf32, #tpu.memory_space<vmem_shared>> -> memref<7936xf32, #tpu.memory_space<vmem_shared>>
        %dma_start3A_97 = tpu.memref_slice %arg6[%mul3A_94] : memref<1000000xf32, #tpu.memory_space<vmem_shared>> -> memref<7936xf32, #tpu.memory_space<vmem_shared>>
        tpu.enqueue_dma source(%arg8 : memref<7936xf32, #tpu.memory_space<vmem>>) target(%dma_start3A_97 : memref<7936xf32, #tpu.memory_space<vmem_shared>>) target_semaphore(%run_scoped3A_95 : memref<!tpu.dma_semaphore, #tpu.memory_space<semaphore_mem>>)
        %dma_wait3A_98 = tpu.memref_slice %arg6[%mul3A_94] : memref<1000000xf32, #tpu.memory_space<vmem_shared>> -> memref<7936xf32, #tpu.memory_space<vmem_shared>>
        %dma_wait3A_99 = tpu.memref_slice %arg6[%mul3A_94] : memref<1000000xf32, #tpu.memory_space<vmem_shared>> -> memref<7936xf32, #tpu.memory_space<vmem_shared>>
        tpu.wait_dma2 semaphore(%run_scoped3A_95 : memref<!tpu.dma_semaphore, #tpu.memory_space<semaphore_mem>>) src(%arg8 : memref<7936xf32, #tpu.memory_space<vmem>>) dst(%dma_wait3A_99 : memref<7936xf32, #tpu.memory_space<vmem_shared>>)
        tpu.yield
      }) : () -> ()
    } else {
    }
    %add3A_21 = arith.constant 48 : i32
    %add3A_22 = arith.addi %arg1, %add3A_21 : i32
    %lt3A_23 = arith.constant 126 : i32
    %lt3A_24 = arith.cmpi slt, %add3A_22, %lt3A_23 : i32
    %convert_element_type3A_25 = arith.extui %lt3A_24 : i1 to i32
    %cond3A_26 = arith.constant 0 : i32
    %cond3A_27 = arith.cmpi ne, %convert_element_type3A_25, %cond3A_26 : i32
    scf.if %cond3A_27 {
      %mul3A_91 = arith.constant 7936 : i32
      %mul3A_92 = arith.muli %add3A_22, %mul3A_91 : i32
      %run_scoped3A = arith.constant 0 : i32
      "tpu.region"() ({
        %run_scoped3A_95 = tpu.sem_alloc : memref<!tpu.dma_semaphore, #tpu.memory_space<semaphore_mem>>
        %dma_start3A_96 = tpu.memref_slice %arg3[%run_scoped3A, %mul3A_92] : memref<64x1000000xf32, #tpu.memory_space<hbm>> -> memref<1x7936xf32, #tpu.memory_space<hbm>>
        %dma_start3A_97 = tpu.memref_squeeze %dma_start3A_96 : memref<1x7936xf32, #tpu.memory_space<hbm>> -> memref<7936xf32, #tpu.memory_space<hbm>>
        %dma_start3A_98 = tpu.memref_slice %arg3[%run_scoped3A, %mul3A_92] : memref<64x1000000xf32, #tpu.memory_space<hbm>> -> memref<1x7936xf32, #tpu.memory_space<hbm>>
        %dma_start3A_99 = tpu.memref_squeeze %dma_start3A_98 : memref<1x7936xf32, #tpu.memory_space<hbm>> -> memref<7936xf32, #tpu.memory_space<hbm>>
        tpu.enqueue_dma source(%dma_start3A_99 : memref<7936xf32, #tpu.memory_space<hbm>>) target(%arg8 : memref<7936xf32, #tpu.memory_space<vmem>>) target_semaphore(%run_scoped3A_95 : memref<!tpu.dma_semaphore, #tpu.memory_space<semaphore_mem>>)
        %dma_wait3A_100 = tpu.memref_slice %arg3[%run_scoped3A, %mul3A_92] : memref<64x1000000xf32, #tpu.memory_space<hbm>> -> memref<1x7936xf32, #tpu.memory_space<hbm>>
        %dma_wait3A_101 = tpu.memref_squeeze %dma_wait3A_100 : memref<1x7936xf32, #tpu.memory_space<hbm>> -> memref<7936xf32, #tpu.memory_space<hbm>>
        %dma_wait3A_102 = tpu.memref_slice %arg3[%run_scoped3A, %mul3A_92] : memref<64x1000000xf32, #tpu.memory_space<hbm>> -> memref<1x7936xf32, #tpu.memory_space<hbm>>
        %dma_wait3A_103 = tpu.memref_squeeze %dma_wait3A_102 : memref<1x7936xf32, #tpu.memory_space<hbm>> -> memref<7936xf32, #tpu.memory_space<hbm>>
        tpu.wait_dma2 semaphore(%run_scoped3A_95 : memref<!tpu.dma_semaphore, #tpu.memory_space<semaphore_mem>>) src(%dma_wait3A_103 : memref<7936xf32, #tpu.memory_space<hbm>>) dst(%arg8 : memref<7936xf32, #tpu.memory_space<vmem>>)
        tpu.yield
      }) : () -> ()
      %mul3A_93 = arith.constant 7936 : i32
      %mul3A_94 = arith.muli %add3A_22, %mul3A_93 : i32
      "tpu.region"() ({
        %run_scoped3A_95 = tpu.sem_alloc : memref<!tpu.dma_semaphore, #tpu.memory_space<semaphore_mem>>
        %dma_start3A_96 = tpu.memref_slice %arg6[%mul3A_94] : memref<1000000xf32, #tpu.memory_space<vmem_shared>> -> memref<7936xf32, #tpu.memory_space<vmem_shared>>
        %dma_start3A_97 = tpu.memref_slice %arg6[%mul3A_94] : memref<1000000xf32, #tpu.memory_space<vmem_shared>> -> memref<7936xf32, #tpu.memory_space<vmem_shared>>
        tpu.enqueue_dma source(%arg8 : memref<7936xf32, #tpu.memory_space<vmem>>) target(%dma_start3A_97 : memref<7936xf32, #tpu.memory_space<vmem_shared>>) target_semaphore(%run_scoped3A_95 : memref<!tpu.dma_semaphore, #tpu.memory_space<semaphore_mem>>)
        %dma_wait3A_98 = tpu.memref_slice %arg6[%mul3A_94] : memref<1000000xf32, #tpu.memory_space<vmem_shared>> -> memref<7936xf32, #tpu.memory_space<vmem_shared>>
        %dma_wait3A_99 = tpu.memref_slice %arg6[%mul3A_94] : memref<1000000xf32, #tpu.memory_space<vmem_shared>> -> memref<7936xf32, #tpu.memory_space<vmem_shared>>
        tpu.wait_dma2 semaphore(%run_scoped3A_95 : memref<!tpu.dma_semaphore, #tpu.memory_space<semaphore_mem>>) src(%arg8 : memref<7936xf32, #tpu.memory_space<vmem>>) dst(%dma_wait3A_99 : memref<7936xf32, #tpu.memory_space<vmem_shared>>)
        tpu.yield
      }) : () -> ()
    } else {
    }
    %add3A_28 = arith.constant 64 : i32
    %add3A_29 = arith.addi %arg1, %add3A_28 : i32
    %lt3A_30 = arith.constant 126 : i32
    %lt3A_31 = arith.cmpi slt, %add3A_29, %lt3A_30 : i32
    %convert_element_type3A_32 = arith.extui %lt3A_31 : i1 to i32
    %cond3A_33 = arith.constant 0 : i32
    %cond3A_34 = arith.cmpi ne, %convert_element_type3A_32, %cond3A_33 : i32
    scf.if %cond3A_34 {
      %mul3A_91 = arith.constant 7936 : i32
      %mul3A_92 = arith.muli %add3A_29, %mul3A_91 : i32
      %run_scoped3A = arith.constant 0 : i32
      "tpu.region"() ({
        %run_scoped3A_95 = tpu.sem_alloc : memref<!tpu.dma_semaphore, #tpu.memory_space<semaphore_mem>>
        %dma_start3A_96 = tpu.memref_slice %arg3[%run_scoped3A, %mul3A_92] : memref<64x1000000xf32, #tpu.memory_space<hbm>> -> memref<1x7936xf32, #tpu.memory_space<hbm>>
        %dma_start3A_97 = tpu.memref_squeeze %dma_start3A_96 : memref<1x7936xf32, #tpu.memory_space<hbm>> -> memref<7936xf32, #tpu.memory_space<hbm>>
        %dma_start3A_98 = tpu.memref_slice %arg3[%run_scoped3A, %mul3A_92] : memref<64x1000000xf32, #tpu.memory_space<hbm>> -> memref<1x7936xf32, #tpu.memory_space<hbm>>
        %dma_start3A_99 = tpu.memref_squeeze %dma_start3A_98 : memref<1x7936xf32, #tpu.memory_space<hbm>> -> memref<7936xf32, #tpu.memory_space<hbm>>
        tpu.enqueue_dma source(%dma_start3A_99 : memref<7936xf32, #tpu.memory_space<hbm>>) target(%arg8 : memref<7936xf32, #tpu.memory_space<vmem>>) target_semaphore(%run_scoped3A_95 : memref<!tpu.dma_semaphore, #tpu.memory_space<semaphore_mem>>)
        %dma_wait3A_100 = tpu.memref_slice %arg3[%run_scoped3A, %mul3A_92] : memref<64x1000000xf32, #tpu.memory_space<hbm>> -> memref<1x7936xf32, #tpu.memory_space<hbm>>
        %dma_wait3A_101 = tpu.memref_squeeze %dma_wait3A_100 : memref<1x7936xf32, #tpu.memory_space<hbm>> -> memref<7936xf32, #tpu.memory_space<hbm>>
        %dma_wait3A_102 = tpu.memref_slice %arg3[%run_scoped3A, %mul3A_92] : memref<64x1000000xf32, #tpu.memory_space<hbm>> -> memref<1x7936xf32, #tpu.memory_space<hbm>>
        %dma_wait3A_103 = tpu.memref_squeeze %dma_wait3A_102 : memref<1x7936xf32, #tpu.memory_space<hbm>> -> memref<7936xf32, #tpu.memory_space<hbm>>
        tpu.wait_dma2 semaphore(%run_scoped3A_95 : memref<!tpu.dma_semaphore, #tpu.memory_space<semaphore_mem>>) src(%dma_wait3A_103 : memref<7936xf32, #tpu.memory_space<hbm>>) dst(%arg8 : memref<7936xf32, #tpu.memory_space<vmem>>)
        tpu.yield
      }) : () -> ()
      %mul3A_93 = arith.constant 7936 : i32
      %mul3A_94 = arith.muli %add3A_29, %mul3A_93 : i32
      "tpu.region"() ({
        %run_scoped3A_95 = tpu.sem_alloc : memref<!tpu.dma_semaphore, #tpu.memory_space<semaphore_mem>>
        %dma_start3A_96 = tpu.memref_slice %arg6[%mul3A_94] : memref<1000000xf32, #tpu.memory_space<vmem_shared>> -> memref<7936xf32, #tpu.memory_space<vmem_shared>>
        %dma_start3A_97 = tpu.memref_slice %arg6[%mul3A_94] : memref<1000000xf32, #tpu.memory_space<vmem_shared>> -> memref<7936xf32, #tpu.memory_space<vmem_shared>>
        tpu.enqueue_dma source(%arg8 : memref<7936xf32, #tpu.memory_space<vmem>>) target(%dma_start3A_97 : memref<7936xf32, #tpu.memory_space<vmem_shared>>) target_semaphore(%run_scoped3A_95 : memref<!tpu.dma_semaphore, #tpu.memory_space<semaphore_mem>>)
        %dma_wait3A_98 = tpu.memref_slice %arg6[%mul3A_94] : memref<1000000xf32, #tpu.memory_space<vmem_shared>> -> memref<7936xf32, #tpu.memory_space<vmem_shared>>
        %dma_wait3A_99 = tpu.memref_slice %arg6[%mul3A_94] : memref<1000000xf32, #tpu.memory_space<vmem_shared>> -> memref<7936xf32, #tpu.memory_space<vmem_shared>>
        tpu.wait_dma2 semaphore(%run_scoped3A_95 : memref<!tpu.dma_semaphore, #tpu.memory_space<semaphore_mem>>) src(%arg8 : memref<7936xf32, #tpu.memory_space<vmem>>) dst(%dma_wait3A_99 : memref<7936xf32, #tpu.memory_space<vmem_shared>>)
        tpu.yield
      }) : () -> ()
    } else {
    }
    %add3A_35 = arith.constant 80 : i32
    %add3A_36 = arith.addi %arg1, %add3A_35 : i32
    %lt3A_37 = arith.constant 126 : i32
    %lt3A_38 = arith.cmpi slt, %add3A_36, %lt3A_37 : i32
    %convert_element_type3A_39 = arith.extui %lt3A_38 : i1 to i32
    %cond3A_40 = arith.constant 0 : i32
    %cond3A_41 = arith.cmpi ne, %convert_element_type3A_39, %cond3A_40 : i32
    scf.if %cond3A_41 {
      %mul3A_91 = arith.constant 7936 : i32
      %mul3A_92 = arith.muli %add3A_36, %mul3A_91 : i32
      %run_scoped3A = arith.constant 0 : i32
      "tpu.region"() ({
        %run_scoped3A_95 = tpu.sem_alloc : memref<!tpu.dma_semaphore, #tpu.memory_space<semaphore_mem>>
        %dma_start3A_96 = tpu.memref_slice %arg3[%run_scoped3A, %mul3A_92] : memref<64x1000000xf32, #tpu.memory_space<hbm>> -> memref<1x7936xf32, #tpu.memory_space<hbm>>
        %dma_start3A_97 = tpu.memref_squeeze %dma_start3A_96 : memref<1x7936xf32, #tpu.memory_space<hbm>> -> memref<7936xf32, #tpu.memory_space<hbm>>
        %dma_start3A_98 = tpu.memref_slice %arg3[%run_scoped3A, %mul3A_92] : memref<64x1000000xf32, #tpu.memory_space<hbm>> -> memref<1x7936xf32, #tpu.memory_space<hbm>>
        %dma_start3A_99 = tpu.memref_squeeze %dma_start3A_98 : memref<1x7936xf32, #tpu.memory_space<hbm>> -> memref<7936xf32, #tpu.memory_space<hbm>>
        tpu.enqueue_dma source(%dma_start3A_99 : memref<7936xf32, #tpu.memory_space<hbm>>) target(%arg8 : memref<7936xf32, #tpu.memory_space<vmem>>) target_semaphore(%run_scoped3A_95 : memref<!tpu.dma_semaphore, #tpu.memory_space<semaphore_mem>>)
        %dma_wait3A_100 = tpu.memref_slice %arg3[%run_scoped3A, %mul3A_92] : memref<64x1000000xf32, #tpu.memory_space<hbm>> -> memref<1x7936xf32, #tpu.memory_space<hbm>>
        %dma_wait3A_101 = tpu.memref_squeeze %dma_wait3A_100 : memref<1x7936xf32, #tpu.memory_space<hbm>> -> memref<7936xf32, #tpu.memory_space<hbm>>
        %dma_wait3A_102 = tpu.memref_slice %arg3[%run_scoped3A, %mul3A_92] : memref<64x1000000xf32, #tpu.memory_space<hbm>> -> memref<1x7936xf32, #tpu.memory_space<hbm>>
        %dma_wait3A_103 = tpu.memref_squeeze %dma_wait3A_102 : memref<1x7936xf32, #tpu.memory_space<hbm>> -> memref<7936xf32, #tpu.memory_space<hbm>>
        tpu.wait_dma2 semaphore(%run_scoped3A_95 : memref<!tpu.dma_semaphore, #tpu.memory_space<semaphore_mem>>) src(%dma_wait3A_103 : memref<7936xf32, #tpu.memory_space<hbm>>) dst(%arg8 : memref<7936xf32, #tpu.memory_space<vmem>>)
        tpu.yield
      }) : () -> ()
      %mul3A_93 = arith.constant 7936 : i32
      %mul3A_94 = arith.muli %add3A_36, %mul3A_93 : i32
      "tpu.region"() ({
        %run_scoped3A_95 = tpu.sem_alloc : memref<!tpu.dma_semaphore, #tpu.memory_space<semaphore_mem>>
        %dma_start3A_96 = tpu.memref_slice %arg6[%mul3A_94] : memref<1000000xf32, #tpu.memory_space<vmem_shared>> -> memref<7936xf32, #tpu.memory_space<vmem_shared>>
        %dma_start3A_97 = tpu.memref_slice %arg6[%mul3A_94] : memref<1000000xf32, #tpu.memory_space<vmem_shared>> -> memref<7936xf32, #tpu.memory_space<vmem_shared>>
        tpu.enqueue_dma source(%arg8 : memref<7936xf32, #tpu.memory_space<vmem>>) target(%dma_start3A_97 : memref<7936xf32, #tpu.memory_space<vmem_shared>>) target_semaphore(%run_scoped3A_95 : memref<!tpu.dma_semaphore, #tpu.memory_space<semaphore_mem>>)
        %dma_wait3A_98 = tpu.memref_slice %arg6[%mul3A_94] : memref<1000000xf32, #tpu.memory_space<vmem_shared>> -> memref<7936xf32, #tpu.memory_space<vmem_shared>>
        %dma_wait3A_99 = tpu.memref_slice %arg6[%mul3A_94] : memref<1000000xf32, #tpu.memory_space<vmem_shared>> -> memref<7936xf32, #tpu.memory_space<vmem_shared>>
        tpu.wait_dma2 semaphore(%run_scoped3A_95 : memref<!tpu.dma_semaphore, #tpu.memory_space<semaphore_mem>>) src(%arg8 : memref<7936xf32, #tpu.memory_space<vmem>>) dst(%dma_wait3A_99 : memref<7936xf32, #tpu.memory_space<vmem_shared>>)
        tpu.yield
      }) : () -> ()
    } else {
    }
    %add3A_42 = arith.constant 96 : i32
    %add3A_43 = arith.addi %arg1, %add3A_42 : i32
    %lt3A_44 = arith.constant 126 : i32
    %lt3A_45 = arith.cmpi slt, %add3A_43, %lt3A_44 : i32
    %convert_element_type3A_46 = arith.extui %lt3A_45 : i1 to i32
    %cond3A_47 = arith.constant 0 : i32
    %cond3A_48 = arith.cmpi ne, %convert_element_type3A_46, %cond3A_47 : i32
    scf.if %cond3A_48 {
      %mul3A_91 = arith.constant 7936 : i32
      %mul3A_92 = arith.muli %add3A_43, %mul3A_91 : i32
      %run_scoped3A = arith.constant 0 : i32
      "tpu.region"() ({
        %run_scoped3A_95 = tpu.sem_alloc : memref<!tpu.dma_semaphore, #tpu.memory_space<semaphore_mem>>
        %dma_start3A_96 = tpu.memref_slice %arg3[%run_scoped3A, %mul3A_92] : memref<64x1000000xf32, #tpu.memory_space<hbm>> -> memref<1x7936xf32, #tpu.memory_space<hbm>>
        %dma_start3A_97 = tpu.memref_squeeze %dma_start3A_96 : memref<1x7936xf32, #tpu.memory_space<hbm>> -> memref<7936xf32, #tpu.memory_space<hbm>>
        %dma_start3A_98 = tpu.memref_slice %arg3[%run_scoped3A, %mul3A_92] : memref<64x1000000xf32, #tpu.memory_space<hbm>> -> memref<1x7936xf32, #tpu.memory_space<hbm>>
        %dma_start3A_99 = tpu.memref_squeeze %dma_start3A_98 : memref<1x7936xf32, #tpu.memory_space<hbm>> -> memref<7936xf32, #tpu.memory_space<hbm>>
        tpu.enqueue_dma source(%dma_start3A_99 : memref<7936xf32, #tpu.memory_space<hbm>>) target(%arg8 : memref<7936xf32, #tpu.memory_space<vmem>>) target_semaphore(%run_scoped3A_95 : memref<!tpu.dma_semaphore, #tpu.memory_space<semaphore_mem>>)
        %dma_wait3A_100 = tpu.memref_slice %arg3[%run_scoped3A, %mul3A_92] : memref<64x1000000xf32, #tpu.memory_space<hbm>> -> memref<1x7936xf32, #tpu.memory_space<hbm>>
        %dma_wait3A_101 = tpu.memref_squeeze %dma_wait3A_100 : memref<1x7936xf32, #tpu.memory_space<hbm>> -> memref<7936xf32, #tpu.memory_space<hbm>>
        %dma_wait3A_102 = tpu.memref_slice %arg3[%run_scoped3A, %mul3A_92] : memref<64x1000000xf32, #tpu.memory_space<hbm>> -> memref<1x7936xf32, #tpu.memory_space<hbm>>
        %dma_wait3A_103 = tpu.memref_squeeze %dma_wait3A_102 : memref<1x7936xf32, #tpu.memory_space<hbm>> -> memref<7936xf32, #tpu.memory_space<hbm>>
        tpu.wait_dma2 semaphore(%run_scoped3A_95 : memref<!tpu.dma_semaphore, #tpu.memory_space<semaphore_mem>>) src(%dma_wait3A_103 : memref<7936xf32, #tpu.memory_space<hbm>>) dst(%arg8 : memref<7936xf32, #tpu.memory_space<vmem>>)
        tpu.yield
      }) : () -> ()
      %mul3A_93 = arith.constant 7936 : i32
      %mul3A_94 = arith.muli %add3A_43, %mul3A_93 : i32
      "tpu.region"() ({
        %run_scoped3A_95 = tpu.sem_alloc : memref<!tpu.dma_semaphore, #tpu.memory_space<semaphore_mem>>
        %dma_start3A_96 = tpu.memref_slice %arg6[%mul3A_94] : memref<1000000xf32, #tpu.memory_space<vmem_shared>> -> memref<7936xf32, #tpu.memory_space<vmem_shared>>
        %dma_start3A_97 = tpu.memref_slice %arg6[%mul3A_94] : memref<1000000xf32, #tpu.memory_space<vmem_shared>> -> memref<7936xf32, #tpu.memory_space<vmem_shared>>
        tpu.enqueue_dma source(%arg8 : memref<7936xf32, #tpu.memory_space<vmem>>) target(%dma_start3A_97 : memref<7936xf32, #tpu.memory_space<vmem_shared>>) target_semaphore(%run_scoped3A_95 : memref<!tpu.dma_semaphore, #tpu.memory_space<semaphore_mem>>)
        %dma_wait3A_98 = tpu.memref_slice %arg6[%mul3A_94] : memref<1000000xf32, #tpu.memory_space<vmem_shared>> -> memref<7936xf32, #tpu.memory_space<vmem_shared>>
        %dma_wait3A_99 = tpu.memref_slice %arg6[%mul3A_94] : memref<1000000xf32, #tpu.memory_space<vmem_shared>> -> memref<7936xf32, #tpu.memory_space<vmem_shared>>
        tpu.wait_dma2 semaphore(%run_scoped3A_95 : memref<!tpu.dma_semaphore, #tpu.memory_space<semaphore_mem>>) src(%arg8 : memref<7936xf32, #tpu.memory_space<vmem>>) dst(%dma_wait3A_99 : memref<7936xf32, #tpu.memory_space<vmem_shared>>)
        tpu.yield
      }) : () -> ()
    } else {
    }
    %add3A_49 = arith.constant 112 : i32
    %add3A_50 = arith.addi %arg1, %add3A_49 : i32
    %lt3A_51 = arith.constant 126 : i32
    %lt3A_52 = arith.cmpi slt, %add3A_50, %lt3A_51 : i32
    %convert_element_type3A_53 = arith.extui %lt3A_52 : i1 to i32
    %cond3A_54 = arith.constant 0 : i32
    %cond3A_55 = arith.cmpi ne, %convert_element_type3A_53, %cond3A_54 : i32
    scf.if %cond3A_55 {
      %mul3A_91 = arith.constant 7936 : i32
      %mul3A_92 = arith.muli %add3A_50, %mul3A_91 : i32
      %run_scoped3A = arith.constant 0 : i32
      "tpu.region"() ({
        %run_scoped3A_95 = tpu.sem_alloc : memref<!tpu.dma_semaphore, #tpu.memory_space<semaphore_mem>>
        %dma_start3A_96 = tpu.memref_slice %arg3[%run_scoped3A, %mul3A_92] : memref<64x1000000xf32, #tpu.memory_space<hbm>> -> memref<1x7936xf32, #tpu.memory_space<hbm>>
        %dma_start3A_97 = tpu.memref_squeeze %dma_start3A_96 : memref<1x7936xf32, #tpu.memory_space<hbm>> -> memref<7936xf32, #tpu.memory_space<hbm>>
        %dma_start3A_98 = tpu.memref_slice %arg3[%run_scoped3A, %mul3A_92] : memref<64x1000000xf32, #tpu.memory_space<hbm>> -> memref<1x7936xf32, #tpu.memory_space<hbm>>
        %dma_start3A_99 = tpu.memref_squeeze %dma_start3A_98 : memref<1x7936xf32, #tpu.memory_space<hbm>> -> memref<7936xf32, #tpu.memory_space<hbm>>
        tpu.enqueue_dma source(%dma_start3A_99 : memref<7936xf32, #tpu.memory_space<hbm>>) target(%arg8 : memref<7936xf32, #tpu.memory_space<vmem>>) target_semaphore(%run_scoped3A_95 : memref<!tpu.dma_semaphore, #tpu.memory_space<semaphore_mem>>)
        %dma_wait3A_100 = tpu.memref_slice %arg3[%run_scoped3A, %mul3A_92] : memref<64x1000000xf32, #tpu.memory_space<hbm>> -> memref<1x7936xf32, #tpu.memory_space<hbm>>
        %dma_wait3A_101 = tpu.memref_squeeze %dma_wait3A_100 : memref<1x7936xf32, #tpu.memory_space<hbm>> -> memref<7936xf32, #tpu.memory_space<hbm>>
        %dma_wait3A_102 = tpu.memref_slice %arg3[%run_scoped3A, %mul3A_92] : memref<64x1000000xf32, #tpu.memory_space<hbm>> -> memref<1x7936xf32, #tpu.memory_space<hbm>>
        %dma_wait3A_103 = tpu.memref_squeeze %dma_wait3A_102 : memref<1x7936xf32, #tpu.memory_space<hbm>> -> memref<7936xf32, #tpu.memory_space<hbm>>
        tpu.wait_dma2 semaphore(%run_scoped3A_95 : memref<!tpu.dma_semaphore, #tpu.memory_space<semaphore_mem>>) src(%dma_wait3A_103 : memref<7936xf32, #tpu.memory_space<hbm>>) dst(%arg8 : memref<7936xf32, #tpu.memory_space<vmem>>)
        tpu.yield
      }) : () -> ()
      %mul3A_93 = arith.constant 7936 : i32
      %mul3A_94 = arith.muli %add3A_50, %mul3A_93 : i32
      "tpu.region"() ({
        %run_scoped3A_95 = tpu.sem_alloc : memref<!tpu.dma_semaphore, #tpu.memory_space<semaphore_mem>>
        %dma_start3A_96 = tpu.memref_slice %arg6[%mul3A_94] : memref<1000000xf32, #tpu.memory_space<vmem_shared>> -> memref<7936xf32, #tpu.memory_space<vmem_shared>>
        %dma_start3A_97 = tpu.memref_slice %arg6[%mul3A_94] : memref<1000000xf32, #tpu.memory_space<vmem_shared>> -> memref<7936xf32, #tpu.memory_space<vmem_shared>>
        tpu.enqueue_dma source(%arg8 : memref<7936xf32, #tpu.memory_space<vmem>>) target(%dma_start3A_97 : memref<7936xf32, #tpu.memory_space<vmem_shared>>) target_semaphore(%run_scoped3A_95 : memref<!tpu.dma_semaphore, #tpu.memory_space<semaphore_mem>>)
        %dma_wait3A_98 = tpu.memref_slice %arg6[%mul3A_94] : memref<1000000xf32, #tpu.memory_space<vmem_shared>> -> memref<7936xf32, #tpu.memory_space<vmem_shared>>
        %dma_wait3A_99 = tpu.memref_slice %arg6[%mul3A_94] : memref<1000000xf32, #tpu.memory_space<vmem_shared>> -> memref<7936xf32, #tpu.memory_space<vmem_shared>>
        tpu.wait_dma2 semaphore(%run_scoped3A_95 : memref<!tpu.dma_semaphore, #tpu.memory_space<semaphore_mem>>) src(%arg8 : memref<7936xf32, #tpu.memory_space<vmem>>) dst(%dma_wait3A_99 : memref<7936xf32, #tpu.memory_space<vmem_shared>>)
        tpu.yield
      }) : () -> ()
    } else {
    }
    %eq3A = arith.constant 0 : i32
    %eq3A_56 = arith.cmpi eq, %arg1, %eq3A : i32
    %convert_element_type3A_57 = arith.extui %eq3A_56 : i1 to i32
    %cond3A_58 = arith.constant 0 : i32
    %cond3A_59 = arith.cmpi ne, %convert_element_type3A_57, %cond3A_58 : i32
    scf.if %cond3A_59 {
      "tpu.region"() ({
        %run_scoped3A = tpu.sem_alloc : memref<!tpu.dma_semaphore, #tpu.memory_space<semaphore_mem>>
        %dma_start3A_91 = arith.constant 0 : i32
        %dma_start3A_92 = tpu.memref_slice %arg8[%dma_start3A_91] : memref<7936xf32, #tpu.memory_space<vmem>> -> memref<64xf32, #tpu.memory_space<vmem>>
        %dma_start3A_93 = arith.constant 0 : i32
        %dma_start3A_94 = tpu.memref_slice %arg4[%dma_start3A_93] : memref<4096xf32, #tpu.memory_space<hbm>> -> memref<64xf32, #tpu.memory_space<hbm>>
        %dma_start3A_95 = arith.constant 0 : i32
        %dma_start3A_96 = tpu.memref_slice %arg8[%dma_start3A_95] : memref<7936xf32, #tpu.memory_space<vmem>> -> memref<64xf32, #tpu.memory_space<vmem>>
        %dma_start3A_97 = arith.constant 0 : i32
        %dma_start3A_98 = tpu.memref_slice %arg4[%dma_start3A_97] : memref<4096xf32, #tpu.memory_space<hbm>> -> memref<64xf32, #tpu.memory_space<hbm>>
        tpu.enqueue_dma source(%dma_start3A_98 : memref<64xf32, #tpu.memory_space<hbm>>) target(%dma_start3A_96 : memref<64xf32, #tpu.memory_space<vmem>>) target_semaphore(%run_scoped3A : memref<!tpu.dma_semaphore, #tpu.memory_space<semaphore_mem>>)
        %dma_wait3A_99 = arith.constant 0 : i32
        %dma_wait3A_100 = tpu.memref_slice %arg8[%dma_wait3A_99] : memref<7936xf32, #tpu.memory_space<vmem>> -> memref<64xf32, #tpu.memory_space<vmem>>
        %dma_wait3A_101 = arith.constant 0 : i32
        %dma_wait3A_102 = tpu.memref_slice %arg4[%dma_wait3A_101] : memref<4096xf32, #tpu.memory_space<hbm>> -> memref<64xf32, #tpu.memory_space<hbm>>
        %dma_wait3A_103 = arith.constant 0 : i32
        %dma_wait3A_104 = tpu.memref_slice %arg8[%dma_wait3A_103] : memref<7936xf32, #tpu.memory_space<vmem>> -> memref<64xf32, #tpu.memory_space<vmem>>
        %dma_wait3A_105 = arith.constant 0 : i32
        %dma_wait3A_106 = tpu.memref_slice %arg4[%dma_wait3A_105] : memref<4096xf32, #tpu.memory_space<hbm>> -> memref<64xf32, #tpu.memory_space<hbm>>
        tpu.wait_dma2 semaphore(%run_scoped3A : memref<!tpu.dma_semaphore, #tpu.memory_space<semaphore_mem>>) src(%dma_wait3A_106 : memref<64xf32, #tpu.memory_space<hbm>>) dst(%dma_wait3A_104 : memref<64xf32, #tpu.memory_space<vmem>>)
        tpu.yield
      }) : () -> ()
      "tpu.region"() ({
        %run_scoped3A = tpu.sem_alloc : memref<!tpu.dma_semaphore, #tpu.memory_space<semaphore_mem>>
        %dma_start3A_91 = arith.constant 0 : i32
        %dma_start3A_92 = tpu.memref_slice %arg8[%dma_start3A_91] : memref<7936xf32, #tpu.memory_space<vmem>> -> memref<64xf32, #tpu.memory_space<vmem>>
        %dma_start3A_93 = arith.constant 999936 : i32
        %dma_start3A_94 = tpu.memref_slice %arg6[%dma_start3A_93] : memref<1000000xf32, #tpu.memory_space<vmem_shared>> -> memref<64xf32, #tpu.memory_space<vmem_shared>>
        %dma_start3A_95 = arith.constant 999936 : i32
        %dma_start3A_96 = tpu.memref_slice %arg6[%dma_start3A_95] : memref<1000000xf32, #tpu.memory_space<vmem_shared>> -> memref<64xf32, #tpu.memory_space<vmem_shared>>
        %dma_start3A_97 = arith.constant 0 : i32
        %dma_start3A_98 = tpu.memref_slice %arg8[%dma_start3A_97] : memref<7936xf32, #tpu.memory_space<vmem>> -> memref<64xf32, #tpu.memory_space<vmem>>
        tpu.enqueue_dma source(%dma_start3A_98 : memref<64xf32, #tpu.memory_space<vmem>>) target(%dma_start3A_96 : memref<64xf32, #tpu.memory_space<vmem_shared>>) target_semaphore(%run_scoped3A : memref<!tpu.dma_semaphore, #tpu.memory_space<semaphore_mem>>)
        %dma_wait3A_99 = arith.constant 0 : i32
        %dma_wait3A_100 = tpu.memref_slice %arg8[%dma_wait3A_99] : memref<7936xf32, #tpu.memory_space<vmem>> -> memref<64xf32, #tpu.memory_space<vmem>>
        %dma_wait3A_101 = arith.constant 999936 : i32
        %dma_wait3A_102 = tpu.memref_slice %arg6[%dma_wait3A_101] : memref<1000000xf32, #tpu.memory_space<vmem_shared>> -> memref<64xf32, #tpu.memory_space<vmem_shared>>
        %dma_wait3A_103 = arith.constant 999936 : i32
        %dma_wait3A_104 = tpu.memref_slice %arg6[%dma_wait3A_103] : memref<1000000xf32, #tpu.memory_space<vmem_shared>> -> memref<64xf32, #tpu.memory_space<vmem_shared>>
        %dma_wait3A_105 = arith.constant 0 : i32
        %dma_wait3A_106 = tpu.memref_slice %arg8[%dma_wait3A_105] : memref<7936xf32, #tpu.memory_space<vmem>> -> memref<64xf32, #tpu.memory_space<vmem>>
        tpu.wait_dma2 semaphore(%run_scoped3A : memref<!tpu.dma_semaphore, #tpu.memory_space<semaphore_mem>>) src(%dma_wait3A_106 : memref<64xf32, #tpu.memory_space<vmem>>) dst(%dma_wait3A_104 : memref<64xf32, #tpu.memory_space<vmem_shared>>)
        tpu.yield
      }) : () -> ()
    } else {
    }
    %barrier3A = arith.constant 0 : index
    tpu.barrier barrier_id(%barrier3A)
    %dma_start3A = arith.constant 0 : i32
    %dma_start3A_60 = arith.constant 0 : i32
    %dma_start3A_61 = tpu.memref_slice %arg9[%dma_start3A, %dma_start3A_60] : memref<1x5120xf32, #tpu.memory_space<vmem>> -> memref<1x5120xf32, #tpu.memory_space<vmem>>
    %dma_start3A_62 = tpu.memref_squeeze %dma_start3A_61 : memref<1x5120xf32, #tpu.memory_space<vmem>> -> memref<5120xf32, #tpu.memory_space<vmem>>
    %dma_start3A_63 = arith.constant 0 : i32
    %dma_start3A_64 = tpu.memref_slice %arg7[%dma_start3A_63] : memref<25600xi32, #tpu.memory_space<vmem>> -> memref<5120xi32, #tpu.memory_space<vmem>>
    %dma_start3A_65 = arith.constant 0 : i32
    %dma_start3A_66 = tpu.memref_slice %arg6[%dma_start3A_65] : memref<1000000xf32, #tpu.memory_space<vmem_shared>> -> memref<1000000xf32, #tpu.memory_space<vmem_shared>>
    tpu.enqueue_indirect_dma source(%dma_start3A_66 : memref<1000000xf32, #tpu.memory_space<vmem_shared>>) target(%dma_start3A_62 : memref<5120xf32, #tpu.memory_space<vmem>>) offsets(%dma_start3A_64 : memref<5120xi32, #tpu.memory_space<vmem>>) semaphore(%arg11 : memref<!tpu.dma_semaphore, #tpu.memory_space<semaphore_mem>>)
    %scan3A = arith.constant 0 : i32
    %scan3A_67 = arith.constant 0 : i32
    %scan3A_68 = arith.constant 32 : i32
    %scan3A_69 = arith.addi %scan3A_67, %scan3A_68 : i32
    %scan3A_70 = arith.constant 1 : i32
    scf.for %scan3A_91 = %scan3A_67 to %scan3A_69 step %scan3A_70  : i32 {
      %mul3A_92 = arith.constant 2 : i32
      %mul3A_93 = arith.muli %mul3A_92, %scan3A_91 : i32
      %add3A_94 = arith.constant 0 : i32
      %add3A_95 = arith.addi %mul3A_93, %add3A_94 : i32
      %dma_wait3A_96 = arith.constant 0 : i32
      %dma_wait3A_97 = arith.constant 0 : i32
      %dma_wait3A_98 = tpu.memref_slice %arg9[%dma_wait3A_96, %dma_wait3A_97] : memref<1x5120xf32, #tpu.memory_space<vmem>> -> memref<1x5120xf32, #tpu.memory_space<vmem>>
      %dma_wait3A_99 = tpu.memref_squeeze %dma_wait3A_98 : memref<1x5120xf32, #tpu.memory_space<vmem>> -> memref<5120xf32, #tpu.memory_space<vmem>>
      %dma_wait3A_100 = arith.constant 0 : i32
      %dma_wait3A_101 = tpu.memref_slice %arg7[%dma_wait3A_100] : memref<25600xi32, #tpu.memory_space<vmem>> -> memref<5120xi32, #tpu.memory_space<vmem>>
      %dma_wait3A_102 = arith.constant 0 : i32
      %dma_wait3A_103 = tpu.memref_slice %arg6[%dma_wait3A_102] : memref<1000000xf32, #tpu.memory_space<vmem_shared>> -> memref<1000000xf32, #tpu.memory_space<vmem_shared>>
      tpu.wait_indirect_dma semaphore(%arg11 : memref<!tpu.dma_semaphore, #tpu.memory_space<semaphore_mem>>) src(%dma_wait3A_103 : memref<1000000xf32, #tpu.memory_space<vmem_shared>>) dst(%dma_wait3A_99 : memref<5120xf32, #tpu.memory_space<vmem>>)
      %jit3A = arith.constant 8 : i32
      %div3A = arith.divsi %add3A_95, %jit3A : i32
      %sign3A = arith.constant 0 : i32
      %sign3A_104 = arith.cmpi sgt, %add3A_95, %sign3A : i32
      %sign3A_105 = arith.extui %sign3A_104 : i1 to i32
      %sign3A_106 = arith.constant 0 : i32
      %sign3A_107 = arith.cmpi slt, %add3A_95, %sign3A_106 : i32
      %sign3A_108 = arith.extui %sign3A_107 : i1 to i32
      %sign3A_109 = arith.subi %sign3A_105, %sign3A_108 : i32
      %sign3A_110 = arith.constant 0 : i32
      %sign3A_111 = arith.cmpi sgt, %jit3A, %sign3A_110 : i32
      %sign3A_112 = arith.extui %sign3A_111 : i1 to i32
      %sign3A_113 = arith.constant 0 : i32
      %sign3A_114 = arith.cmpi slt, %jit3A, %sign3A_113 : i32
      %sign3A_115 = arith.extui %sign3A_114 : i1 to i32
      %sign3A_116 = arith.subi %sign3A_112, %sign3A_115 : i32
      %ne3A = arith.cmpi ne, %sign3A_109, %sign3A_116 : i32
      %rem3A = arith.remsi %add3A_95, %jit3A : i32
      %ne3A_117 = arith.constant 0 : i32
      %ne3A_118 = arith.cmpi ne, %rem3A, %ne3A_117 : i32
      %and3A = arith.andi %ne3A, %ne3A_118 : i1
      %sub3A = arith.constant 1 : i32
      %sub3A_119 = arith.subi %div3A, %sub3A : i32
      %select_n3A = arith.select %and3A, %sub3A_119, %div3A : i32
      %jit3A_120 = arith.constant 8 : i32
      %eq3A_121 = arith.constant 0 : i32
      %eq3A_122 = arith.cmpi eq, %jit3A_120, %eq3A_121 : i32
      %jit3A_123 = arith.constant 1 : i32
      %select_n3A_124 = arith.select %eq3A_122, %jit3A_123, %jit3A_120 : i32
      %rem3A_125 = arith.remsi %add3A_95, %select_n3A_124 : i32
      %ne3A_126 = arith.constant 0 : i32
      %ne3A_127 = arith.cmpi ne, %rem3A_125, %ne3A_126 : i32
      %lt3A_128 = arith.constant 0 : i32
      %lt3A_129 = arith.cmpi slt, %rem3A_125, %lt3A_128 : i32
      %lt3A_130 = arith.constant 0 : i32
      %lt3A_131 = arith.cmpi slt, %select_n3A_124, %lt3A_130 : i32
      %ne3A_132 = arith.xori %lt3A_129, %lt3A_131 : i1
      %and3A_133 = arith.andi %ne3A_132, %ne3A_127 : i1
      %add3A_134 = arith.addi %rem3A_125, %select_n3A_124 : i32
      %select_n3A_135 = arith.select %and3A_133, %add3A_134, %rem3A_125 : i32
      %dma_start3A_136 = tpu.memref_reshape %arg9 : memref<1x5120xf32, #tpu.memory_space<vmem>> -> memref<40x128xf32, #tpu.memory_space<vmem>>
      %dma_start3A_137 = arith.constant 0 : i32
      %dma_start3A_138 = tpu.memref_slice %arg5[%dma_start3A_137, %select_n3A, %select_n3A_135, %mul3A_2] : memref<200x8x8x4096xf32, #tpu.memory_space<hbm>> -> memref<40x1x1x128xf32, #tpu.memory_space<hbm>>
      %dma_start3A_139 = tpu.memref_squeeze %dma_start3A_138 : memref<40x1x1x128xf32, #tpu.memory_space<hbm>> -> memref<40x128xf32, #tpu.memory_space<hbm>>
      %dma_start3A_140 = arith.constant 0 : i32
      %dma_start3A_141 = tpu.memref_slice %arg5[%dma_start3A_140, %select_n3A, %select_n3A_135, %mul3A_2] : memref<200x8x8x4096xf32, #tpu.memory_space<hbm>> -> memref<40x1x1x128xf32, #tpu.memory_space<hbm>>
      %dma_start3A_142 = tpu.memref_squeeze %dma_start3A_141 : memref<40x1x1x128xf32, #tpu.memory_space<hbm>> -> memref<40x128xf32, #tpu.memory_space<hbm>>
      %dma_start3A_143 = tpu.memref_reshape %arg9 : memref<1x5120xf32, #tpu.memory_space<vmem>> -> memref<40x128xf32, #tpu.memory_space<vmem>>
      tpu.enqueue_dma source(%dma_start3A_143 : memref<40x128xf32, #tpu.memory_space<vmem>>) target(%dma_start3A_142 : memref<40x128xf32, #tpu.memory_space<hbm>>) target_semaphore(%arg13 : memref<!tpu.dma_semaphore, #tpu.memory_space<semaphore_mem>>)
      %gt3A = arith.constant 0 : i32
      %gt3A_144 = arith.cmpi sgt, %scan3A_91, %gt3A : i32
      %convert_element_type3A_145 = arith.extui %gt3A_144 : i1 to i32
      %cond3A_146 = arith.constant 0 : i32
      %cond3A_147 = arith.cmpi ne, %convert_element_type3A_145, %cond3A_146 : i32
      scf.if %cond3A_147 {
        %dma_wait3A_822 = arith.constant 0 : i32
        %dma_wait3A_823 = arith.constant 0 : i32
        %dma_wait3A_824 = tpu.memref_reshape %arg10 : memref<1x5120xf32, #tpu.memory_space<vmem>> -> memref<40x128xf32, #tpu.memory_space<vmem>>
        %dma_wait3A_825 = arith.constant 0 : i32
        %dma_wait3A_826 = tpu.memref_slice %arg5[%dma_wait3A_825, %dma_wait3A_822, %dma_wait3A_823, %mul3A_2] : memref<200x8x8x4096xf32, #tpu.memory_space<hbm>> -> memref<40x1x1x128xf32, #tpu.memory_space<hbm>>
        %dma_wait3A_827 = tpu.memref_squeeze %dma_wait3A_826 : memref<40x1x1x128xf32, #tpu.memory_space<hbm>> -> memref<40x128xf32, #tpu.memory_space<hbm>>
        %dma_wait3A_828 = arith.constant 0 : i32
        %dma_wait3A_829 = tpu.memref_slice %arg5[%dma_wait3A_828, %dma_wait3A_822, %dma_wait3A_823, %mul3A_2] : memref<200x8x8x4096xf32, #tpu.memory_space<hbm>> -> memref<40x1x1x128xf32, #tpu.memory_space<hbm>>
        %dma_wait3A_830 = tpu.memref_squeeze %dma_wait3A_829 : memref<40x1x1x128xf32, #tpu.memory_space<hbm>> -> memref<40x128xf32, #tpu.memory_space<hbm>>
        %dma_wait3A_831 = tpu.memref_reshape %arg10 : memref<1x5120xf32, #tpu.memory_space<vmem>> -> memref<40x128xf32, #tpu.memory_space<vmem>>
        tpu.wait_dma2 semaphore(%arg14 : memref<!tpu.dma_semaphore, #tpu.memory_space<semaphore_mem>>) src(%dma_wait3A_831 : memref<40x128xf32, #tpu.memory_space<vmem>>) dst(%dma_wait3A_830 : memref<40x128xf32, #tpu.memory_space<hbm>>)
      } else {
      }
      %dma_start3A_148 = arith.constant 0 : i32
      %dma_start3A_149 = arith.constant 0 : i32
      %dma_start3A_150 = tpu.memref_slice %arg10[%dma_start3A_148, %dma_start3A_149] : memref<1x5120xf32, #tpu.memory_space<vmem>> -> memref<1x5120xf32, #tpu.memory_space<vmem>>
      %dma_start3A_151 = tpu.memref_squeeze %dma_start3A_150 : memref<1x5120xf32, #tpu.memory_space<vmem>> -> memref<5120xf32, #tpu.memory_space<vmem>>
      %dma_start3A_152 = arith.constant 5120 : i32
      %dma_start3A_153 = tpu.memref_slice %arg7[%dma_start3A_152] : memref<25600xi32, #tpu.memory_space<vmem>> -> memref<5120xi32, #tpu.memory_space<vmem>>
      %dma_start3A_154 = arith.constant 0 : i32
      %dma_start3A_155 = tpu.memref_slice %arg6[%dma_start3A_154] : memref<1000000xf32, #tpu.memory_space<vmem_shared>> -> memref<1000000xf32, #tpu.memory_space<vmem_shared>>
      tpu.enqueue_indirect_dma source(%dma_start3A_155 : memref<1000000xf32, #tpu.memory_space<vmem_shared>>) target(%dma_start3A_151 : memref<5120xf32, #tpu.memory_space<vmem>>) offsets(%dma_start3A_153 : memref<5120xi32, #tpu.memory_space<vmem>>) semaphore(%arg12 : memref<!tpu.dma_semaphore, #tpu.memory_space<semaphore_mem>>)
      %dma_wait3A_156 = arith.constant 0 : i32
      %dma_wait3A_157 = arith.constant 0 : i32
      %dma_wait3A_158 = tpu.memref_slice %arg10[%dma_wait3A_156, %dma_wait3A_157] : memref<1x5120xf32, #tpu.memory_space<vmem>> -> memref<1x5120xf32, #tpu.memory_space<vmem>>
      %dma_wait3A_159 = tpu.memref_squeeze %dma_wait3A_158 : memref<1x5120xf32, #tpu.memory_space<vmem>> -> memref<5120xf32, #tpu.memory_space<vmem>>
      %dma_wait3A_160 = arith.constant 5120 : i32
      %dma_wait3A_161 = tpu.memref_slice %arg7[%dma_wait3A_160] : memref<25600xi32, #tpu.memory_space<vmem>> -> memref<5120xi32, #tpu.memory_space<vmem>>
      %dma_wait3A_162 = arith.constant 0 : i32
      %dma_wait3A_163 = tpu.memref_slice %arg6[%dma_wait3A_162] : memref<1000000xf32, #tpu.memory_space<vmem_shared>> -> memref<1000000xf32, #tpu.memory_space<vmem_shared>>
      tpu.wait_indirect_dma semaphore(%arg12 : memref<!tpu.dma_semaphore, #tpu.memory_space<semaphore_mem>>) src(%dma_wait3A_163 : memref<1000000xf32, #tpu.memory_space<vmem_shared>>) dst(%dma_wait3A_159 : memref<5120xf32, #tpu.memory_space<vmem>>)
      %jit3A_164 = arith.constant 8 : i32
      %div3A_165 = arith.divsi %add3A_95, %jit3A_164 : i32
      %sign3A_166 = arith.constant 0 : i32
      %sign3A_167 = arith.cmpi sgt, %add3A_95, %sign3A_166 : i32
      %sign3A_168 = arith.extui %sign3A_167 : i1 to i32
      %sign3A_169 = arith.constant 0 : i32
      %sign3A_170 = arith.cmpi slt, %add3A_95, %sign3A_169 : i32
      %sign3A_171 = arith.extui %sign3A_170 : i1 to i32
      %sign3A_172 = arith.subi %sign3A_168, %sign3A_171 : i32
      %sign3A_173 = arith.constant 0 : i32
      %sign3A_174 = arith.cmpi sgt, %jit3A_164, %sign3A_173 : i32
      %sign3A_175 = arith.extui %sign3A_174 : i1 to i32
      %sign3A_176 = arith.constant 0 : i32
      %sign3A_177 = arith.cmpi slt, %jit3A_164, %sign3A_176 : i32
      %sign3A_178 = arith.extui %sign3A_177 : i1 to i32
      %sign3A_179 = arith.subi %sign3A_175, %sign3A_178 : i32
      %ne3A_180 = arith.cmpi ne, %sign3A_172, %sign3A_179 : i32
      %rem3A_181 = arith.remsi %add3A_95, %jit3A_164 : i32
      %ne3A_182 = arith.constant 0 : i32
      %ne3A_183 = arith.cmpi ne, %rem3A_181, %ne3A_182 : i32
      %and3A_184 = arith.andi %ne3A_180, %ne3A_183 : i1
      %sub3A_185 = arith.constant 1 : i32
      %sub3A_186 = arith.subi %div3A_165, %sub3A_185 : i32
      %select_n3A_187 = arith.select %and3A_184, %sub3A_186, %div3A_165 : i32
      %jit3A_188 = arith.constant 8 : i32
      %eq3A_189 = arith.constant 0 : i32
      %eq3A_190 = arith.cmpi eq, %jit3A_188, %eq3A_189 : i32
      %jit3A_191 = arith.constant 1 : i32
      %select_n3A_192 = arith.select %eq3A_190, %jit3A_191, %jit3A_188 : i32
      %rem3A_193 = arith.remsi %add3A_95, %select_n3A_192 : i32
      %ne3A_194 = arith.constant 0 : i32
      %ne3A_195 = arith.cmpi ne, %rem3A_193, %ne3A_194 : i32
      %lt3A_196 = arith.constant 0 : i32
      %lt3A_197 = arith.cmpi slt, %rem3A_193, %lt3A_196 : i32
      %lt3A_198 = arith.constant 0 : i32
      %lt3A_199 = arith.cmpi slt, %select_n3A_192, %lt3A_198 : i32
      %ne3A_200 = arith.xori %lt3A_197, %lt3A_199 : i1
      %and3A_201 = arith.andi %ne3A_200, %ne3A_195 : i1
      %add3A_202 = arith.addi %rem3A_193, %select_n3A_192 : i32
      %select_n3A_203 = arith.select %and3A_201, %add3A_202, %rem3A_193 : i32
      %dma_start3A_204 = tpu.memref_reshape %arg10 : memref<1x5120xf32, #tpu.memory_space<vmem>> -> memref<40x128xf32, #tpu.memory_space<vmem>>
      %dma_start3A_205 = arith.constant 40 : i32
      %dma_start3A_206 = tpu.memref_slice %arg5[%dma_start3A_205, %select_n3A_187, %select_n3A_203, %mul3A_2] : memref<200x8x8x4096xf32, #tpu.memory_space<hbm>> -> memref<40x1x1x128xf32, #tpu.memory_space<hbm>>
      %dma_start3A_207 = tpu.memref_squeeze %dma_start3A_206 : memref<40x1x1x128xf32, #tpu.memory_space<hbm>> -> memref<40x128xf32, #tpu.memory_space<hbm>>
      %dma_start3A_208 = arith.constant 40 : i32
      %dma_start3A_209 = tpu.memref_slice %arg5[%dma_start3A_208, %select_n3A_187, %select_n3A_203, %mul3A_2] : memref<200x8x8x4096xf32, #tpu.memory_space<hbm>> -> memref<40x1x1x128xf32, #tpu.memory_space<hbm>>
      %dma_start3A_210 = tpu.memref_squeeze %dma_start3A_209 : memref<40x1x1x128xf32, #tpu.memory_space<hbm>> -> memref<40x128xf32, #tpu.memory_space<hbm>>
      %dma_start3A_211 = tpu.memref_reshape %arg10 : memref<1x5120xf32, #tpu.memory_space<vmem>> -> memref<40x128xf32, #tpu.memory_space<vmem>>
      tpu.enqueue_dma source(%dma_start3A_211 : memref<40x128xf32, #tpu.memory_space<vmem>>) target(%dma_start3A_210 : memref<40x128xf32, #tpu.memory_space<hbm>>) target_semaphore(%arg14 : memref<!tpu.dma_semaphore, #tpu.memory_space<semaphore_mem>>)
      %dma_wait3A_212 = arith.constant 0 : i32
      %dma_wait3A_213 = arith.constant 0 : i32
      %dma_wait3A_214 = tpu.memref_reshape %arg9 : memref<1x5120xf32, #tpu.memory_space<vmem>> -> memref<40x128xf32, #tpu.memory_space<vmem>>
      %dma_wait3A_215 = arith.constant 0 : i32
      %dma_wait3A_216 = tpu.memref_slice %arg5[%dma_wait3A_215, %dma_wait3A_212, %dma_wait3A_213, %mul3A_2] : memref<200x8x8x4096xf32, #tpu.memory_space<hbm>> -> memref<40x1x1x128xf32, #tpu.memory_space<hbm>>
      %dma_wait3A_217 = tpu.memref_squeeze %dma_wait3A_216 : memref<40x1x1x128xf32, #tpu.memory_space<hbm>> -> memref<40x128xf32, #tpu.memory_space<hbm>>
      %dma_wait3A_218 = arith.constant 0 : i32
      %dma_wait3A_219 = tpu.memref_slice %arg5[%dma_wait3A_218, %dma_wait3A_212, %dma_wait3A_213, %mul3A_2] : memref<200x8x8x4096xf32, #tpu.memory_space<hbm>> -> memref<40x1x1x128xf32, #tpu.memory_space<hbm>>
      %dma_wait3A_220 = tpu.memref_squeeze %dma_wait3A_219 : memref<40x1x1x128xf32, #tpu.memory_space<hbm>> -> memref<40x128xf32, #tpu.memory_space<hbm>>
      %dma_wait3A_221 = tpu.memref_reshape %arg9 : memref<1x5120xf32, #tpu.memory_space<vmem>> -> memref<40x128xf32, #tpu.memory_space<vmem>>
      tpu.wait_dma2 semaphore(%arg13 : memref<!tpu.dma_semaphore, #tpu.memory_space<semaphore_mem>>) src(%dma_wait3A_221 : memref<40x128xf32, #tpu.memory_space<vmem>>) dst(%dma_wait3A_220 : memref<40x128xf32, #tpu.memory_space<hbm>>)
      %dma_start3A_222 = arith.constant 0 : i32
      %dma_start3A_223 = arith.constant 0 : i32
      %dma_start3A_224 = tpu.memref_slice %arg9[%dma_start3A_222, %dma_start3A_223] : memref<1x5120xf32, #tpu.memory_space<vmem>> -> memref<1x5120xf32, #tpu.memory_space<vmem>>
      %dma_start3A_225 = tpu.memref_squeeze %dma_start3A_224 : memref<1x5120xf32, #tpu.memory_space<vmem>> -> memref<5120xf32, #tpu.memory_space<vmem>>
      %dma_start3A_226 = arith.constant 10240 : i32
      %dma_start3A_227 = tpu.memref_slice %arg7[%dma_start3A_226] : memref<25600xi32, #tpu.memory_space<vmem>> -> memref<5120xi32, #tpu.memory_space<vmem>>
      %dma_start3A_228 = arith.constant 0 : i32
      %dma_start3A_229 = tpu.memref_slice %arg6[%dma_start3A_228] : memref<1000000xf32, #tpu.memory_space<vmem_shared>> -> memref<1000000xf32, #tpu.memory_space<vmem_shared>>
      tpu.enqueue_indirect_dma source(%dma_start3A_229 : memref<1000000xf32, #tpu.memory_space<vmem_shared>>) target(%dma_start3A_225 : memref<5120xf32, #tpu.memory_space<vmem>>) offsets(%dma_start3A_227 : memref<5120xi32, #tpu.memory_space<vmem>>) semaphore(%arg11 : memref<!tpu.dma_semaphore, #tpu.memory_space<semaphore_mem>>)
      %dma_wait3A_230 = arith.constant 0 : i32
      %dma_wait3A_231 = arith.constant 0 : i32
      %dma_wait3A_232 = tpu.memref_slice %arg9[%dma_wait3A_230, %dma_wait3A_231] : memref<1x5120xf32, #tpu.memory_space<vmem>> -> memref<1x5120xf32, #tpu.memory_space<vmem>>
      %dma_wait3A_233 = tpu.memref_squeeze %dma_wait3A_232 : memref<1x5120xf32, #tpu.memory_space<vmem>> -> memref<5120xf32, #tpu.memory_space<vmem>>
      %dma_wait3A_234 = arith.constant 10240 : i32
      %dma_wait3A_235 = tpu.memref_slice %arg7[%dma_wait3A_234] : memref<25600xi32, #tpu.memory_space<vmem>> -> memref<5120xi32, #tpu.memory_space<vmem>>
      %dma_wait3A_236 = arith.constant 0 : i32
      %dma_wait3A_237 = tpu.memref_slice %arg6[%dma_wait3A_236] : memref<1000000xf32, #tpu.memory_space<vmem_shared>> -> memref<1000000xf32, #tpu.memory_space<vmem_shared>>
      tpu.wait_indirect_dma semaphore(%arg11 : memref<!tpu.dma_semaphore, #tpu.memory_space<semaphore_mem>>) src(%dma_wait3A_237 : memref<1000000xf32, #tpu.memory_space<vmem_shared>>) dst(%dma_wait3A_233 : memref<5120xf32, #tpu.memory_space<vmem>>)
      %jit3A_238 = arith.constant 8 : i32
      %div3A_239 = arith.divsi %add3A_95, %jit3A_238 : i32
      %sign3A_240 = arith.constant 0 : i32
      %sign3A_241 = arith.cmpi sgt, %add3A_95, %sign3A_240 : i32
      %sign3A_242 = arith.extui %sign3A_241 : i1 to i32
      %sign3A_243 = arith.constant 0 : i32
      %sign3A_244 = arith.cmpi slt, %add3A_95, %sign3A_243 : i32
      %sign3A_245 = arith.extui %sign3A_244 : i1 to i32
      %sign3A_246 = arith.subi %sign3A_242, %sign3A_245 : i32
      %sign3A_247 = arith.constant 0 : i32
      %sign3A_248 = arith.cmpi sgt, %jit3A_238, %sign3A_247 : i32
      %sign3A_249 = arith.extui %sign3A_248 : i1 to i32
      %sign3A_250 = arith.constant 0 : i32
      %sign3A_251 = arith.cmpi slt, %jit3A_238, %sign3A_250 : i32
      %sign3A_252 = arith.extui %sign3A_251 : i1 to i32
      %sign3A_253 = arith.subi %sign3A_249, %sign3A_252 : i32
      %ne3A_254 = arith.cmpi ne, %sign3A_246, %sign3A_253 : i32
      %rem3A_255 = arith.remsi %add3A_95, %jit3A_238 : i32
      %ne3A_256 = arith.constant 0 : i32
      %ne3A_257 = arith.cmpi ne, %rem3A_255, %ne3A_256 : i32
      %and3A_258 = arith.andi %ne3A_254, %ne3A_257 : i1
      %sub3A_259 = arith.constant 1 : i32
      %sub3A_260 = arith.subi %div3A_239, %sub3A_259 : i32
      %select_n3A_261 = arith.select %and3A_258, %sub3A_260, %div3A_239 : i32
      %jit3A_262 = arith.constant 8 : i32
      %eq3A_263 = arith.constant 0 : i32
      %eq3A_264 = arith.cmpi eq, %jit3A_262, %eq3A_263 : i32
      %jit3A_265 = arith.constant 1 : i32
      %select_n3A_266 = arith.select %eq3A_264, %jit3A_265, %jit3A_262 : i32
      %rem3A_267 = arith.remsi %add3A_95, %select_n3A_266 : i32
      %ne3A_268 = arith.constant 0 : i32
      %ne3A_269 = arith.cmpi ne, %rem3A_267, %ne3A_268 : i32
      %lt3A_270 = arith.constant 0 : i32
      %lt3A_271 = arith.cmpi slt, %rem3A_267, %lt3A_270 : i32
      %lt3A_272 = arith.constant 0 : i32
      %lt3A_273 = arith.cmpi slt, %select_n3A_266, %lt3A_272 : i32
      %ne3A_274 = arith.xori %lt3A_271, %lt3A_273 : i1
      %and3A_275 = arith.andi %ne3A_274, %ne3A_269 : i1
      %add3A_276 = arith.addi %rem3A_267, %select_n3A_266 : i32
      %select_n3A_277 = arith.select %and3A_275, %add3A_276, %rem3A_267 : i32
      %dma_start3A_278 = tpu.memref_reshape %arg9 : memref<1x5120xf32, #tpu.memory_space<vmem>> -> memref<40x128xf32, #tpu.memory_space<vmem>>
      %dma_start3A_279 = arith.constant 80 : i32
      %dma_start3A_280 = tpu.memref_slice %arg5[%dma_start3A_279, %select_n3A_261, %select_n3A_277, %mul3A_2] : memref<200x8x8x4096xf32, #tpu.memory_space<hbm>> -> memref<40x1x1x128xf32, #tpu.memory_space<hbm>>
      %dma_start3A_281 = tpu.memref_squeeze %dma_start3A_280 : memref<40x1x1x128xf32, #tpu.memory_space<hbm>> -> memref<40x128xf32, #tpu.memory_space<hbm>>
      %dma_start3A_282 = arith.constant 80 : i32
      %dma_start3A_283 = tpu.memref_slice %arg5[%dma_start3A_282, %select_n3A_261, %select_n3A_277, %mul3A_2] : memref<200x8x8x4096xf32, #tpu.memory_space<hbm>> -> memref<40x1x1x128xf32, #tpu.memory_space<hbm>>
      %dma_start3A_284 = tpu.memref_squeeze %dma_start3A_283 : memref<40x1x1x128xf32, #tpu.memory_space<hbm>> -> memref<40x128xf32, #tpu.memory_space<hbm>>
      %dma_start3A_285 = tpu.memref_reshape %arg9 : memref<1x5120xf32, #tpu.memory_space<vmem>> -> memref<40x128xf32, #tpu.memory_space<vmem>>
      tpu.enqueue_dma source(%dma_start3A_285 : memref<40x128xf32, #tpu.memory_space<vmem>>) target(%dma_start3A_284 : memref<40x128xf32, #tpu.memory_space<hbm>>) target_semaphore(%arg13 : memref<!tpu.dma_semaphore, #tpu.memory_space<semaphore_mem>>)
      %dma_wait3A_286 = arith.constant 0 : i32
      %dma_wait3A_287 = arith.constant 0 : i32
      %dma_wait3A_288 = tpu.memref_reshape %arg10 : memref<1x5120xf32, #tpu.memory_space<vmem>> -> memref<40x128xf32, #tpu.memory_space<vmem>>
      %dma_wait3A_289 = arith.constant 0 : i32
      %dma_wait3A_290 = tpu.memref_slice %arg5[%dma_wait3A_289, %dma_wait3A_286, %dma_wait3A_287, %mul3A_2] : memref<200x8x8x4096xf32, #tpu.memory_space<hbm>> -> memref<40x1x1x128xf32, #tpu.memory_space<hbm>>
      %dma_wait3A_291 = tpu.memref_squeeze %dma_wait3A_290 : memref<40x1x1x128xf32, #tpu.memory_space<hbm>> -> memref<40x128xf32, #tpu.memory_space<hbm>>
      %dma_wait3A_292 = arith.constant 0 : i32
      %dma_wait3A_293 = tpu.memref_slice %arg5[%dma_wait3A_292, %dma_wait3A_286, %dma_wait3A_287, %mul3A_2] : memref<200x8x8x4096xf32, #tpu.memory_space<hbm>> -> memref<40x1x1x128xf32, #tpu.memory_space<hbm>>
      %dma_wait3A_294 = tpu.memref_squeeze %dma_wait3A_293 : memref<40x1x1x128xf32, #tpu.memory_space<hbm>> -> memref<40x128xf32, #tpu.memory_space<hbm>>
      %dma_wait3A_295 = tpu.memref_reshape %arg10 : memref<1x5120xf32, #tpu.memory_space<vmem>> -> memref<40x128xf32, #tpu.memory_space<vmem>>
      tpu.wait_dma2 semaphore(%arg14 : memref<!tpu.dma_semaphore, #tpu.memory_space<semaphore_mem>>) src(%dma_wait3A_295 : memref<40x128xf32, #tpu.memory_space<vmem>>) dst(%dma_wait3A_294 : memref<40x128xf32, #tpu.memory_space<hbm>>)
      %dma_start3A_296 = arith.constant 0 : i32
      %dma_start3A_297 = arith.constant 0 : i32
      %dma_start3A_298 = tpu.memref_slice %arg10[%dma_start3A_296, %dma_start3A_297] : memref<1x5120xf32, #tpu.memory_space<vmem>> -> memref<1x5120xf32, #tpu.memory_space<vmem>>
      %dma_start3A_299 = tpu.memref_squeeze %dma_start3A_298 : memref<1x5120xf32, #tpu.memory_space<vmem>> -> memref<5120xf32, #tpu.memory_space<vmem>>
      %dma_start3A_300 = arith.constant 15360 : i32
      %dma_start3A_301 = tpu.memref_slice %arg7[%dma_start3A_300] : memref<25600xi32, #tpu.memory_space<vmem>> -> memref<5120xi32, #tpu.memory_space<vmem>>
      %dma_start3A_302 = arith.constant 0 : i32
      %dma_start3A_303 = tpu.memref_slice %arg6[%dma_start3A_302] : memref<1000000xf32, #tpu.memory_space<vmem_shared>> -> memref<1000000xf32, #tpu.memory_space<vmem_shared>>
      tpu.enqueue_indirect_dma source(%dma_start3A_303 : memref<1000000xf32, #tpu.memory_space<vmem_shared>>) target(%dma_start3A_299 : memref<5120xf32, #tpu.memory_space<vmem>>) offsets(%dma_start3A_301 : memref<5120xi32, #tpu.memory_space<vmem>>) semaphore(%arg12 : memref<!tpu.dma_semaphore, #tpu.memory_space<semaphore_mem>>)
      %dma_wait3A_304 = arith.constant 0 : i32
      %dma_wait3A_305 = arith.constant 0 : i32
      %dma_wait3A_306 = tpu.memref_slice %arg10[%dma_wait3A_304, %dma_wait3A_305] : memref<1x5120xf32, #tpu.memory_space<vmem>> -> memref<1x5120xf32, #tpu.memory_space<vmem>>
      %dma_wait3A_307 = tpu.memref_squeeze %dma_wait3A_306 : memref<1x5120xf32, #tpu.memory_space<vmem>> -> memref<5120xf32, #tpu.memory_space<vmem>>
      %dma_wait3A_308 = arith.constant 15360 : i32
      %dma_wait3A_309 = tpu.memref_slice %arg7[%dma_wait3A_308] : memref<25600xi32, #tpu.memory_space<vmem>> -> memref<5120xi32, #tpu.memory_space<vmem>>
      %dma_wait3A_310 = arith.constant 0 : i32
      %dma_wait3A_311 = tpu.memref_slice %arg6[%dma_wait3A_310] : memref<1000000xf32, #tpu.memory_space<vmem_shared>> -> memref<1000000xf32, #tpu.memory_space<vmem_shared>>
      tpu.wait_indirect_dma semaphore(%arg12 : memref<!tpu.dma_semaphore, #tpu.memory_space<semaphore_mem>>) src(%dma_wait3A_311 : memref<1000000xf32, #tpu.memory_space<vmem_shared>>) dst(%dma_wait3A_307 : memref<5120xf32, #tpu.memory_space<vmem>>)
      %jit3A_312 = arith.constant 8 : i32
      %div3A_313 = arith.divsi %add3A_95, %jit3A_312 : i32
      %sign3A_314 = arith.constant 0 : i32
      %sign3A_315 = arith.cmpi sgt, %add3A_95, %sign3A_314 : i32
      %sign3A_316 = arith.extui %sign3A_315 : i1 to i32
      %sign3A_317 = arith.constant 0 : i32
      %sign3A_318 = arith.cmpi slt, %add3A_95, %sign3A_317 : i32
      %sign3A_319 = arith.extui %sign3A_318 : i1 to i32
      %sign3A_320 = arith.subi %sign3A_316, %sign3A_319 : i32
      %sign3A_321 = arith.constant 0 : i32
      %sign3A_322 = arith.cmpi sgt, %jit3A_312, %sign3A_321 : i32
      %sign3A_323 = arith.extui %sign3A_322 : i1 to i32
      %sign3A_324 = arith.constant 0 : i32
      %sign3A_325 = arith.cmpi slt, %jit3A_312, %sign3A_324 : i32
      %sign3A_326 = arith.extui %sign3A_325 : i1 to i32
      %sign3A_327 = arith.subi %sign3A_323, %sign3A_326 : i32
      %ne3A_328 = arith.cmpi ne, %sign3A_320, %sign3A_327 : i32
      %rem3A_329 = arith.remsi %add3A_95, %jit3A_312 : i32
      %ne3A_330 = arith.constant 0 : i32
      %ne3A_331 = arith.cmpi ne, %rem3A_329, %ne3A_330 : i32
      %and3A_332 = arith.andi %ne3A_328, %ne3A_331 : i1
      %sub3A_333 = arith.constant 1 : i32
      %sub3A_334 = arith.subi %div3A_313, %sub3A_333 : i32
      %select_n3A_335 = arith.select %and3A_332, %sub3A_334, %div3A_313 : i32
      %jit3A_336 = arith.constant 8 : i32
      %eq3A_337 = arith.constant 0 : i32
      %eq3A_338 = arith.cmpi eq, %jit3A_336, %eq3A_337 : i32
      %jit3A_339 = arith.constant 1 : i32
      %select_n3A_340 = arith.select %eq3A_338, %jit3A_339, %jit3A_336 : i32
      %rem3A_341 = arith.remsi %add3A_95, %select_n3A_340 : i32
      %ne3A_342 = arith.constant 0 : i32
      %ne3A_343 = arith.cmpi ne, %rem3A_341, %ne3A_342 : i32
      %lt3A_344 = arith.constant 0 : i32
      %lt3A_345 = arith.cmpi slt, %rem3A_341, %lt3A_344 : i32
      %lt3A_346 = arith.constant 0 : i32
      %lt3A_347 = arith.cmpi slt, %select_n3A_340, %lt3A_346 : i32
      %ne3A_348 = arith.xori %lt3A_345, %lt3A_347 : i1
      %and3A_349 = arith.andi %ne3A_348, %ne3A_343 : i1
      %add3A_350 = arith.addi %rem3A_341, %select_n3A_340 : i32
      %select_n3A_351 = arith.select %and3A_349, %add3A_350, %rem3A_341 : i32
      %dma_start3A_352 = tpu.memref_reshape %arg10 : memref<1x5120xf32, #tpu.memory_space<vmem>> -> memref<40x128xf32, #tpu.memory_space<vmem>>
      %dma_start3A_353 = arith.constant 120 : i32
      %dma_start3A_354 = tpu.memref_slice %arg5[%dma_start3A_353, %select_n3A_335, %select_n3A_351, %mul3A_2] : memref<200x8x8x4096xf32, #tpu.memory_space<hbm>> -> memref<40x1x1x128xf32, #tpu.memory_space<hbm>>
      %dma_start3A_355 = tpu.memref_squeeze %dma_start3A_354 : memref<40x1x1x128xf32, #tpu.memory_space<hbm>> -> memref<40x128xf32, #tpu.memory_space<hbm>>
      %dma_start3A_356 = arith.constant 120 : i32
      %dma_start3A_357 = tpu.memref_slice %arg5[%dma_start3A_356, %select_n3A_335, %select_n3A_351, %mul3A_2] : memref<200x8x8x4096xf32, #tpu.memory_space<hbm>> -> memref<40x1x1x128xf32, #tpu.memory_space<hbm>>
      %dma_start3A_358 = tpu.memref_squeeze %dma_start3A_357 : memref<40x1x1x128xf32, #tpu.memory_space<hbm>> -> memref<40x128xf32, #tpu.memory_space<hbm>>
      %dma_start3A_359 = tpu.memref_reshape %arg10 : memref<1x5120xf32, #tpu.memory_space<vmem>> -> memref<40x128xf32, #tpu.memory_space<vmem>>
      tpu.enqueue_dma source(%dma_start3A_359 : memref<40x128xf32, #tpu.memory_space<vmem>>) target(%dma_start3A_358 : memref<40x128xf32, #tpu.memory_space<hbm>>) target_semaphore(%arg14 : memref<!tpu.dma_semaphore, #tpu.memory_space<semaphore_mem>>)
      %dma_wait3A_360 = arith.constant 0 : i32
      %dma_wait3A_361 = arith.constant 0 : i32
      %dma_wait3A_362 = tpu.memref_reshape %arg9 : memref<1x5120xf32, #tpu.memory_space<vmem>> -> memref<40x128xf32, #tpu.memory_space<vmem>>
      %dma_wait3A_363 = arith.constant 0 : i32
      %dma_wait3A_364 = tpu.memref_slice %arg5[%dma_wait3A_363, %dma_wait3A_360, %dma_wait3A_361, %mul3A_2] : memref<200x8x8x4096xf32, #tpu.memory_space<hbm>> -> memref<40x1x1x128xf32, #tpu.memory_space<hbm>>
      %dma_wait3A_365 = tpu.memref_squeeze %dma_wait3A_364 : memref<40x1x1x128xf32, #tpu.memory_space<hbm>> -> memref<40x128xf32, #tpu.memory_space<hbm>>
      %dma_wait3A_366 = arith.constant 0 : i32
      %dma_wait3A_367 = tpu.memref_slice %arg5[%dma_wait3A_366, %dma_wait3A_360, %dma_wait3A_361, %mul3A_2] : memref<200x8x8x4096xf32, #tpu.memory_space<hbm>> -> memref<40x1x1x128xf32, #tpu.memory_space<hbm>>
      %dma_wait3A_368 = tpu.memref_squeeze %dma_wait3A_367 : memref<40x1x1x128xf32, #tpu.memory_space<hbm>> -> memref<40x128xf32, #tpu.memory_space<hbm>>
      %dma_wait3A_369 = tpu.memref_reshape %arg9 : memref<1x5120xf32, #tpu.memory_space<vmem>> -> memref<40x128xf32, #tpu.memory_space<vmem>>
      tpu.wait_dma2 semaphore(%arg13 : memref<!tpu.dma_semaphore, #tpu.memory_space<semaphore_mem>>) src(%dma_wait3A_369 : memref<40x128xf32, #tpu.memory_space<vmem>>) dst(%dma_wait3A_368 : memref<40x128xf32, #tpu.memory_space<hbm>>)
      %dma_start3A_370 = arith.constant 0 : i32
      %dma_start3A_371 = arith.constant 0 : i32
      %dma_start3A_372 = tpu.memref_slice %arg9[%dma_start3A_370, %dma_start3A_371] : memref<1x5120xf32, #tpu.memory_space<vmem>> -> memref<1x5120xf32, #tpu.memory_space<vmem>>
      %dma_start3A_373 = tpu.memref_squeeze %dma_start3A_372 : memref<1x5120xf32, #tpu.memory_space<vmem>> -> memref<5120xf32, #tpu.memory_space<vmem>>
      %dma_start3A_374 = arith.constant 20480 : i32
      %dma_start3A_375 = tpu.memref_slice %arg7[%dma_start3A_374] : memref<25600xi32, #tpu.memory_space<vmem>> -> memref<5120xi32, #tpu.memory_space<vmem>>
      %dma_start3A_376 = arith.constant 0 : i32
      %dma_start3A_377 = tpu.memref_slice %arg6[%dma_start3A_376] : memref<1000000xf32, #tpu.memory_space<vmem_shared>> -> memref<1000000xf32, #tpu.memory_space<vmem_shared>>
      tpu.enqueue_indirect_dma source(%dma_start3A_377 : memref<1000000xf32, #tpu.memory_space<vmem_shared>>) target(%dma_start3A_373 : memref<5120xf32, #tpu.memory_space<vmem>>) offsets(%dma_start3A_375 : memref<5120xi32, #tpu.memory_space<vmem>>) semaphore(%arg11 : memref<!tpu.dma_semaphore, #tpu.memory_space<semaphore_mem>>)
      %dma_wait3A_378 = arith.constant 0 : i32
      %dma_wait3A_379 = arith.constant 0 : i32
      %dma_wait3A_380 = tpu.memref_slice %arg9[%dma_wait3A_378, %dma_wait3A_379] : memref<1x5120xf32, #tpu.memory_space<vmem>> -> memref<1x5120xf32, #tpu.memory_space<vmem>>
      %dma_wait3A_381 = tpu.memref_squeeze %dma_wait3A_380 : memref<1x5120xf32, #tpu.memory_space<vmem>> -> memref<5120xf32, #tpu.memory_space<vmem>>
      %dma_wait3A_382 = arith.constant 20480 : i32
      %dma_wait3A_383 = tpu.memref_slice %arg7[%dma_wait3A_382] : memref<25600xi32, #tpu.memory_space<vmem>> -> memref<5120xi32, #tpu.memory_space<vmem>>
      %dma_wait3A_384 = arith.constant 0 : i32
      %dma_wait3A_385 = tpu.memref_slice %arg6[%dma_wait3A_384] : memref<1000000xf32, #tpu.memory_space<vmem_shared>> -> memref<1000000xf32, #tpu.memory_space<vmem_shared>>
      tpu.wait_indirect_dma semaphore(%arg11 : memref<!tpu.dma_semaphore, #tpu.memory_space<semaphore_mem>>) src(%dma_wait3A_385 : memref<1000000xf32, #tpu.memory_space<vmem_shared>>) dst(%dma_wait3A_381 : memref<5120xf32, #tpu.memory_space<vmem>>)
      %jit3A_386 = arith.constant 8 : i32
      %div3A_387 = arith.divsi %add3A_95, %jit3A_386 : i32
      %sign3A_388 = arith.constant 0 : i32
      %sign3A_389 = arith.cmpi sgt, %add3A_95, %sign3A_388 : i32
      %sign3A_390 = arith.extui %sign3A_389 : i1 to i32
      %sign3A_391 = arith.constant 0 : i32
      %sign3A_392 = arith.cmpi slt, %add3A_95, %sign3A_391 : i32
      %sign3A_393 = arith.extui %sign3A_392 : i1 to i32
      %sign3A_394 = arith.subi %sign3A_390, %sign3A_393 : i32
      %sign3A_395 = arith.constant 0 : i32
      %sign3A_396 = arith.cmpi sgt, %jit3A_386, %sign3A_395 : i32
      %sign3A_397 = arith.extui %sign3A_396 : i1 to i32
      %sign3A_398 = arith.constant 0 : i32
      %sign3A_399 = arith.cmpi slt, %jit3A_386, %sign3A_398 : i32
      %sign3A_400 = arith.extui %sign3A_399 : i1 to i32
      %sign3A_401 = arith.subi %sign3A_397, %sign3A_400 : i32
      %ne3A_402 = arith.cmpi ne, %sign3A_394, %sign3A_401 : i32
      %rem3A_403 = arith.remsi %add3A_95, %jit3A_386 : i32
      %ne3A_404 = arith.constant 0 : i32
      %ne3A_405 = arith.cmpi ne, %rem3A_403, %ne3A_404 : i32
      %and3A_406 = arith.andi %ne3A_402, %ne3A_405 : i1
      %sub3A_407 = arith.constant 1 : i32
      %sub3A_408 = arith.subi %div3A_387, %sub3A_407 : i32
      %select_n3A_409 = arith.select %and3A_406, %sub3A_408, %div3A_387 : i32
      %jit3A_410 = arith.constant 8 : i32
      %eq3A_411 = arith.constant 0 : i32
      %eq3A_412 = arith.cmpi eq, %jit3A_410, %eq3A_411 : i32
      %jit3A_413 = arith.constant 1 : i32
      %select_n3A_414 = arith.select %eq3A_412, %jit3A_413, %jit3A_410 : i32
      %rem3A_415 = arith.remsi %add3A_95, %select_n3A_414 : i32
      %ne3A_416 = arith.constant 0 : i32
      %ne3A_417 = arith.cmpi ne, %rem3A_415, %ne3A_416 : i32
      %lt3A_418 = arith.constant 0 : i32
      %lt3A_419 = arith.cmpi slt, %rem3A_415, %lt3A_418 : i32
      %lt3A_420 = arith.constant 0 : i32
      %lt3A_421 = arith.cmpi slt, %select_n3A_414, %lt3A_420 : i32
      %ne3A_422 = arith.xori %lt3A_419, %lt3A_421 : i1
      %and3A_423 = arith.andi %ne3A_422, %ne3A_417 : i1
      %add3A_424 = arith.addi %rem3A_415, %select_n3A_414 : i32
      %select_n3A_425 = arith.select %and3A_423, %add3A_424, %rem3A_415 : i32
      %dma_start3A_426 = tpu.memref_reshape %arg9 : memref<1x5120xf32, #tpu.memory_space<vmem>> -> memref<40x128xf32, #tpu.memory_space<vmem>>
      %dma_start3A_427 = arith.constant 160 : i32
      %dma_start3A_428 = tpu.memref_slice %arg5[%dma_start3A_427, %select_n3A_409, %select_n3A_425, %mul3A_2] : memref<200x8x8x4096xf32, #tpu.memory_space<hbm>> -> memref<40x1x1x128xf32, #tpu.memory_space<hbm>>
      %dma_start3A_429 = tpu.memref_squeeze %dma_start3A_428 : memref<40x1x1x128xf32, #tpu.memory_space<hbm>> -> memref<40x128xf32, #tpu.memory_space<hbm>>
      %dma_start3A_430 = arith.constant 160 : i32
      %dma_start3A_431 = tpu.memref_slice %arg5[%dma_start3A_430, %select_n3A_409, %select_n3A_425, %mul3A_2] : memref<200x8x8x4096xf32, #tpu.memory_space<hbm>> -> memref<40x1x1x128xf32, #tpu.memory_space<hbm>>
      %dma_start3A_432 = tpu.memref_squeeze %dma_start3A_431 : memref<40x1x1x128xf32, #tpu.memory_space<hbm>> -> memref<40x128xf32, #tpu.memory_space<hbm>>
      %dma_start3A_433 = tpu.memref_reshape %arg9 : memref<1x5120xf32, #tpu.memory_space<vmem>> -> memref<40x128xf32, #tpu.memory_space<vmem>>
      tpu.enqueue_dma source(%dma_start3A_433 : memref<40x128xf32, #tpu.memory_space<vmem>>) target(%dma_start3A_432 : memref<40x128xf32, #tpu.memory_space<hbm>>) target_semaphore(%arg13 : memref<!tpu.dma_semaphore, #tpu.memory_space<semaphore_mem>>)
      %barrier3A_434 = arith.constant 0 : index
      tpu.barrier barrier_id(%barrier3A_434)
      %add3A_435 = arith.constant 1 : i32
      %add3A_436 = arith.addi %add3A_95, %add3A_435 : i32
      %lt3A_437 = arith.constant 64 : i32
      %lt3A_438 = arith.cmpi slt, %add3A_436, %lt3A_437 : i32
      %convert_element_type3A_439 = arith.extui %lt3A_438 : i1 to i32
      %cond3A_440 = arith.constant 0 : i32
      %cond3A_441 = arith.cmpi ne, %convert_element_type3A_439, %cond3A_440 : i32
      scf.if %cond3A_441 {
        %add3A_822 = arith.constant 1 : i32
        %add3A_823 = arith.addi %add3A_95, %add3A_822 : i32
        %add3A_824 = arith.constant 0 : i32
        %add3A_825 = arith.addi %arg1, %add3A_824 : i32
        %lt3A_826 = arith.constant 126 : i32
        %lt3A_827 = arith.cmpi slt, %add3A_825, %lt3A_826 : i32
        %convert_element_type3A_828 = arith.extui %lt3A_827 : i1 to i32
        %cond3A_829 = arith.constant 0 : i32
        %cond3A_830 = arith.cmpi ne, %convert_element_type3A_828, %cond3A_829 : i32
        scf.if %cond3A_830 {
          %mul3A_885 = arith.constant 7936 : i32
          %mul3A_886 = arith.muli %add3A_825, %mul3A_885 : i32
          "tpu.region"() ({
            %run_scoped3A = tpu.sem_alloc : memref<!tpu.dma_semaphore, #tpu.memory_space<semaphore_mem>>
            %dma_start3A_889 = tpu.memref_slice %arg3[%add3A_823, %mul3A_886] : memref<64x1000000xf32, #tpu.memory_space<hbm>> -> memref<1x7936xf32, #tpu.memory_space<hbm>>
            %dma_start3A_890 = tpu.memref_squeeze %dma_start3A_889 : memref<1x7936xf32, #tpu.memory_space<hbm>> -> memref<7936xf32, #tpu.memory_space<hbm>>
            %dma_start3A_891 = tpu.memref_slice %arg3[%add3A_823, %mul3A_886] : memref<64x1000000xf32, #tpu.memory_space<hbm>> -> memref<1x7936xf32, #tpu.memory_space<hbm>>
            %dma_start3A_892 = tpu.memref_squeeze %dma_start3A_891 : memref<1x7936xf32, #tpu.memory_space<hbm>> -> memref<7936xf32, #tpu.memory_space<hbm>>
            tpu.enqueue_dma source(%dma_start3A_892 : memref<7936xf32, #tpu.memory_space<hbm>>) target(%arg8 : memref<7936xf32, #tpu.memory_space<vmem>>) target_semaphore(%run_scoped3A : memref<!tpu.dma_semaphore, #tpu.memory_space<semaphore_mem>>)
            %dma_wait3A_893 = tpu.memref_slice %arg3[%add3A_823, %mul3A_886] : memref<64x1000000xf32, #tpu.memory_space<hbm>> -> memref<1x7936xf32, #tpu.memory_space<hbm>>
            %dma_wait3A_894 = tpu.memref_squeeze %dma_wait3A_893 : memref<1x7936xf32, #tpu.memory_space<hbm>> -> memref<7936xf32, #tpu.memory_space<hbm>>
            %dma_wait3A_895 = tpu.memref_slice %arg3[%add3A_823, %mul3A_886] : memref<64x1000000xf32, #tpu.memory_space<hbm>> -> memref<1x7936xf32, #tpu.memory_space<hbm>>
            %dma_wait3A_896 = tpu.memref_squeeze %dma_wait3A_895 : memref<1x7936xf32, #tpu.memory_space<hbm>> -> memref<7936xf32, #tpu.memory_space<hbm>>
            tpu.wait_dma2 semaphore(%run_scoped3A : memref<!tpu.dma_semaphore, #tpu.memory_space<semaphore_mem>>) src(%dma_wait3A_896 : memref<7936xf32, #tpu.memory_space<hbm>>) dst(%arg8 : memref<7936xf32, #tpu.memory_space<vmem>>)
            tpu.yield
          }) : () -> ()
          %mul3A_887 = arith.constant 7936 : i32
          %mul3A_888 = arith.muli %add3A_825, %mul3A_887 : i32
          "tpu.region"() ({
            %run_scoped3A = tpu.sem_alloc : memref<!tpu.dma_semaphore, #tpu.memory_space<semaphore_mem>>
            %dma_start3A_889 = tpu.memref_slice %arg6[%mul3A_888] : memref<1000000xf32, #tpu.memory_space<vmem_shared>> -> memref<7936xf32, #tpu.memory_space<vmem_shared>>
            %dma_start3A_890 = tpu.memref_slice %arg6[%mul3A_888] : memref<1000000xf32, #tpu.memory_space<vmem_shared>> -> memref<7936xf32, #tpu.memory_space<vmem_shared>>
            tpu.enqueue_dma source(%arg8 : memref<7936xf32, #tpu.memory_space<vmem>>) target(%dma_start3A_890 : memref<7936xf32, #tpu.memory_space<vmem_shared>>) target_semaphore(%run_scoped3A : memref<!tpu.dma_semaphore, #tpu.memory_space<semaphore_mem>>)
            %dma_wait3A_891 = tpu.memref_slice %arg6[%mul3A_888] : memref<1000000xf32, #tpu.memory_space<vmem_shared>> -> memref<7936xf32, #tpu.memory_space<vmem_shared>>
            %dma_wait3A_892 = tpu.memref_slice %arg6[%mul3A_888] : memref<1000000xf32, #tpu.memory_space<vmem_shared>> -> memref<7936xf32, #tpu.memory_space<vmem_shared>>
            tpu.wait_dma2 semaphore(%run_scoped3A : memref<!tpu.dma_semaphore, #tpu.memory_space<semaphore_mem>>) src(%arg8 : memref<7936xf32, #tpu.memory_space<vmem>>) dst(%dma_wait3A_892 : memref<7936xf32, #tpu.memory_space<vmem_shared>>)
            tpu.yield
          }) : () -> ()
        } else {
        }
        %add3A_831 = arith.constant 16 : i32
        %add3A_832 = arith.addi %arg1, %add3A_831 : i32
        %lt3A_833 = arith.constant 126 : i32
        %lt3A_834 = arith.cmpi slt, %add3A_832, %lt3A_833 : i32
        %convert_element_type3A_835 = arith.extui %lt3A_834 : i1 to i32
        %cond3A_836 = arith.constant 0 : i32
        %cond3A_837 = arith.cmpi ne, %convert_element_type3A_835, %cond3A_836 : i32
        scf.if %cond3A_837 {
          %mul3A_885 = arith.constant 7936 : i32
          %mul3A_886 = arith.muli %add3A_832, %mul3A_885 : i32
          "tpu.region"() ({
            %run_scoped3A = tpu.sem_alloc : memref<!tpu.dma_semaphore, #tpu.memory_space<semaphore_mem>>
            %dma_start3A_889 = tpu.memref_slice %arg3[%add3A_823, %mul3A_886] : memref<64x1000000xf32, #tpu.memory_space<hbm>> -> memref<1x7936xf32, #tpu.memory_space<hbm>>
            %dma_start3A_890 = tpu.memref_squeeze %dma_start3A_889 : memref<1x7936xf32, #tpu.memory_space<hbm>> -> memref<7936xf32, #tpu.memory_space<hbm>>
            %dma_start3A_891 = tpu.memref_slice %arg3[%add3A_823, %mul3A_886] : memref<64x1000000xf32, #tpu.memory_space<hbm>> -> memref<1x7936xf32, #tpu.memory_space<hbm>>
            %dma_start3A_892 = tpu.memref_squeeze %dma_start3A_891 : memref<1x7936xf32, #tpu.memory_space<hbm>> -> memref<7936xf32, #tpu.memory_space<hbm>>
            tpu.enqueue_dma source(%dma_start3A_892 : memref<7936xf32, #tpu.memory_space<hbm>>) target(%arg8 : memref<7936xf32, #tpu.memory_space<vmem>>) target_semaphore(%run_scoped3A : memref<!tpu.dma_semaphore, #tpu.memory_space<semaphore_mem>>)
            %dma_wait3A_893 = tpu.memref_slice %arg3[%add3A_823, %mul3A_886] : memref<64x1000000xf32, #tpu.memory_space<hbm>> -> memref<1x7936xf32, #tpu.memory_space<hbm>>
            %dma_wait3A_894 = tpu.memref_squeeze %dma_wait3A_893 : memref<1x7936xf32, #tpu.memory_space<hbm>> -> memref<7936xf32, #tpu.memory_space<hbm>>
            %dma_wait3A_895 = tpu.memref_slice %arg3[%add3A_823, %mul3A_886] : memref<64x1000000xf32, #tpu.memory_space<hbm>> -> memref<1x7936xf32, #tpu.memory_space<hbm>>
            %dma_wait3A_896 = tpu.memref_squeeze %dma_wait3A_895 : memref<1x7936xf32, #tpu.memory_space<hbm>> -> memref<7936xf32, #tpu.memory_space<hbm>>
            tpu.wait_dma2 semaphore(%run_scoped3A : memref<!tpu.dma_semaphore, #tpu.memory_space<semaphore_mem>>) src(%dma_wait3A_896 : memref<7936xf32, #tpu.memory_space<hbm>>) dst(%arg8 : memref<7936xf32, #tpu.memory_space<vmem>>)
            tpu.yield
          }) : () -> ()
          %mul3A_887 = arith.constant 7936 : i32
          %mul3A_888 = arith.muli %add3A_832, %mul3A_887 : i32
          "tpu.region"() ({
            %run_scoped3A = tpu.sem_alloc : memref<!tpu.dma_semaphore, #tpu.memory_space<semaphore_mem>>
            %dma_start3A_889 = tpu.memref_slice %arg6[%mul3A_888] : memref<1000000xf32, #tpu.memory_space<vmem_shared>> -> memref<7936xf32, #tpu.memory_space<vmem_shared>>
            %dma_start3A_890 = tpu.memref_slice %arg6[%mul3A_888] : memref<1000000xf32, #tpu.memory_space<vmem_shared>> -> memref<7936xf32, #tpu.memory_space<vmem_shared>>
            tpu.enqueue_dma source(%arg8 : memref<7936xf32, #tpu.memory_space<vmem>>) target(%dma_start3A_890 : memref<7936xf32, #tpu.memory_space<vmem_shared>>) target_semaphore(%run_scoped3A : memref<!tpu.dma_semaphore, #tpu.memory_space<semaphore_mem>>)
            %dma_wait3A_891 = tpu.memref_slice %arg6[%mul3A_888] : memref<1000000xf32, #tpu.memory_space<vmem_shared>> -> memref<7936xf32, #tpu.memory_space<vmem_shared>>
            %dma_wait3A_892 = tpu.memref_slice %arg6[%mul3A_888] : memref<1000000xf32, #tpu.memory_space<vmem_shared>> -> memref<7936xf32, #tpu.memory_space<vmem_shared>>
            tpu.wait_dma2 semaphore(%run_scoped3A : memref<!tpu.dma_semaphore, #tpu.memory_space<semaphore_mem>>) src(%arg8 : memref<7936xf32, #tpu.memory_space<vmem>>) dst(%dma_wait3A_892 : memref<7936xf32, #tpu.memory_space<vmem_shared>>)
            tpu.yield
          }) : () -> ()
        } else {
        }
        %add3A_838 = arith.constant 32 : i32
        %add3A_839 = arith.addi %arg1, %add3A_838 : i32
        %lt3A_840 = arith.constant 126 : i32
        %lt3A_841 = arith.cmpi slt, %add3A_839, %lt3A_840 : i32
        %convert_element_type3A_842 = arith.extui %lt3A_841 : i1 to i32
        %cond3A_843 = arith.constant 0 : i32
        %cond3A_844 = arith.cmpi ne, %convert_element_type3A_842, %cond3A_843 : i32
        scf.if %cond3A_844 {
          %mul3A_885 = arith.constant 7936 : i32
          %mul3A_886 = arith.muli %add3A_839, %mul3A_885 : i32
          "tpu.region"() ({
            %run_scoped3A = tpu.sem_alloc : memref<!tpu.dma_semaphore, #tpu.memory_space<semaphore_mem>>
            %dma_start3A_889 = tpu.memref_slice %arg3[%add3A_823, %mul3A_886] : memref<64x1000000xf32, #tpu.memory_space<hbm>> -> memref<1x7936xf32, #tpu.memory_space<hbm>>
            %dma_start3A_890 = tpu.memref_squeeze %dma_start3A_889 : memref<1x7936xf32, #tpu.memory_space<hbm>> -> memref<7936xf32, #tpu.memory_space<hbm>>
            %dma_start3A_891 = tpu.memref_slice %arg3[%add3A_823, %mul3A_886] : memref<64x1000000xf32, #tpu.memory_space<hbm>> -> memref<1x7936xf32, #tpu.memory_space<hbm>>
            %dma_start3A_892 = tpu.memref_squeeze %dma_start3A_891 : memref<1x7936xf32, #tpu.memory_space<hbm>> -> memref<7936xf32, #tpu.memory_space<hbm>>
            tpu.enqueue_dma source(%dma_start3A_892 : memref<7936xf32, #tpu.memory_space<hbm>>) target(%arg8 : memref<7936xf32, #tpu.memory_space<vmem>>) target_semaphore(%run_scoped3A : memref<!tpu.dma_semaphore, #tpu.memory_space<semaphore_mem>>)
            %dma_wait3A_893 = tpu.memref_slice %arg3[%add3A_823, %mul3A_886] : memref<64x1000000xf32, #tpu.memory_space<hbm>> -> memref<1x7936xf32, #tpu.memory_space<hbm>>
            %dma_wait3A_894 = tpu.memref_squeeze %dma_wait3A_893 : memref<1x7936xf32, #tpu.memory_space<hbm>> -> memref<7936xf32, #tpu.memory_space<hbm>>
            %dma_wait3A_895 = tpu.memref_slice %arg3[%add3A_823, %mul3A_886] : memref<64x1000000xf32, #tpu.memory_space<hbm>> -> memref<1x7936xf32, #tpu.memory_space<hbm>>
            %dma_wait3A_896 = tpu.memref_squeeze %dma_wait3A_895 : memref<1x7936xf32, #tpu.memory_space<hbm>> -> memref<7936xf32, #tpu.memory_space<hbm>>
            tpu.wait_dma2 semaphore(%run_scoped3A : memref<!tpu.dma_semaphore, #tpu.memory_space<semaphore_mem>>) src(%dma_wait3A_896 : memref<7936xf32, #tpu.memory_space<hbm>>) dst(%arg8 : memref<7936xf32, #tpu.memory_space<vmem>>)
            tpu.yield
          }) : () -> ()
          %mul3A_887 = arith.constant 7936 : i32
          %mul3A_888 = arith.muli %add3A_839, %mul3A_887 : i32
          "tpu.region"() ({
            %run_scoped3A = tpu.sem_alloc : memref<!tpu.dma_semaphore, #tpu.memory_space<semaphore_mem>>
            %dma_start3A_889 = tpu.memref_slice %arg6[%mul3A_888] : memref<1000000xf32, #tpu.memory_space<vmem_shared>> -> memref<7936xf32, #tpu.memory_space<vmem_shared>>
            %dma_start3A_890 = tpu.memref_slice %arg6[%mul3A_888] : memref<1000000xf32, #tpu.memory_space<vmem_shared>> -> memref<7936xf32, #tpu.memory_space<vmem_shared>>
            tpu.enqueue_dma source(%arg8 : memref<7936xf32, #tpu.memory_space<vmem>>) target(%dma_start3A_890 : memref<7936xf32, #tpu.memory_space<vmem_shared>>) target_semaphore(%run_scoped3A : memref<!tpu.dma_semaphore, #tpu.memory_space<semaphore_mem>>)
            %dma_wait3A_891 = tpu.memref_slice %arg6[%mul3A_888] : memref<1000000xf32, #tpu.memory_space<vmem_shared>> -> memref<7936xf32, #tpu.memory_space<vmem_shared>>
            %dma_wait3A_892 = tpu.memref_slice %arg6[%mul3A_888] : memref<1000000xf32, #tpu.memory_space<vmem_shared>> -> memref<7936xf32, #tpu.memory_space<vmem_shared>>
            tpu.wait_dma2 semaphore(%run_scoped3A : memref<!tpu.dma_semaphore, #tpu.memory_space<semaphore_mem>>) src(%arg8 : memref<7936xf32, #tpu.memory_space<vmem>>) dst(%dma_wait3A_892 : memref<7936xf32, #tpu.memory_space<vmem_shared>>)
            tpu.yield
          }) : () -> ()
        } else {
        }
        %add3A_845 = arith.constant 48 : i32
        %add3A_846 = arith.addi %arg1, %add3A_845 : i32
        %lt3A_847 = arith.constant 126 : i32
        %lt3A_848 = arith.cmpi slt, %add3A_846, %lt3A_847 : i32
        %convert_element_type3A_849 = arith.extui %lt3A_848 : i1 to i32
        %cond3A_850 = arith.constant 0 : i32
        %cond3A_851 = arith.cmpi ne, %convert_element_type3A_849, %cond3A_850 : i32
        scf.if %cond3A_851 {
          %mul3A_885 = arith.constant 7936 : i32
          %mul3A_886 = arith.muli %add3A_846, %mul3A_885 : i32
          "tpu.region"() ({
            %run_scoped3A = tpu.sem_alloc : memref<!tpu.dma_semaphore, #tpu.memory_space<semaphore_mem>>
            %dma_start3A_889 = tpu.memref_slice %arg3[%add3A_823, %mul3A_886] : memref<64x1000000xf32, #tpu.memory_space<hbm>> -> memref<1x7936xf32, #tpu.memory_space<hbm>>
            %dma_start3A_890 = tpu.memref_squeeze %dma_start3A_889 : memref<1x7936xf32, #tpu.memory_space<hbm>> -> memref<7936xf32, #tpu.memory_space<hbm>>
            %dma_start3A_891 = tpu.memref_slice %arg3[%add3A_823, %mul3A_886] : memref<64x1000000xf32, #tpu.memory_space<hbm>> -> memref<1x7936xf32, #tpu.memory_space<hbm>>
            %dma_start3A_892 = tpu.memref_squeeze %dma_start3A_891 : memref<1x7936xf32, #tpu.memory_space<hbm>> -> memref<7936xf32, #tpu.memory_space<hbm>>
            tpu.enqueue_dma source(%dma_start3A_892 : memref<7936xf32, #tpu.memory_space<hbm>>) target(%arg8 : memref<7936xf32, #tpu.memory_space<vmem>>) target_semaphore(%run_scoped3A : memref<!tpu.dma_semaphore, #tpu.memory_space<semaphore_mem>>)
            %dma_wait3A_893 = tpu.memref_slice %arg3[%add3A_823, %mul3A_886] : memref<64x1000000xf32, #tpu.memory_space<hbm>> -> memref<1x7936xf32, #tpu.memory_space<hbm>>
            %dma_wait3A_894 = tpu.memref_squeeze %dma_wait3A_893 : memref<1x7936xf32, #tpu.memory_space<hbm>> -> memref<7936xf32, #tpu.memory_space<hbm>>
            %dma_wait3A_895 = tpu.memref_slice %arg3[%add3A_823, %mul3A_886] : memref<64x1000000xf32, #tpu.memory_space<hbm>> -> memref<1x7936xf32, #tpu.memory_space<hbm>>
            %dma_wait3A_896 = tpu.memref_squeeze %dma_wait3A_895 : memref<1x7936xf32, #tpu.memory_space<hbm>> -> memref<7936xf32, #tpu.memory_space<hbm>>
            tpu.wait_dma2 semaphore(%run_scoped3A : memref<!tpu.dma_semaphore, #tpu.memory_space<semaphore_mem>>) src(%dma_wait3A_896 : memref<7936xf32, #tpu.memory_space<hbm>>) dst(%arg8 : memref<7936xf32, #tpu.memory_space<vmem>>)
            tpu.yield
          }) : () -> ()
          %mul3A_887 = arith.constant 7936 : i32
          %mul3A_888 = arith.muli %add3A_846, %mul3A_887 : i32
          "tpu.region"() ({
            %run_scoped3A = tpu.sem_alloc : memref<!tpu.dma_semaphore, #tpu.memory_space<semaphore_mem>>
            %dma_start3A_889 = tpu.memref_slice %arg6[%mul3A_888] : memref<1000000xf32, #tpu.memory_space<vmem_shared>> -> memref<7936xf32, #tpu.memory_space<vmem_shared>>
            %dma_start3A_890 = tpu.memref_slice %arg6[%mul3A_888] : memref<1000000xf32, #tpu.memory_space<vmem_shared>> -> memref<7936xf32, #tpu.memory_space<vmem_shared>>
            tpu.enqueue_dma source(%arg8 : memref<7936xf32, #tpu.memory_space<vmem>>) target(%dma_start3A_890 : memref<7936xf32, #tpu.memory_space<vmem_shared>>) target_semaphore(%run_scoped3A : memref<!tpu.dma_semaphore, #tpu.memory_space<semaphore_mem>>)
            %dma_wait3A_891 = tpu.memref_slice %arg6[%mul3A_888] : memref<1000000xf32, #tpu.memory_space<vmem_shared>> -> memref<7936xf32, #tpu.memory_space<vmem_shared>>
            %dma_wait3A_892 = tpu.memref_slice %arg6[%mul3A_888] : memref<1000000xf32, #tpu.memory_space<vmem_shared>> -> memref<7936xf32, #tpu.memory_space<vmem_shared>>
            tpu.wait_dma2 semaphore(%run_scoped3A : memref<!tpu.dma_semaphore, #tpu.memory_space<semaphore_mem>>) src(%arg8 : memref<7936xf32, #tpu.memory_space<vmem>>) dst(%dma_wait3A_892 : memref<7936xf32, #tpu.memory_space<vmem_shared>>)
            tpu.yield
          }) : () -> ()
        } else {
        }
        %add3A_852 = arith.constant 64 : i32
        %add3A_853 = arith.addi %arg1, %add3A_852 : i32
        %lt3A_854 = arith.constant 126 : i32
        %lt3A_855 = arith.cmpi slt, %add3A_853, %lt3A_854 : i32
        %convert_element_type3A_856 = arith.extui %lt3A_855 : i1 to i32
        %cond3A_857 = arith.constant 0 : i32
        %cond3A_858 = arith.cmpi ne, %convert_element_type3A_856, %cond3A_857 : i32
        scf.if %cond3A_858 {
          %mul3A_885 = arith.constant 7936 : i32
          %mul3A_886 = arith.muli %add3A_853, %mul3A_885 : i32
          "tpu.region"() ({
            %run_scoped3A = tpu.sem_alloc : memref<!tpu.dma_semaphore, #tpu.memory_space<semaphore_mem>>
            %dma_start3A_889 = tpu.memref_slice %arg3[%add3A_823, %mul3A_886] : memref<64x1000000xf32, #tpu.memory_space<hbm>> -> memref<1x7936xf32, #tpu.memory_space<hbm>>
            %dma_start3A_890 = tpu.memref_squeeze %dma_start3A_889 : memref<1x7936xf32, #tpu.memory_space<hbm>> -> memref<7936xf32, #tpu.memory_space<hbm>>
            %dma_start3A_891 = tpu.memref_slice %arg3[%add3A_823, %mul3A_886] : memref<64x1000000xf32, #tpu.memory_space<hbm>> -> memref<1x7936xf32, #tpu.memory_space<hbm>>
            %dma_start3A_892 = tpu.memref_squeeze %dma_start3A_891 : memref<1x7936xf32, #tpu.memory_space<hbm>> -> memref<7936xf32, #tpu.memory_space<hbm>>
            tpu.enqueue_dma source(%dma_start3A_892 : memref<7936xf32, #tpu.memory_space<hbm>>) target(%arg8 : memref<7936xf32, #tpu.memory_space<vmem>>) target_semaphore(%run_scoped3A : memref<!tpu.dma_semaphore, #tpu.memory_space<semaphore_mem>>)
            %dma_wait3A_893 = tpu.memref_slice %arg3[%add3A_823, %mul3A_886] : memref<64x1000000xf32, #tpu.memory_space<hbm>> -> memref<1x7936xf32, #tpu.memory_space<hbm>>
            %dma_wait3A_894 = tpu.memref_squeeze %dma_wait3A_893 : memref<1x7936xf32, #tpu.memory_space<hbm>> -> memref<7936xf32, #tpu.memory_space<hbm>>
            %dma_wait3A_895 = tpu.memref_slice %arg3[%add3A_823, %mul3A_886] : memref<64x1000000xf32, #tpu.memory_space<hbm>> -> memref<1x7936xf32, #tpu.memory_space<hbm>>
            %dma_wait3A_896 = tpu.memref_squeeze %dma_wait3A_895 : memref<1x7936xf32, #tpu.memory_space<hbm>> -> memref<7936xf32, #tpu.memory_space<hbm>>
            tpu.wait_dma2 semaphore(%run_scoped3A : memref<!tpu.dma_semaphore, #tpu.memory_space<semaphore_mem>>) src(%dma_wait3A_896 : memref<7936xf32, #tpu.memory_space<hbm>>) dst(%arg8 : memref<7936xf32, #tpu.memory_space<vmem>>)
            tpu.yield
          }) : () -> ()
          %mul3A_887 = arith.constant 7936 : i32
          %mul3A_888 = arith.muli %add3A_853, %mul3A_887 : i32
          "tpu.region"() ({
            %run_scoped3A = tpu.sem_alloc : memref<!tpu.dma_semaphore, #tpu.memory_space<semaphore_mem>>
            %dma_start3A_889 = tpu.memref_slice %arg6[%mul3A_888] : memref<1000000xf32, #tpu.memory_space<vmem_shared>> -> memref<7936xf32, #tpu.memory_space<vmem_shared>>
            %dma_start3A_890 = tpu.memref_slice %arg6[%mul3A_888] : memref<1000000xf32, #tpu.memory_space<vmem_shared>> -> memref<7936xf32, #tpu.memory_space<vmem_shared>>
            tpu.enqueue_dma source(%arg8 : memref<7936xf32, #tpu.memory_space<vmem>>) target(%dma_start3A_890 : memref<7936xf32, #tpu.memory_space<vmem_shared>>) target_semaphore(%run_scoped3A : memref<!tpu.dma_semaphore, #tpu.memory_space<semaphore_mem>>)
            %dma_wait3A_891 = tpu.memref_slice %arg6[%mul3A_888] : memref<1000000xf32, #tpu.memory_space<vmem_shared>> -> memref<7936xf32, #tpu.memory_space<vmem_shared>>
            %dma_wait3A_892 = tpu.memref_slice %arg6[%mul3A_888] : memref<1000000xf32, #tpu.memory_space<vmem_shared>> -> memref<7936xf32, #tpu.memory_space<vmem_shared>>
            tpu.wait_dma2 semaphore(%run_scoped3A : memref<!tpu.dma_semaphore, #tpu.memory_space<semaphore_mem>>) src(%arg8 : memref<7936xf32, #tpu.memory_space<vmem>>) dst(%dma_wait3A_892 : memref<7936xf32, #tpu.memory_space<vmem_shared>>)
            tpu.yield
          }) : () -> ()
        } else {
        }
        %add3A_859 = arith.constant 80 : i32
        %add3A_860 = arith.addi %arg1, %add3A_859 : i32
        %lt3A_861 = arith.constant 126 : i32
        %lt3A_862 = arith.cmpi slt, %add3A_860, %lt3A_861 : i32
        %convert_element_type3A_863 = arith.extui %lt3A_862 : i1 to i32
        %cond3A_864 = arith.constant 0 : i32
        %cond3A_865 = arith.cmpi ne, %convert_element_type3A_863, %cond3A_864 : i32
        scf.if %cond3A_865 {
          %mul3A_885 = arith.constant 7936 : i32
          %mul3A_886 = arith.muli %add3A_860, %mul3A_885 : i32
          "tpu.region"() ({
            %run_scoped3A = tpu.sem_alloc : memref<!tpu.dma_semaphore, #tpu.memory_space<semaphore_mem>>
            %dma_start3A_889 = tpu.memref_slice %arg3[%add3A_823, %mul3A_886] : memref<64x1000000xf32, #tpu.memory_space<hbm>> -> memref<1x7936xf32, #tpu.memory_space<hbm>>
            %dma_start3A_890 = tpu.memref_squeeze %dma_start3A_889 : memref<1x7936xf32, #tpu.memory_space<hbm>> -> memref<7936xf32, #tpu.memory_space<hbm>>
            %dma_start3A_891 = tpu.memref_slice %arg3[%add3A_823, %mul3A_886] : memref<64x1000000xf32, #tpu.memory_space<hbm>> -> memref<1x7936xf32, #tpu.memory_space<hbm>>
            %dma_start3A_892 = tpu.memref_squeeze %dma_start3A_891 : memref<1x7936xf32, #tpu.memory_space<hbm>> -> memref<7936xf32, #tpu.memory_space<hbm>>
            tpu.enqueue_dma source(%dma_start3A_892 : memref<7936xf32, #tpu.memory_space<hbm>>) target(%arg8 : memref<7936xf32, #tpu.memory_space<vmem>>) target_semaphore(%run_scoped3A : memref<!tpu.dma_semaphore, #tpu.memory_space<semaphore_mem>>)
            %dma_wait3A_893 = tpu.memref_slice %arg3[%add3A_823, %mul3A_886] : memref<64x1000000xf32, #tpu.memory_space<hbm>> -> memref<1x7936xf32, #tpu.memory_space<hbm>>
            %dma_wait3A_894 = tpu.memref_squeeze %dma_wait3A_893 : memref<1x7936xf32, #tpu.memory_space<hbm>> -> memref<7936xf32, #tpu.memory_space<hbm>>
            %dma_wait3A_895 = tpu.memref_slice %arg3[%add3A_823, %mul3A_886] : memref<64x1000000xf32, #tpu.memory_space<hbm>> -> memref<1x7936xf32, #tpu.memory_space<hbm>>
            %dma_wait3A_896 = tpu.memref_squeeze %dma_wait3A_895 : memref<1x7936xf32, #tpu.memory_space<hbm>> -> memref<7936xf32, #tpu.memory_space<hbm>>
            tpu.wait_dma2 semaphore(%run_scoped3A : memref<!tpu.dma_semaphore, #tpu.memory_space<semaphore_mem>>) src(%dma_wait3A_896 : memref<7936xf32, #tpu.memory_space<hbm>>) dst(%arg8 : memref<7936xf32, #tpu.memory_space<vmem>>)
            tpu.yield
          }) : () -> ()
          %mul3A_887 = arith.constant 7936 : i32
          %mul3A_888 = arith.muli %add3A_860, %mul3A_887 : i32
          "tpu.region"() ({
            %run_scoped3A = tpu.sem_alloc : memref<!tpu.dma_semaphore, #tpu.memory_space<semaphore_mem>>
            %dma_start3A_889 = tpu.memref_slice %arg6[%mul3A_888] : memref<1000000xf32, #tpu.memory_space<vmem_shared>> -> memref<7936xf32, #tpu.memory_space<vmem_shared>>
            %dma_start3A_890 = tpu.memref_slice %arg6[%mul3A_888] : memref<1000000xf32, #tpu.memory_space<vmem_shared>> -> memref<7936xf32, #tpu.memory_space<vmem_shared>>
            tpu.enqueue_dma source(%arg8 : memref<7936xf32, #tpu.memory_space<vmem>>) target(%dma_start3A_890 : memref<7936xf32, #tpu.memory_space<vmem_shared>>) target_semaphore(%run_scoped3A : memref<!tpu.dma_semaphore, #tpu.memory_space<semaphore_mem>>)
            %dma_wait3A_891 = tpu.memref_slice %arg6[%mul3A_888] : memref<1000000xf32, #tpu.memory_space<vmem_shared>> -> memref<7936xf32, #tpu.memory_space<vmem_shared>>
            %dma_wait3A_892 = tpu.memref_slice %arg6[%mul3A_888] : memref<1000000xf32, #tpu.memory_space<vmem_shared>> -> memref<7936xf32, #tpu.memory_space<vmem_shared>>
            tpu.wait_dma2 semaphore(%run_scoped3A : memref<!tpu.dma_semaphore, #tpu.memory_space<semaphore_mem>>) src(%arg8 : memref<7936xf32, #tpu.memory_space<vmem>>) dst(%dma_wait3A_892 : memref<7936xf32, #tpu.memory_space<vmem_shared>>)
            tpu.yield
          }) : () -> ()
        } else {
        }
        %add3A_866 = arith.constant 96 : i32
        %add3A_867 = arith.addi %arg1, %add3A_866 : i32
        %lt3A_868 = arith.constant 126 : i32
        %lt3A_869 = arith.cmpi slt, %add3A_867, %lt3A_868 : i32
        %convert_element_type3A_870 = arith.extui %lt3A_869 : i1 to i32
        %cond3A_871 = arith.constant 0 : i32
        %cond3A_872 = arith.cmpi ne, %convert_element_type3A_870, %cond3A_871 : i32
        scf.if %cond3A_872 {
          %mul3A_885 = arith.constant 7936 : i32
          %mul3A_886 = arith.muli %add3A_867, %mul3A_885 : i32
          "tpu.region"() ({
            %run_scoped3A = tpu.sem_alloc : memref<!tpu.dma_semaphore, #tpu.memory_space<semaphore_mem>>
            %dma_start3A_889 = tpu.memref_slice %arg3[%add3A_823, %mul3A_886] : memref<64x1000000xf32, #tpu.memory_space<hbm>> -> memref<1x7936xf32, #tpu.memory_space<hbm>>
            %dma_start3A_890 = tpu.memref_squeeze %dma_start3A_889 : memref<1x7936xf32, #tpu.memory_space<hbm>> -> memref<7936xf32, #tpu.memory_space<hbm>>
            %dma_start3A_891 = tpu.memref_slice %arg3[%add3A_823, %mul3A_886] : memref<64x1000000xf32, #tpu.memory_space<hbm>> -> memref<1x7936xf32, #tpu.memory_space<hbm>>
            %dma_start3A_892 = tpu.memref_squeeze %dma_start3A_891 : memref<1x7936xf32, #tpu.memory_space<hbm>> -> memref<7936xf32, #tpu.memory_space<hbm>>
            tpu.enqueue_dma source(%dma_start3A_892 : memref<7936xf32, #tpu.memory_space<hbm>>) target(%arg8 : memref<7936xf32, #tpu.memory_space<vmem>>) target_semaphore(%run_scoped3A : memref<!tpu.dma_semaphore, #tpu.memory_space<semaphore_mem>>)
            %dma_wait3A_893 = tpu.memref_slice %arg3[%add3A_823, %mul3A_886] : memref<64x1000000xf32, #tpu.memory_space<hbm>> -> memref<1x7936xf32, #tpu.memory_space<hbm>>
            %dma_wait3A_894 = tpu.memref_squeeze %dma_wait3A_893 : memref<1x7936xf32, #tpu.memory_space<hbm>> -> memref<7936xf32, #tpu.memory_space<hbm>>
            %dma_wait3A_895 = tpu.memref_slice %arg3[%add3A_823, %mul3A_886] : memref<64x1000000xf32, #tpu.memory_space<hbm>> -> memref<1x7936xf32, #tpu.memory_space<hbm>>
            %dma_wait3A_896 = tpu.memref_squeeze %dma_wait3A_895 : memref<1x7936xf32, #tpu.memory_space<hbm>> -> memref<7936xf32, #tpu.memory_space<hbm>>
            tpu.wait_dma2 semaphore(%run_scoped3A : memref<!tpu.dma_semaphore, #tpu.memory_space<semaphore_mem>>) src(%dma_wait3A_896 : memref<7936xf32, #tpu.memory_space<hbm>>) dst(%arg8 : memref<7936xf32, #tpu.memory_space<vmem>>)
            tpu.yield
          }) : () -> ()
          %mul3A_887 = arith.constant 7936 : i32
          %mul3A_888 = arith.muli %add3A_867, %mul3A_887 : i32
          "tpu.region"() ({
            %run_scoped3A = tpu.sem_alloc : memref<!tpu.dma_semaphore, #tpu.memory_space<semaphore_mem>>
            %dma_start3A_889 = tpu.memref_slice %arg6[%mul3A_888] : memref<1000000xf32, #tpu.memory_space<vmem_shared>> -> memref<7936xf32, #tpu.memory_space<vmem_shared>>
            %dma_start3A_890 = tpu.memref_slice %arg6[%mul3A_888] : memref<1000000xf32, #tpu.memory_space<vmem_shared>> -> memref<7936xf32, #tpu.memory_space<vmem_shared>>
            tpu.enqueue_dma source(%arg8 : memref<7936xf32, #tpu.memory_space<vmem>>) target(%dma_start3A_890 : memref<7936xf32, #tpu.memory_space<vmem_shared>>) target_semaphore(%run_scoped3A : memref<!tpu.dma_semaphore, #tpu.memory_space<semaphore_mem>>)
            %dma_wait3A_891 = tpu.memref_slice %arg6[%mul3A_888] : memref<1000000xf32, #tpu.memory_space<vmem_shared>> -> memref<7936xf32, #tpu.memory_space<vmem_shared>>
            %dma_wait3A_892 = tpu.memref_slice %arg6[%mul3A_888] : memref<1000000xf32, #tpu.memory_space<vmem_shared>> -> memref<7936xf32, #tpu.memory_space<vmem_shared>>
            tpu.wait_dma2 semaphore(%run_scoped3A : memref<!tpu.dma_semaphore, #tpu.memory_space<semaphore_mem>>) src(%arg8 : memref<7936xf32, #tpu.memory_space<vmem>>) dst(%dma_wait3A_892 : memref<7936xf32, #tpu.memory_space<vmem_shared>>)
            tpu.yield
          }) : () -> ()
        } else {
        }
        %add3A_873 = arith.constant 112 : i32
        %add3A_874 = arith.addi %arg1, %add3A_873 : i32
        %lt3A_875 = arith.constant 126 : i32
        %lt3A_876 = arith.cmpi slt, %add3A_874, %lt3A_875 : i32
        %convert_element_type3A_877 = arith.extui %lt3A_876 : i1 to i32
        %cond3A_878 = arith.constant 0 : i32
        %cond3A_879 = arith.cmpi ne, %convert_element_type3A_877, %cond3A_878 : i32
        scf.if %cond3A_879 {
          %mul3A_885 = arith.constant 7936 : i32
          %mul3A_886 = arith.muli %add3A_874, %mul3A_885 : i32
          "tpu.region"() ({
            %run_scoped3A = tpu.sem_alloc : memref<!tpu.dma_semaphore, #tpu.memory_space<semaphore_mem>>
            %dma_start3A_889 = tpu.memref_slice %arg3[%add3A_823, %mul3A_886] : memref<64x1000000xf32, #tpu.memory_space<hbm>> -> memref<1x7936xf32, #tpu.memory_space<hbm>>
            %dma_start3A_890 = tpu.memref_squeeze %dma_start3A_889 : memref<1x7936xf32, #tpu.memory_space<hbm>> -> memref<7936xf32, #tpu.memory_space<hbm>>
            %dma_start3A_891 = tpu.memref_slice %arg3[%add3A_823, %mul3A_886] : memref<64x1000000xf32, #tpu.memory_space<hbm>> -> memref<1x7936xf32, #tpu.memory_space<hbm>>
            %dma_start3A_892 = tpu.memref_squeeze %dma_start3A_891 : memref<1x7936xf32, #tpu.memory_space<hbm>> -> memref<7936xf32, #tpu.memory_space<hbm>>
            tpu.enqueue_dma source(%dma_start3A_892 : memref<7936xf32, #tpu.memory_space<hbm>>) target(%arg8 : memref<7936xf32, #tpu.memory_space<vmem>>) target_semaphore(%run_scoped3A : memref<!tpu.dma_semaphore, #tpu.memory_space<semaphore_mem>>)
            %dma_wait3A_893 = tpu.memref_slice %arg3[%add3A_823, %mul3A_886] : memref<64x1000000xf32, #tpu.memory_space<hbm>> -> memref<1x7936xf32, #tpu.memory_space<hbm>>
            %dma_wait3A_894 = tpu.memref_squeeze %dma_wait3A_893 : memref<1x7936xf32, #tpu.memory_space<hbm>> -> memref<7936xf32, #tpu.memory_space<hbm>>
            %dma_wait3A_895 = tpu.memref_slice %arg3[%add3A_823, %mul3A_886] : memref<64x1000000xf32, #tpu.memory_space<hbm>> -> memref<1x7936xf32, #tpu.memory_space<hbm>>
            %dma_wait3A_896 = tpu.memref_squeeze %dma_wait3A_895 : memref<1x7936xf32, #tpu.memory_space<hbm>> -> memref<7936xf32, #tpu.memory_space<hbm>>
            tpu.wait_dma2 semaphore(%run_scoped3A : memref<!tpu.dma_semaphore, #tpu.memory_space<semaphore_mem>>) src(%dma_wait3A_896 : memref<7936xf32, #tpu.memory_space<hbm>>) dst(%arg8 : memref<7936xf32, #tpu.memory_space<vmem>>)
            tpu.yield
          }) : () -> ()
          %mul3A_887 = arith.constant 7936 : i32
          %mul3A_888 = arith.muli %add3A_874, %mul3A_887 : i32
          "tpu.region"() ({
            %run_scoped3A = tpu.sem_alloc : memref<!tpu.dma_semaphore, #tpu.memory_space<semaphore_mem>>
            %dma_start3A_889 = tpu.memref_slice %arg6[%mul3A_888] : memref<1000000xf32, #tpu.memory_space<vmem_shared>> -> memref<7936xf32, #tpu.memory_space<vmem_shared>>
            %dma_start3A_890 = tpu.memref_slice %arg6[%mul3A_888] : memref<1000000xf32, #tpu.memory_space<vmem_shared>> -> memref<7936xf32, #tpu.memory_space<vmem_shared>>
            tpu.enqueue_dma source(%arg8 : memref<7936xf32, #tpu.memory_space<vmem>>) target(%dma_start3A_890 : memref<7936xf32, #tpu.memory_space<vmem_shared>>) target_semaphore(%run_scoped3A : memref<!tpu.dma_semaphore, #tpu.memory_space<semaphore_mem>>)
            %dma_wait3A_891 = tpu.memref_slice %arg6[%mul3A_888] : memref<1000000xf32, #tpu.memory_space<vmem_shared>> -> memref<7936xf32, #tpu.memory_space<vmem_shared>>
            %dma_wait3A_892 = tpu.memref_slice %arg6[%mul3A_888] : memref<1000000xf32, #tpu.memory_space<vmem_shared>> -> memref<7936xf32, #tpu.memory_space<vmem_shared>>
            tpu.wait_dma2 semaphore(%run_scoped3A : memref<!tpu.dma_semaphore, #tpu.memory_space<semaphore_mem>>) src(%arg8 : memref<7936xf32, #tpu.memory_space<vmem>>) dst(%dma_wait3A_892 : memref<7936xf32, #tpu.memory_space<vmem_shared>>)
            tpu.yield
          }) : () -> ()
        } else {
        }
        %eq3A_880 = arith.constant 0 : i32
        %eq3A_881 = arith.cmpi eq, %arg1, %eq3A_880 : i32
        %convert_element_type3A_882 = arith.extui %eq3A_881 : i1 to i32
        %cond3A_883 = arith.constant 0 : i32
        %cond3A_884 = arith.cmpi ne, %convert_element_type3A_882, %cond3A_883 : i32
        scf.if %cond3A_884 {
          %mul3A_885 = arith.constant 64 : i32
          %mul3A_886 = arith.muli %add3A_823, %mul3A_885 : i32
          "tpu.region"() ({
            %run_scoped3A = tpu.sem_alloc : memref<!tpu.dma_semaphore, #tpu.memory_space<semaphore_mem>>
            %dma_start3A_887 = arith.constant 0 : i32
            %dma_start3A_888 = tpu.memref_slice %arg8[%dma_start3A_887] : memref<7936xf32, #tpu.memory_space<vmem>> -> memref<64xf32, #tpu.memory_space<vmem>>
            %dma_start3A_889 = tpu.memref_slice %arg4[%mul3A_886] : memref<4096xf32, #tpu.memory_space<hbm>> -> memref<64xf32, #tpu.memory_space<hbm>>
            %dma_start3A_890 = arith.constant 0 : i32
            %dma_start3A_891 = tpu.memref_slice %arg8[%dma_start3A_890] : memref<7936xf32, #tpu.memory_space<vmem>> -> memref<64xf32, #tpu.memory_space<vmem>>
            %dma_start3A_892 = tpu.memref_slice %arg4[%mul3A_886] : memref<4096xf32, #tpu.memory_space<hbm>> -> memref<64xf32, #tpu.memory_space<hbm>>
            tpu.enqueue_dma source(%dma_start3A_892 : memref<64xf32, #tpu.memory_space<hbm>>) target(%dma_start3A_891 : memref<64xf32, #tpu.memory_space<vmem>>) target_semaphore(%run_scoped3A : memref<!tpu.dma_semaphore, #tpu.memory_space<semaphore_mem>>)
            %dma_wait3A_893 = arith.constant 0 : i32
            %dma_wait3A_894 = tpu.memref_slice %arg8[%dma_wait3A_893] : memref<7936xf32, #tpu.memory_space<vmem>> -> memref<64xf32, #tpu.memory_space<vmem>>
            %dma_wait3A_895 = tpu.memref_slice %arg4[%mul3A_886] : memref<4096xf32, #tpu.memory_space<hbm>> -> memref<64xf32, #tpu.memory_space<hbm>>
            %dma_wait3A_896 = arith.constant 0 : i32
            %dma_wait3A_897 = tpu.memref_slice %arg8[%dma_wait3A_896] : memref<7936xf32, #tpu.memory_space<vmem>> -> memref<64xf32, #tpu.memory_space<vmem>>
            %dma_wait3A_898 = tpu.memref_slice %arg4[%mul3A_886] : memref<4096xf32, #tpu.memory_space<hbm>> -> memref<64xf32, #tpu.memory_space<hbm>>
            tpu.wait_dma2 semaphore(%run_scoped3A : memref<!tpu.dma_semaphore, #tpu.memory_space<semaphore_mem>>) src(%dma_wait3A_898 : memref<64xf32, #tpu.memory_space<hbm>>) dst(%dma_wait3A_897 : memref<64xf32, #tpu.memory_space<vmem>>)
            tpu.yield
          }) : () -> ()
          "tpu.region"() ({
            %run_scoped3A = tpu.sem_alloc : memref<!tpu.dma_semaphore, #tpu.memory_space<semaphore_mem>>
            %dma_start3A_887 = arith.constant 0 : i32
            %dma_start3A_888 = tpu.memref_slice %arg8[%dma_start3A_887] : memref<7936xf32, #tpu.memory_space<vmem>> -> memref<64xf32, #tpu.memory_space<vmem>>
            %dma_start3A_889 = arith.constant 999936 : i32
            %dma_start3A_890 = tpu.memref_slice %arg6[%dma_start3A_889] : memref<1000000xf32, #tpu.memory_space<vmem_shared>> -> memref<64xf32, #tpu.memory_space<vmem_shared>>
            %dma_start3A_891 = arith.constant 999936 : i32
            %dma_start3A_892 = tpu.memref_slice %arg6[%dma_start3A_891] : memref<1000000xf32, #tpu.memory_space<vmem_shared>> -> memref<64xf32, #tpu.memory_space<vmem_shared>>
            %dma_start3A_893 = arith.constant 0 : i32
            %dma_start3A_894 = tpu.memref_slice %arg8[%dma_start3A_893] : memref<7936xf32, #tpu.memory_space<vmem>> -> memref<64xf32, #tpu.memory_space<vmem>>
            tpu.enqueue_dma source(%dma_start3A_894 : memref<64xf32, #tpu.memory_space<vmem>>) target(%dma_start3A_892 : memref<64xf32, #tpu.memory_space<vmem_shared>>) target_semaphore(%run_scoped3A : memref<!tpu.dma_semaphore, #tpu.memory_space<semaphore_mem>>)
            %dma_wait3A_895 = arith.constant 0 : i32
            %dma_wait3A_896 = tpu.memref_slice %arg8[%dma_wait3A_895] : memref<7936xf32, #tpu.memory_space<vmem>> -> memref<64xf32, #tpu.memory_space<vmem>>
            %dma_wait3A_897 = arith.constant 999936 : i32
            %dma_wait3A_898 = tpu.memref_slice %arg6[%dma_wait3A_897] : memref<1000000xf32, #tpu.memory_space<vmem_shared>> -> memref<64xf32, #tpu.memory_space<vmem_shared>>
            %dma_wait3A_899 = arith.constant 999936 : i32
            %dma_wait3A_900 = tpu.memref_slice %arg6[%dma_wait3A_899] : memref<1000000xf32, #tpu.memory_space<vmem_shared>> -> memref<64xf32, #tpu.memory_space<vmem_shared>>
            %dma_wait3A_901 = arith.constant 0 : i32
            %dma_wait3A_902 = tpu.memref_slice %arg8[%dma_wait3A_901] : memref<7936xf32, #tpu.memory_space<vmem>> -> memref<64xf32, #tpu.memory_space<vmem>>
            tpu.wait_dma2 semaphore(%run_scoped3A : memref<!tpu.dma_semaphore, #tpu.memory_space<semaphore_mem>>) src(%dma_wait3A_902 : memref<64xf32, #tpu.memory_space<vmem>>) dst(%dma_wait3A_900 : memref<64xf32, #tpu.memory_space<vmem_shared>>)
            tpu.yield
          }) : () -> ()
        } else {
        }
      } else {
      }
      %barrier3A_442 = arith.constant 0 : index
      tpu.barrier barrier_id(%barrier3A_442)
      %add3A_443 = arith.constant 1 : i32
      %add3A_444 = arith.addi %add3A_95, %add3A_443 : i32
      %lt3A_445 = arith.constant 64 : i32
      %lt3A_446 = arith.cmpi slt, %add3A_444, %lt3A_445 : i32
      %convert_element_type3A_447 = arith.extui %lt3A_446 : i1 to i32
      %cond3A_448 = arith.constant 0 : i32
      %cond3A_449 = arith.cmpi ne, %convert_element_type3A_447, %cond3A_448 : i32
      scf.if %cond3A_449 {
        %dma_wait3A_822 = arith.constant 0 : i32
        %dma_wait3A_823 = arith.constant 0 : i32
        %dma_wait3A_824 = tpu.memref_reshape %arg10 : memref<1x5120xf32, #tpu.memory_space<vmem>> -> memref<40x128xf32, #tpu.memory_space<vmem>>
        %dma_wait3A_825 = arith.constant 0 : i32
        %dma_wait3A_826 = tpu.memref_slice %arg5[%dma_wait3A_825, %dma_wait3A_822, %dma_wait3A_823, %mul3A_2] : memref<200x8x8x4096xf32, #tpu.memory_space<hbm>> -> memref<40x1x1x128xf32, #tpu.memory_space<hbm>>
        %dma_wait3A_827 = tpu.memref_squeeze %dma_wait3A_826 : memref<40x1x1x128xf32, #tpu.memory_space<hbm>> -> memref<40x128xf32, #tpu.memory_space<hbm>>
        %dma_wait3A_828 = arith.constant 0 : i32
        %dma_wait3A_829 = tpu.memref_slice %arg5[%dma_wait3A_828, %dma_wait3A_822, %dma_wait3A_823, %mul3A_2] : memref<200x8x8x4096xf32, #tpu.memory_space<hbm>> -> memref<40x1x1x128xf32, #tpu.memory_space<hbm>>
        %dma_wait3A_830 = tpu.memref_squeeze %dma_wait3A_829 : memref<40x1x1x128xf32, #tpu.memory_space<hbm>> -> memref<40x128xf32, #tpu.memory_space<hbm>>
        %dma_wait3A_831 = tpu.memref_reshape %arg10 : memref<1x5120xf32, #tpu.memory_space<vmem>> -> memref<40x128xf32, #tpu.memory_space<vmem>>
        tpu.wait_dma2 semaphore(%arg14 : memref<!tpu.dma_semaphore, #tpu.memory_space<semaphore_mem>>) src(%dma_wait3A_831 : memref<40x128xf32, #tpu.memory_space<vmem>>) dst(%dma_wait3A_830 : memref<40x128xf32, #tpu.memory_space<hbm>>)
        %dma_start3A_832 = arith.constant 0 : i32
        %dma_start3A_833 = arith.constant 0 : i32
        %dma_start3A_834 = tpu.memref_slice %arg10[%dma_start3A_832, %dma_start3A_833] : memref<1x5120xf32, #tpu.memory_space<vmem>> -> memref<1x5120xf32, #tpu.memory_space<vmem>>
        %dma_start3A_835 = tpu.memref_squeeze %dma_start3A_834 : memref<1x5120xf32, #tpu.memory_space<vmem>> -> memref<5120xf32, #tpu.memory_space<vmem>>
        %dma_start3A_836 = arith.constant 0 : i32
        %dma_start3A_837 = tpu.memref_slice %arg7[%dma_start3A_836] : memref<25600xi32, #tpu.memory_space<vmem>> -> memref<5120xi32, #tpu.memory_space<vmem>>
        %dma_start3A_838 = arith.constant 0 : i32
        %dma_start3A_839 = tpu.memref_slice %arg6[%dma_start3A_838] : memref<1000000xf32, #tpu.memory_space<vmem_shared>> -> memref<1000000xf32, #tpu.memory_space<vmem_shared>>
        tpu.enqueue_indirect_dma source(%dma_start3A_839 : memref<1000000xf32, #tpu.memory_space<vmem_shared>>) target(%dma_start3A_835 : memref<5120xf32, #tpu.memory_space<vmem>>) offsets(%dma_start3A_837 : memref<5120xi32, #tpu.memory_space<vmem>>) semaphore(%arg12 : memref<!tpu.dma_semaphore, #tpu.memory_space<semaphore_mem>>)
      } else {
      }
      %mul3A_450 = arith.constant 2 : i32
      %mul3A_451 = arith.muli %mul3A_450, %scan3A_91 : i32
      %add3A_452 = arith.constant 1 : i32
      %add3A_453 = arith.addi %mul3A_451, %add3A_452 : i32
      %dma_wait3A_454 = arith.constant 0 : i32
      %dma_wait3A_455 = arith.constant 0 : i32
      %dma_wait3A_456 = tpu.memref_slice %arg10[%dma_wait3A_454, %dma_wait3A_455] : memref<1x5120xf32, #tpu.memory_space<vmem>> -> memref<1x5120xf32, #tpu.memory_space<vmem>>
      %dma_wait3A_457 = tpu.memref_squeeze %dma_wait3A_456 : memref<1x5120xf32, #tpu.memory_space<vmem>> -> memref<5120xf32, #tpu.memory_space<vmem>>
      %dma_wait3A_458 = arith.constant 0 : i32
      %dma_wait3A_459 = tpu.memref_slice %arg7[%dma_wait3A_458] : memref<25600xi32, #tpu.memory_space<vmem>> -> memref<5120xi32, #tpu.memory_space<vmem>>
      %dma_wait3A_460 = arith.constant 0 : i32
      %dma_wait3A_461 = tpu.memref_slice %arg6[%dma_wait3A_460] : memref<1000000xf32, #tpu.memory_space<vmem_shared>> -> memref<1000000xf32, #tpu.memory_space<vmem_shared>>
      tpu.wait_indirect_dma semaphore(%arg12 : memref<!tpu.dma_semaphore, #tpu.memory_space<semaphore_mem>>) src(%dma_wait3A_461 : memref<1000000xf32, #tpu.memory_space<vmem_shared>>) dst(%dma_wait3A_457 : memref<5120xf32, #tpu.memory_space<vmem>>)
      %jit3A_462 = arith.constant 8 : i32
      %div3A_463 = arith.divsi %add3A_453, %jit3A_462 : i32
      %sign3A_464 = arith.constant 0 : i32
      %sign3A_465 = arith.cmpi sgt, %add3A_453, %sign3A_464 : i32
      %sign3A_466 = arith.extui %sign3A_465 : i1 to i32
      %sign3A_467 = arith.constant 0 : i32
      %sign3A_468 = arith.cmpi slt, %add3A_453, %sign3A_467 : i32
      %sign3A_469 = arith.extui %sign3A_468 : i1 to i32
      %sign3A_470 = arith.subi %sign3A_466, %sign3A_469 : i32
      %sign3A_471 = arith.constant 0 : i32
      %sign3A_472 = arith.cmpi sgt, %jit3A_462, %sign3A_471 : i32
      %sign3A_473 = arith.extui %sign3A_472 : i1 to i32
      %sign3A_474 = arith.constant 0 : i32
      %sign3A_475 = arith.cmpi slt, %jit3A_462, %sign3A_474 : i32
      %sign3A_476 = arith.extui %sign3A_475 : i1 to i32
      %sign3A_477 = arith.subi %sign3A_473, %sign3A_476 : i32
      %ne3A_478 = arith.cmpi ne, %sign3A_470, %sign3A_477 : i32
      %rem3A_479 = arith.remsi %add3A_453, %jit3A_462 : i32
      %ne3A_480 = arith.constant 0 : i32
      %ne3A_481 = arith.cmpi ne, %rem3A_479, %ne3A_480 : i32
      %and3A_482 = arith.andi %ne3A_478, %ne3A_481 : i1
      %sub3A_483 = arith.constant 1 : i32
      %sub3A_484 = arith.subi %div3A_463, %sub3A_483 : i32
      %select_n3A_485 = arith.select %and3A_482, %sub3A_484, %div3A_463 : i32
      %jit3A_486 = arith.constant 8 : i32
      %eq3A_487 = arith.constant 0 : i32
      %eq3A_488 = arith.cmpi eq, %jit3A_486, %eq3A_487 : i32
      %jit3A_489 = arith.constant 1 : i32
      %select_n3A_490 = arith.select %eq3A_488, %jit3A_489, %jit3A_486 : i32
      %rem3A_491 = arith.remsi %add3A_453, %select_n3A_490 : i32
      %ne3A_492 = arith.constant 0 : i32
      %ne3A_493 = arith.cmpi ne, %rem3A_491, %ne3A_492 : i32
      %lt3A_494 = arith.constant 0 : i32
      %lt3A_495 = arith.cmpi slt, %rem3A_491, %lt3A_494 : i32
      %lt3A_496 = arith.constant 0 : i32
      %lt3A_497 = arith.cmpi slt, %select_n3A_490, %lt3A_496 : i32
      %ne3A_498 = arith.xori %lt3A_495, %lt3A_497 : i1
      %and3A_499 = arith.andi %ne3A_498, %ne3A_493 : i1
      %add3A_500 = arith.addi %rem3A_491, %select_n3A_490 : i32
      %select_n3A_501 = arith.select %and3A_499, %add3A_500, %rem3A_491 : i32
      %dma_start3A_502 = tpu.memref_reshape %arg10 : memref<1x5120xf32, #tpu.memory_space<vmem>> -> memref<40x128xf32, #tpu.memory_space<vmem>>
      %dma_start3A_503 = arith.constant 0 : i32
      %dma_start3A_504 = tpu.memref_slice %arg5[%dma_start3A_503, %select_n3A_485, %select_n3A_501, %mul3A_2] : memref<200x8x8x4096xf32, #tpu.memory_space<hbm>> -> memref<40x1x1x128xf32, #tpu.memory_space<hbm>>
      %dma_start3A_505 = tpu.memref_squeeze %dma_start3A_504 : memref<40x1x1x128xf32, #tpu.memory_space<hbm>> -> memref<40x128xf32, #tpu.memory_space<hbm>>
      %dma_start3A_506 = arith.constant 0 : i32
      %dma_start3A_507 = tpu.memref_slice %arg5[%dma_start3A_506, %select_n3A_485, %select_n3A_501, %mul3A_2] : memref<200x8x8x4096xf32, #tpu.memory_space<hbm>> -> memref<40x1x1x128xf32, #tpu.memory_space<hbm>>
      %dma_start3A_508 = tpu.memref_squeeze %dma_start3A_507 : memref<40x1x1x128xf32, #tpu.memory_space<hbm>> -> memref<40x128xf32, #tpu.memory_space<hbm>>
      %dma_start3A_509 = tpu.memref_reshape %arg10 : memref<1x5120xf32, #tpu.memory_space<vmem>> -> memref<40x128xf32, #tpu.memory_space<vmem>>
      tpu.enqueue_dma source(%dma_start3A_509 : memref<40x128xf32, #tpu.memory_space<vmem>>) target(%dma_start3A_508 : memref<40x128xf32, #tpu.memory_space<hbm>>) target_semaphore(%arg14 : memref<!tpu.dma_semaphore, #tpu.memory_space<semaphore_mem>>)
      %dma_wait3A_510 = arith.constant 0 : i32
      %dma_wait3A_511 = arith.constant 0 : i32
      %dma_wait3A_512 = tpu.memref_reshape %arg9 : memref<1x5120xf32, #tpu.memory_space<vmem>> -> memref<40x128xf32, #tpu.memory_space<vmem>>
      %dma_wait3A_513 = arith.constant 0 : i32
      %dma_wait3A_514 = tpu.memref_slice %arg5[%dma_wait3A_513, %dma_wait3A_510, %dma_wait3A_511, %mul3A_2] : memref<200x8x8x4096xf32, #tpu.memory_space<hbm>> -> memref<40x1x1x128xf32, #tpu.memory_space<hbm>>
      %dma_wait3A_515 = tpu.memref_squeeze %dma_wait3A_514 : memref<40x1x1x128xf32, #tpu.memory_space<hbm>> -> memref<40x128xf32, #tpu.memory_space<hbm>>
      %dma_wait3A_516 = arith.constant 0 : i32
      %dma_wait3A_517 = tpu.memref_slice %arg5[%dma_wait3A_516, %dma_wait3A_510, %dma_wait3A_511, %mul3A_2] : memref<200x8x8x4096xf32, #tpu.memory_space<hbm>> -> memref<40x1x1x128xf32, #tpu.memory_space<hbm>>
      %dma_wait3A_518 = tpu.memref_squeeze %dma_wait3A_517 : memref<40x1x1x128xf32, #tpu.memory_space<hbm>> -> memref<40x128xf32, #tpu.memory_space<hbm>>
      %dma_wait3A_519 = tpu.memref_reshape %arg9 : memref<1x5120xf32, #tpu.memory_space<vmem>> -> memref<40x128xf32, #tpu.memory_space<vmem>>
      tpu.wait_dma2 semaphore(%arg13 : memref<!tpu.dma_semaphore, #tpu.memory_space<semaphore_mem>>) src(%dma_wait3A_519 : memref<40x128xf32, #tpu.memory_space<vmem>>) dst(%dma_wait3A_518 : memref<40x128xf32, #tpu.memory_space<hbm>>)
      %dma_start3A_520 = arith.constant 0 : i32
      %dma_start3A_521 = arith.constant 0 : i32
      %dma_start3A_522 = tpu.memref_slice %arg9[%dma_start3A_520, %dma_start3A_521] : memref<1x5120xf32, #tpu.memory_space<vmem>> -> memref<1x5120xf32, #tpu.memory_space<vmem>>
      %dma_start3A_523 = tpu.memref_squeeze %dma_start3A_522 : memref<1x5120xf32, #tpu.memory_space<vmem>> -> memref<5120xf32, #tpu.memory_space<vmem>>
      %dma_start3A_524 = arith.constant 5120 : i32
      %dma_start3A_525 = tpu.memref_slice %arg7[%dma_start3A_524] : memref<25600xi32, #tpu.memory_space<vmem>> -> memref<5120xi32, #tpu.memory_space<vmem>>
      %dma_start3A_526 = arith.constant 0 : i32
      %dma_start3A_527 = tpu.memref_slice %arg6[%dma_start3A_526] : memref<1000000xf32, #tpu.memory_space<vmem_shared>> -> memref<1000000xf32, #tpu.memory_space<vmem_shared>>
      tpu.enqueue_indirect_dma source(%dma_start3A_527 : memref<1000000xf32, #tpu.memory_space<vmem_shared>>) target(%dma_start3A_523 : memref<5120xf32, #tpu.memory_space<vmem>>) offsets(%dma_start3A_525 : memref<5120xi32, #tpu.memory_space<vmem>>) semaphore(%arg11 : memref<!tpu.dma_semaphore, #tpu.memory_space<semaphore_mem>>)
      %dma_wait3A_528 = arith.constant 0 : i32
      %dma_wait3A_529 = arith.constant 0 : i32
      %dma_wait3A_530 = tpu.memref_slice %arg9[%dma_wait3A_528, %dma_wait3A_529] : memref<1x5120xf32, #tpu.memory_space<vmem>> -> memref<1x5120xf32, #tpu.memory_space<vmem>>
      %dma_wait3A_531 = tpu.memref_squeeze %dma_wait3A_530 : memref<1x5120xf32, #tpu.memory_space<vmem>> -> memref<5120xf32, #tpu.memory_space<vmem>>
      %dma_wait3A_532 = arith.constant 5120 : i32
      %dma_wait3A_533 = tpu.memref_slice %arg7[%dma_wait3A_532] : memref<25600xi32, #tpu.memory_space<vmem>> -> memref<5120xi32, #tpu.memory_space<vmem>>
      %dma_wait3A_534 = arith.constant 0 : i32
      %dma_wait3A_535 = tpu.memref_slice %arg6[%dma_wait3A_534] : memref<1000000xf32, #tpu.memory_space<vmem_shared>> -> memref<1000000xf32, #tpu.memory_space<vmem_shared>>
      tpu.wait_indirect_dma semaphore(%arg11 : memref<!tpu.dma_semaphore, #tpu.memory_space<semaphore_mem>>) src(%dma_wait3A_535 : memref<1000000xf32, #tpu.memory_space<vmem_shared>>) dst(%dma_wait3A_531 : memref<5120xf32, #tpu.memory_space<vmem>>)
      %jit3A_536 = arith.constant 8 : i32
      %div3A_537 = arith.divsi %add3A_453, %jit3A_536 : i32
      %sign3A_538 = arith.constant 0 : i32
      %sign3A_539 = arith.cmpi sgt, %add3A_453, %sign3A_538 : i32
      %sign3A_540 = arith.extui %sign3A_539 : i1 to i32
      %sign3A_541 = arith.constant 0 : i32
      %sign3A_542 = arith.cmpi slt, %add3A_453, %sign3A_541 : i32
      %sign3A_543 = arith.extui %sign3A_542 : i1 to i32
      %sign3A_544 = arith.subi %sign3A_540, %sign3A_543 : i32
      %sign3A_545 = arith.constant 0 : i32
      %sign3A_546 = arith.cmpi sgt, %jit3A_536, %sign3A_545 : i32
      %sign3A_547 = arith.extui %sign3A_546 : i1 to i32
      %sign3A_548 = arith.constant 0 : i32
      %sign3A_549 = arith.cmpi slt, %jit3A_536, %sign3A_548 : i32
      %sign3A_550 = arith.extui %sign3A_549 : i1 to i32
      %sign3A_551 = arith.subi %sign3A_547, %sign3A_550 : i32
      %ne3A_552 = arith.cmpi ne, %sign3A_544, %sign3A_551 : i32
      %rem3A_553 = arith.remsi %add3A_453, %jit3A_536 : i32
      %ne3A_554 = arith.constant 0 : i32
      %ne3A_555 = arith.cmpi ne, %rem3A_553, %ne3A_554 : i32
      %and3A_556 = arith.andi %ne3A_552, %ne3A_555 : i1
      %sub3A_557 = arith.constant 1 : i32
      %sub3A_558 = arith.subi %div3A_537, %sub3A_557 : i32
      %select_n3A_559 = arith.select %and3A_556, %sub3A_558, %div3A_537 : i32
      %jit3A_560 = arith.constant 8 : i32
      %eq3A_561 = arith.constant 0 : i32
      %eq3A_562 = arith.cmpi eq, %jit3A_560, %eq3A_561 : i32
      %jit3A_563 = arith.constant 1 : i32
      %select_n3A_564 = arith.select %eq3A_562, %jit3A_563, %jit3A_560 : i32
      %rem3A_565 = arith.remsi %add3A_453, %select_n3A_564 : i32
      %ne3A_566 = arith.constant 0 : i32
      %ne3A_567 = arith.cmpi ne, %rem3A_565, %ne3A_566 : i32
      %lt3A_568 = arith.constant 0 : i32
      %lt3A_569 = arith.cmpi slt, %rem3A_565, %lt3A_568 : i32
      %lt3A_570 = arith.constant 0 : i32
      %lt3A_571 = arith.cmpi slt, %select_n3A_564, %lt3A_570 : i32
      %ne3A_572 = arith.xori %lt3A_569, %lt3A_571 : i1
      %and3A_573 = arith.andi %ne3A_572, %ne3A_567 : i1
      %add3A_574 = arith.addi %rem3A_565, %select_n3A_564 : i32
      %select_n3A_575 = arith.select %and3A_573, %add3A_574, %rem3A_565 : i32
      %dma_start3A_576 = tpu.memref_reshape %arg9 : memref<1x5120xf32, #tpu.memory_space<vmem>> -> memref<40x128xf32, #tpu.memory_space<vmem>>
      %dma_start3A_577 = arith.constant 40 : i32
      %dma_start3A_578 = tpu.memref_slice %arg5[%dma_start3A_577, %select_n3A_559, %select_n3A_575, %mul3A_2] : memref<200x8x8x4096xf32, #tpu.memory_space<hbm>> -> memref<40x1x1x128xf32, #tpu.memory_space<hbm>>
      %dma_start3A_579 = tpu.memref_squeeze %dma_start3A_578 : memref<40x1x1x128xf32, #tpu.memory_space<hbm>> -> memref<40x128xf32, #tpu.memory_space<hbm>>
      %dma_start3A_580 = arith.constant 40 : i32
      %dma_start3A_581 = tpu.memref_slice %arg5[%dma_start3A_580, %select_n3A_559, %select_n3A_575, %mul3A_2] : memref<200x8x8x4096xf32, #tpu.memory_space<hbm>> -> memref<40x1x1x128xf32, #tpu.memory_space<hbm>>
      %dma_start3A_582 = tpu.memref_squeeze %dma_start3A_581 : memref<40x1x1x128xf32, #tpu.memory_space<hbm>> -> memref<40x128xf32, #tpu.memory_space<hbm>>
      %dma_start3A_583 = tpu.memref_reshape %arg9 : memref<1x5120xf32, #tpu.memory_space<vmem>> -> memref<40x128xf32, #tpu.memory_space<vmem>>
      tpu.enqueue_dma source(%dma_start3A_583 : memref<40x128xf32, #tpu.memory_space<vmem>>) target(%dma_start3A_582 : memref<40x128xf32, #tpu.memory_space<hbm>>) target_semaphore(%arg13 : memref<!tpu.dma_semaphore, #tpu.memory_space<semaphore_mem>>)
      %dma_wait3A_584 = arith.constant 0 : i32
      %dma_wait3A_585 = arith.constant 0 : i32
      %dma_wait3A_586 = tpu.memref_reshape %arg10 : memref<1x5120xf32, #tpu.memory_space<vmem>> -> memref<40x128xf32, #tpu.memory_space<vmem>>
      %dma_wait3A_587 = arith.constant 0 : i32
      %dma_wait3A_588 = tpu.memref_slice %arg5[%dma_wait3A_587, %dma_wait3A_584, %dma_wait3A_585, %mul3A_2] : memref<200x8x8x4096xf32, #tpu.memory_space<hbm>> -> memref<40x1x1x128xf32, #tpu.memory_space<hbm>>
      %dma_wait3A_589 = tpu.memref_squeeze %dma_wait3A_588 : memref<40x1x1x128xf32, #tpu.memory_space<hbm>> -> memref<40x128xf32, #tpu.memory_space<hbm>>
      %dma_wait3A_590 = arith.constant 0 : i32
      %dma_wait3A_591 = tpu.memref_slice %arg5[%dma_wait3A_590, %dma_wait3A_584, %dma_wait3A_585, %mul3A_2] : memref<200x8x8x4096xf32, #tpu.memory_space<hbm>> -> memref<40x1x1x128xf32, #tpu.memory_space<hbm>>
      %dma_wait3A_592 = tpu.memref_squeeze %dma_wait3A_591 : memref<40x1x1x128xf32, #tpu.memory_space<hbm>> -> memref<40x128xf32, #tpu.memory_space<hbm>>
      %dma_wait3A_593 = tpu.memref_reshape %arg10 : memref<1x5120xf32, #tpu.memory_space<vmem>> -> memref<40x128xf32, #tpu.memory_space<vmem>>
      tpu.wait_dma2 semaphore(%arg14 : memref<!tpu.dma_semaphore, #tpu.memory_space<semaphore_mem>>) src(%dma_wait3A_593 : memref<40x128xf32, #tpu.memory_space<vmem>>) dst(%dma_wait3A_592 : memref<40x128xf32, #tpu.memory_space<hbm>>)
      %dma_start3A_594 = arith.constant 0 : i32
      %dma_start3A_595 = arith.constant 0 : i32
      %dma_start3A_596 = tpu.memref_slice %arg10[%dma_start3A_594, %dma_start3A_595] : memref<1x5120xf32, #tpu.memory_space<vmem>> -> memref<1x5120xf32, #tpu.memory_space<vmem>>
      %dma_start3A_597 = tpu.memref_squeeze %dma_start3A_596 : memref<1x5120xf32, #tpu.memory_space<vmem>> -> memref<5120xf32, #tpu.memory_space<vmem>>
      %dma_start3A_598 = arith.constant 10240 : i32
      %dma_start3A_599 = tpu.memref_slice %arg7[%dma_start3A_598] : memref<25600xi32, #tpu.memory_space<vmem>> -> memref<5120xi32, #tpu.memory_space<vmem>>
      %dma_start3A_600 = arith.constant 0 : i32
      %dma_start3A_601 = tpu.memref_slice %arg6[%dma_start3A_600] : memref<1000000xf32, #tpu.memory_space<vmem_shared>> -> memref<1000000xf32, #tpu.memory_space<vmem_shared>>
      tpu.enqueue_indirect_dma source(%dma_start3A_601 : memref<1000000xf32, #tpu.memory_space<vmem_shared>>) target(%dma_start3A_597 : memref<5120xf32, #tpu.memory_space<vmem>>) offsets(%dma_start3A_599 : memref<5120xi32, #tpu.memory_space<vmem>>) semaphore(%arg12 : memref<!tpu.dma_semaphore, #tpu.memory_space<semaphore_mem>>)
      %dma_wait3A_602 = arith.constant 0 : i32
      %dma_wait3A_603 = arith.constant 0 : i32
      %dma_wait3A_604 = tpu.memref_slice %arg10[%dma_wait3A_602, %dma_wait3A_603] : memref<1x5120xf32, #tpu.memory_space<vmem>> -> memref<1x5120xf32, #tpu.memory_space<vmem>>
      %dma_wait3A_605 = tpu.memref_squeeze %dma_wait3A_604 : memref<1x5120xf32, #tpu.memory_space<vmem>> -> memref<5120xf32, #tpu.memory_space<vmem>>
      %dma_wait3A_606 = arith.constant 10240 : i32
      %dma_wait3A_607 = tpu.memref_slice %arg7[%dma_wait3A_606] : memref<25600xi32, #tpu.memory_space<vmem>> -> memref<5120xi32, #tpu.memory_space<vmem>>
      %dma_wait3A_608 = arith.constant 0 : i32
      %dma_wait3A_609 = tpu.memref_slice %arg6[%dma_wait3A_608] : memref<1000000xf32, #tpu.memory_space<vmem_shared>> -> memref<1000000xf32, #tpu.memory_space<vmem_shared>>
      tpu.wait_indirect_dma semaphore(%arg12 : memref<!tpu.dma_semaphore, #tpu.memory_space<semaphore_mem>>) src(%dma_wait3A_609 : memref<1000000xf32, #tpu.memory_space<vmem_shared>>) dst(%dma_wait3A_605 : memref<5120xf32, #tpu.memory_space<vmem>>)
      %jit3A_610 = arith.constant 8 : i32
      %div3A_611 = arith.divsi %add3A_453, %jit3A_610 : i32
      %sign3A_612 = arith.constant 0 : i32
      %sign3A_613 = arith.cmpi sgt, %add3A_453, %sign3A_612 : i32
      %sign3A_614 = arith.extui %sign3A_613 : i1 to i32
      %sign3A_615 = arith.constant 0 : i32
      %sign3A_616 = arith.cmpi slt, %add3A_453, %sign3A_615 : i32
      %sign3A_617 = arith.extui %sign3A_616 : i1 to i32
      %sign3A_618 = arith.subi %sign3A_614, %sign3A_617 : i32
      %sign3A_619 = arith.constant 0 : i32
      %sign3A_620 = arith.cmpi sgt, %jit3A_610, %sign3A_619 : i32
      %sign3A_621 = arith.extui %sign3A_620 : i1 to i32
      %sign3A_622 = arith.constant 0 : i32
      %sign3A_623 = arith.cmpi slt, %jit3A_610, %sign3A_622 : i32
      %sign3A_624 = arith.extui %sign3A_623 : i1 to i32
      %sign3A_625 = arith.subi %sign3A_621, %sign3A_624 : i32
      %ne3A_626 = arith.cmpi ne, %sign3A_618, %sign3A_625 : i32
      %rem3A_627 = arith.remsi %add3A_453, %jit3A_610 : i32
      %ne3A_628 = arith.constant 0 : i32
      %ne3A_629 = arith.cmpi ne, %rem3A_627, %ne3A_628 : i32
      %and3A_630 = arith.andi %ne3A_626, %ne3A_629 : i1
      %sub3A_631 = arith.constant 1 : i32
      %sub3A_632 = arith.subi %div3A_611, %sub3A_631 : i32
      %select_n3A_633 = arith.select %and3A_630, %sub3A_632, %div3A_611 : i32
      %jit3A_634 = arith.constant 8 : i32
      %eq3A_635 = arith.constant 0 : i32
      %eq3A_636 = arith.cmpi eq, %jit3A_634, %eq3A_635 : i32
      %jit3A_637 = arith.constant 1 : i32
      %select_n3A_638 = arith.select %eq3A_636, %jit3A_637, %jit3A_634 : i32
      %rem3A_639 = arith.remsi %add3A_453, %select_n3A_638 : i32
      %ne3A_640 = arith.constant 0 : i32
      %ne3A_641 = arith.cmpi ne, %rem3A_639, %ne3A_640 : i32
      %lt3A_642 = arith.constant 0 : i32
      %lt3A_643 = arith.cmpi slt, %rem3A_639, %lt3A_642 : i32
      %lt3A_644 = arith.constant 0 : i32
      %lt3A_645 = arith.cmpi slt, %select_n3A_638, %lt3A_644 : i32
      %ne3A_646 = arith.xori %lt3A_643, %lt3A_645 : i1
      %and3A_647 = arith.andi %ne3A_646, %ne3A_641 : i1
      %add3A_648 = arith.addi %rem3A_639, %select_n3A_638 : i32
      %select_n3A_649 = arith.select %and3A_647, %add3A_648, %rem3A_639 : i32
      %dma_start3A_650 = tpu.memref_reshape %arg10 : memref<1x5120xf32, #tpu.memory_space<vmem>> -> memref<40x128xf32, #tpu.memory_space<vmem>>
      %dma_start3A_651 = arith.constant 80 : i32
      %dma_start3A_652 = tpu.memref_slice %arg5[%dma_start3A_651, %select_n3A_633, %select_n3A_649, %mul3A_2] : memref<200x8x8x4096xf32, #tpu.memory_space<hbm>> -> memref<40x1x1x128xf32, #tpu.memory_space<hbm>>
      %dma_start3A_653 = tpu.memref_squeeze %dma_start3A_652 : memref<40x1x1x128xf32, #tpu.memory_space<hbm>> -> memref<40x128xf32, #tpu.memory_space<hbm>>
      %dma_start3A_654 = arith.constant 80 : i32
      %dma_start3A_655 = tpu.memref_slice %arg5[%dma_start3A_654, %select_n3A_633, %select_n3A_649, %mul3A_2] : memref<200x8x8x4096xf32, #tpu.memory_space<hbm>> -> memref<40x1x1x128xf32, #tpu.memory_space<hbm>>
      %dma_start3A_656 = tpu.memref_squeeze %dma_start3A_655 : memref<40x1x1x128xf32, #tpu.memory_space<hbm>> -> memref<40x128xf32, #tpu.memory_space<hbm>>
      %dma_start3A_657 = tpu.memref_reshape %arg10 : memref<1x5120xf32, #tpu.memory_space<vmem>> -> memref<40x128xf32, #tpu.memory_space<vmem>>
      tpu.enqueue_dma source(%dma_start3A_657 : memref<40x128xf32, #tpu.memory_space<vmem>>) target(%dma_start3A_656 : memref<40x128xf32, #tpu.memory_space<hbm>>) target_semaphore(%arg14 : memref<!tpu.dma_semaphore, #tpu.memory_space<semaphore_mem>>)
      %dma_wait3A_658 = arith.constant 0 : i32
      %dma_wait3A_659 = arith.constant 0 : i32
      %dma_wait3A_660 = tpu.memref_reshape %arg9 : memref<1x5120xf32, #tpu.memory_space<vmem>> -> memref<40x128xf32, #tpu.memory_space<vmem>>
      %dma_wait3A_661 = arith.constant 0 : i32
      %dma_wait3A_662 = tpu.memref_slice %arg5[%dma_wait3A_661, %dma_wait3A_658, %dma_wait3A_659, %mul3A_2] : memref<200x8x8x4096xf32, #tpu.memory_space<hbm>> -> memref<40x1x1x128xf32, #tpu.memory_space<hbm>>
      %dma_wait3A_663 = tpu.memref_squeeze %dma_wait3A_662 : memref<40x1x1x128xf32, #tpu.memory_space<hbm>> -> memref<40x128xf32, #tpu.memory_space<hbm>>
      %dma_wait3A_664 = arith.constant 0 : i32
      %dma_wait3A_665 = tpu.memref_slice %arg5[%dma_wait3A_664, %dma_wait3A_658, %dma_wait3A_659, %mul3A_2] : memref<200x8x8x4096xf32, #tpu.memory_space<hbm>> -> memref<40x1x1x128xf32, #tpu.memory_space<hbm>>
      %dma_wait3A_666 = tpu.memref_squeeze %dma_wait3A_665 : memref<40x1x1x128xf32, #tpu.memory_space<hbm>> -> memref<40x128xf32, #tpu.memory_space<hbm>>
      %dma_wait3A_667 = tpu.memref_reshape %arg9 : memref<1x5120xf32, #tpu.memory_space<vmem>> -> memref<40x128xf32, #tpu.memory_space<vmem>>
      tpu.wait_dma2 semaphore(%arg13 : memref<!tpu.dma_semaphore, #tpu.memory_space<semaphore_mem>>) src(%dma_wait3A_667 : memref<40x128xf32, #tpu.memory_space<vmem>>) dst(%dma_wait3A_666 : memref<40x128xf32, #tpu.memory_space<hbm>>)
      %dma_start3A_668 = arith.constant 0 : i32
      %dma_start3A_669 = arith.constant 0 : i32
      %dma_start3A_670 = tpu.memref_slice %arg9[%dma_start3A_668, %dma_start3A_669] : memref<1x5120xf32, #tpu.memory_space<vmem>> -> memref<1x5120xf32, #tpu.memory_space<vmem>>
      %dma_start3A_671 = tpu.memref_squeeze %dma_start3A_670 : memref<1x5120xf32, #tpu.memory_space<vmem>> -> memref<5120xf32, #tpu.memory_space<vmem>>
      %dma_start3A_672 = arith.constant 15360 : i32
      %dma_start3A_673 = tpu.memref_slice %arg7[%dma_start3A_672] : memref<25600xi32, #tpu.memory_space<vmem>> -> memref<5120xi32, #tpu.memory_space<vmem>>
      %dma_start3A_674 = arith.constant 0 : i32
      %dma_start3A_675 = tpu.memref_slice %arg6[%dma_start3A_674] : memref<1000000xf32, #tpu.memory_space<vmem_shared>> -> memref<1000000xf32, #tpu.memory_space<vmem_shared>>
      tpu.enqueue_indirect_dma source(%dma_start3A_675 : memref<1000000xf32, #tpu.memory_space<vmem_shared>>) target(%dma_start3A_671 : memref<5120xf32, #tpu.memory_space<vmem>>) offsets(%dma_start3A_673 : memref<5120xi32, #tpu.memory_space<vmem>>) semaphore(%arg11 : memref<!tpu.dma_semaphore, #tpu.memory_space<semaphore_mem>>)
      %dma_wait3A_676 = arith.constant 0 : i32
      %dma_wait3A_677 = arith.constant 0 : i32
      %dma_wait3A_678 = tpu.memref_slice %arg9[%dma_wait3A_676, %dma_wait3A_677] : memref<1x5120xf32, #tpu.memory_space<vmem>> -> memref<1x5120xf32, #tpu.memory_space<vmem>>
      %dma_wait3A_679 = tpu.memref_squeeze %dma_wait3A_678 : memref<1x5120xf32, #tpu.memory_space<vmem>> -> memref<5120xf32, #tpu.memory_space<vmem>>
      %dma_wait3A_680 = arith.constant 15360 : i32
      %dma_wait3A_681 = tpu.memref_slice %arg7[%dma_wait3A_680] : memref<25600xi32, #tpu.memory_space<vmem>> -> memref<5120xi32, #tpu.memory_space<vmem>>
      %dma_wait3A_682 = arith.constant 0 : i32
      %dma_wait3A_683 = tpu.memref_slice %arg6[%dma_wait3A_682] : memref<1000000xf32, #tpu.memory_space<vmem_shared>> -> memref<1000000xf32, #tpu.memory_space<vmem_shared>>
      tpu.wait_indirect_dma semaphore(%arg11 : memref<!tpu.dma_semaphore, #tpu.memory_space<semaphore_mem>>) src(%dma_wait3A_683 : memref<1000000xf32, #tpu.memory_space<vmem_shared>>) dst(%dma_wait3A_679 : memref<5120xf32, #tpu.memory_space<vmem>>)
      %jit3A_684 = arith.constant 8 : i32
      %div3A_685 = arith.divsi %add3A_453, %jit3A_684 : i32
      %sign3A_686 = arith.constant 0 : i32
      %sign3A_687 = arith.cmpi sgt, %add3A_453, %sign3A_686 : i32
      %sign3A_688 = arith.extui %sign3A_687 : i1 to i32
      %sign3A_689 = arith.constant 0 : i32
      %sign3A_690 = arith.cmpi slt, %add3A_453, %sign3A_689 : i32
      %sign3A_691 = arith.extui %sign3A_690 : i1 to i32
      %sign3A_692 = arith.subi %sign3A_688, %sign3A_691 : i32
      %sign3A_693 = arith.constant 0 : i32
      %sign3A_694 = arith.cmpi sgt, %jit3A_684, %sign3A_693 : i32
      %sign3A_695 = arith.extui %sign3A_694 : i1 to i32
      %sign3A_696 = arith.constant 0 : i32
      %sign3A_697 = arith.cmpi slt, %jit3A_684, %sign3A_696 : i32
      %sign3A_698 = arith.extui %sign3A_697 : i1 to i32
      %sign3A_699 = arith.subi %sign3A_695, %sign3A_698 : i32
      %ne3A_700 = arith.cmpi ne, %sign3A_692, %sign3A_699 : i32
      %rem3A_701 = arith.remsi %add3A_453, %jit3A_684 : i32
      %ne3A_702 = arith.constant 0 : i32
      %ne3A_703 = arith.cmpi ne, %rem3A_701, %ne3A_702 : i32
      %and3A_704 = arith.andi %ne3A_700, %ne3A_703 : i1
      %sub3A_705 = arith.constant 1 : i32
      %sub3A_706 = arith.subi %div3A_685, %sub3A_705 : i32
      %select_n3A_707 = arith.select %and3A_704, %sub3A_706, %div3A_685 : i32
      %jit3A_708 = arith.constant 8 : i32
      %eq3A_709 = arith.constant 0 : i32
      %eq3A_710 = arith.cmpi eq, %jit3A_708, %eq3A_709 : i32
      %jit3A_711 = arith.constant 1 : i32
      %select_n3A_712 = arith.select %eq3A_710, %jit3A_711, %jit3A_708 : i32
      %rem3A_713 = arith.remsi %add3A_453, %select_n3A_712 : i32
      %ne3A_714 = arith.constant 0 : i32
      %ne3A_715 = arith.cmpi ne, %rem3A_713, %ne3A_714 : i32
      %lt3A_716 = arith.constant 0 : i32
      %lt3A_717 = arith.cmpi slt, %rem3A_713, %lt3A_716 : i32
      %lt3A_718 = arith.constant 0 : i32
      %lt3A_719 = arith.cmpi slt, %select_n3A_712, %lt3A_718 : i32
      %ne3A_720 = arith.xori %lt3A_717, %lt3A_719 : i1
      %and3A_721 = arith.andi %ne3A_720, %ne3A_715 : i1
      %add3A_722 = arith.addi %rem3A_713, %select_n3A_712 : i32
      %select_n3A_723 = arith.select %and3A_721, %add3A_722, %rem3A_713 : i32
      %dma_start3A_724 = tpu.memref_reshape %arg9 : memref<1x5120xf32, #tpu.memory_space<vmem>> -> memref<40x128xf32, #tpu.memory_space<vmem>>
      %dma_start3A_725 = arith.constant 120 : i32
      %dma_start3A_726 = tpu.memref_slice %arg5[%dma_start3A_725, %select_n3A_707, %select_n3A_723, %mul3A_2] : memref<200x8x8x4096xf32, #tpu.memory_space<hbm>> -> memref<40x1x1x128xf32, #tpu.memory_space<hbm>>
      %dma_start3A_727 = tpu.memref_squeeze %dma_start3A_726 : memref<40x1x1x128xf32, #tpu.memory_space<hbm>> -> memref<40x128xf32, #tpu.memory_space<hbm>>
      %dma_start3A_728 = arith.constant 120 : i32
      %dma_start3A_729 = tpu.memref_slice %arg5[%dma_start3A_728, %select_n3A_707, %select_n3A_723, %mul3A_2] : memref<200x8x8x4096xf32, #tpu.memory_space<hbm>> -> memref<40x1x1x128xf32, #tpu.memory_space<hbm>>
      %dma_start3A_730 = tpu.memref_squeeze %dma_start3A_729 : memref<40x1x1x128xf32, #tpu.memory_space<hbm>> -> memref<40x128xf32, #tpu.memory_space<hbm>>
      %dma_start3A_731 = tpu.memref_reshape %arg9 : memref<1x5120xf32, #tpu.memory_space<vmem>> -> memref<40x128xf32, #tpu.memory_space<vmem>>
      tpu.enqueue_dma source(%dma_start3A_731 : memref<40x128xf32, #tpu.memory_space<vmem>>) target(%dma_start3A_730 : memref<40x128xf32, #tpu.memory_space<hbm>>) target_semaphore(%arg13 : memref<!tpu.dma_semaphore, #tpu.memory_space<semaphore_mem>>)
      %dma_wait3A_732 = arith.constant 0 : i32
      %dma_wait3A_733 = arith.constant 0 : i32
      %dma_wait3A_734 = tpu.memref_reshape %arg10 : memref<1x5120xf32, #tpu.memory_space<vmem>> -> memref<40x128xf32, #tpu.memory_space<vmem>>
      %dma_wait3A_735 = arith.constant 0 : i32
      %dma_wait3A_736 = tpu.memref_slice %arg5[%dma_wait3A_735, %dma_wait3A_732, %dma_wait3A_733, %mul3A_2] : memref<200x8x8x4096xf32, #tpu.memory_space<hbm>> -> memref<40x1x1x128xf32, #tpu.memory_space<hbm>>
      %dma_wait3A_737 = tpu.memref_squeeze %dma_wait3A_736 : memref<40x1x1x128xf32, #tpu.memory_space<hbm>> -> memref<40x128xf32, #tpu.memory_space<hbm>>
      %dma_wait3A_738 = arith.constant 0 : i32
      %dma_wait3A_739 = tpu.memref_slice %arg5[%dma_wait3A_738, %dma_wait3A_732, %dma_wait3A_733, %mul3A_2] : memref<200x8x8x4096xf32, #tpu.memory_space<hbm>> -> memref<40x1x1x128xf32, #tpu.memory_space<hbm>>
      %dma_wait3A_740 = tpu.memref_squeeze %dma_wait3A_739 : memref<40x1x1x128xf32, #tpu.memory_space<hbm>> -> memref<40x128xf32, #tpu.memory_space<hbm>>
      %dma_wait3A_741 = tpu.memref_reshape %arg10 : memref<1x5120xf32, #tpu.memory_space<vmem>> -> memref<40x128xf32, #tpu.memory_space<vmem>>
      tpu.wait_dma2 semaphore(%arg14 : memref<!tpu.dma_semaphore, #tpu.memory_space<semaphore_mem>>) src(%dma_wait3A_741 : memref<40x128xf32, #tpu.memory_space<vmem>>) dst(%dma_wait3A_740 : memref<40x128xf32, #tpu.memory_space<hbm>>)
      %dma_start3A_742 = arith.constant 0 : i32
      %dma_start3A_743 = arith.constant 0 : i32
      %dma_start3A_744 = tpu.memref_slice %arg10[%dma_start3A_742, %dma_start3A_743] : memref<1x5120xf32, #tpu.memory_space<vmem>> -> memref<1x5120xf32, #tpu.memory_space<vmem>>
      %dma_start3A_745 = tpu.memref_squeeze %dma_start3A_744 : memref<1x5120xf32, #tpu.memory_space<vmem>> -> memref<5120xf32, #tpu.memory_space<vmem>>
      %dma_start3A_746 = arith.constant 20480 : i32
      %dma_start3A_747 = tpu.memref_slice %arg7[%dma_start3A_746] : memref<25600xi32, #tpu.memory_space<vmem>> -> memref<5120xi32, #tpu.memory_space<vmem>>
      %dma_start3A_748 = arith.constant 0 : i32
      %dma_start3A_749 = tpu.memref_slice %arg6[%dma_start3A_748] : memref<1000000xf32, #tpu.memory_space<vmem_shared>> -> memref<1000000xf32, #tpu.memory_space<vmem_shared>>
      tpu.enqueue_indirect_dma source(%dma_start3A_749 : memref<1000000xf32, #tpu.memory_space<vmem_shared>>) target(%dma_start3A_745 : memref<5120xf32, #tpu.memory_space<vmem>>) offsets(%dma_start3A_747 : memref<5120xi32, #tpu.memory_space<vmem>>) semaphore(%arg12 : memref<!tpu.dma_semaphore, #tpu.memory_space<semaphore_mem>>)
      %dma_wait3A_750 = arith.constant 0 : i32
      %dma_wait3A_751 = arith.constant 0 : i32
      %dma_wait3A_752 = tpu.memref_slice %arg10[%dma_wait3A_750, %dma_wait3A_751] : memref<1x5120xf32, #tpu.memory_space<vmem>> -> memref<1x5120xf32, #tpu.memory_space<vmem>>
      %dma_wait3A_753 = tpu.memref_squeeze %dma_wait3A_752 : memref<1x5120xf32, #tpu.memory_space<vmem>> -> memref<5120xf32, #tpu.memory_space<vmem>>
      %dma_wait3A_754 = arith.constant 20480 : i32
      %dma_wait3A_755 = tpu.memref_slice %arg7[%dma_wait3A_754] : memref<25600xi32, #tpu.memory_space<vmem>> -> memref<5120xi32, #tpu.memory_space<vmem>>
      %dma_wait3A_756 = arith.constant 0 : i32
      %dma_wait3A_757 = tpu.memref_slice %arg6[%dma_wait3A_756] : memref<1000000xf32, #tpu.memory_space<vmem_shared>> -> memref<1000000xf32, #tpu.memory_space<vmem_shared>>
      tpu.wait_indirect_dma semaphore(%arg12 : memref<!tpu.dma_semaphore, #tpu.memory_space<semaphore_mem>>) src(%dma_wait3A_757 : memref<1000000xf32, #tpu.memory_space<vmem_shared>>) dst(%dma_wait3A_753 : memref<5120xf32, #tpu.memory_space<vmem>>)
      %jit3A_758 = arith.constant 8 : i32
      %div3A_759 = arith.divsi %add3A_453, %jit3A_758 : i32
      %sign3A_760 = arith.constant 0 : i32
      %sign3A_761 = arith.cmpi sgt, %add3A_453, %sign3A_760 : i32
      %sign3A_762 = arith.extui %sign3A_761 : i1 to i32
      %sign3A_763 = arith.constant 0 : i32
      %sign3A_764 = arith.cmpi slt, %add3A_453, %sign3A_763 : i32
      %sign3A_765 = arith.extui %sign3A_764 : i1 to i32
      %sign3A_766 = arith.subi %sign3A_762, %sign3A_765 : i32
      %sign3A_767 = arith.constant 0 : i32
      %sign3A_768 = arith.cmpi sgt, %jit3A_758, %sign3A_767 : i32
      %sign3A_769 = arith.extui %sign3A_768 : i1 to i32
      %sign3A_770 = arith.constant 0 : i32
      %sign3A_771 = arith.cmpi slt, %jit3A_758, %sign3A_770 : i32
      %sign3A_772 = arith.extui %sign3A_771 : i1 to i32
      %sign3A_773 = arith.subi %sign3A_769, %sign3A_772 : i32
      %ne3A_774 = arith.cmpi ne, %sign3A_766, %sign3A_773 : i32
      %rem3A_775 = arith.remsi %add3A_453, %jit3A_758 : i32
      %ne3A_776 = arith.constant 0 : i32
      %ne3A_777 = arith.cmpi ne, %rem3A_775, %ne3A_776 : i32
      %and3A_778 = arith.andi %ne3A_774, %ne3A_777 : i1
      %sub3A_779 = arith.constant 1 : i32
      %sub3A_780 = arith.subi %div3A_759, %sub3A_779 : i32
      %select_n3A_781 = arith.select %and3A_778, %sub3A_780, %div3A_759 : i32
      %jit3A_782 = arith.constant 8 : i32
      %eq3A_783 = arith.constant 0 : i32
      %eq3A_784 = arith.cmpi eq, %jit3A_782, %eq3A_783 : i32
      %jit3A_785 = arith.constant 1 : i32
      %select_n3A_786 = arith.select %eq3A_784, %jit3A_785, %jit3A_782 : i32
      %rem3A_787 = arith.remsi %add3A_453, %select_n3A_786 : i32
      %ne3A_788 = arith.constant 0 : i32
      %ne3A_789 = arith.cmpi ne, %rem3A_787, %ne3A_788 : i32
      %lt3A_790 = arith.constant 0 : i32
      %lt3A_791 = arith.cmpi slt, %rem3A_787, %lt3A_790 : i32
      %lt3A_792 = arith.constant 0 : i32
      %lt3A_793 = arith.cmpi slt, %select_n3A_786, %lt3A_792 : i32
      %ne3A_794 = arith.xori %lt3A_791, %lt3A_793 : i1
      %and3A_795 = arith.andi %ne3A_794, %ne3A_789 : i1
      %add3A_796 = arith.addi %rem3A_787, %select_n3A_786 : i32
      %select_n3A_797 = arith.select %and3A_795, %add3A_796, %rem3A_787 : i32
      %dma_start3A_798 = tpu.memref_reshape %arg10 : memref<1x5120xf32, #tpu.memory_space<vmem>> -> memref<40x128xf32, #tpu.memory_space<vmem>>
      %dma_start3A_799 = arith.constant 160 : i32
      %dma_start3A_800 = tpu.memref_slice %arg5[%dma_start3A_799, %select_n3A_781, %select_n3A_797, %mul3A_2] : memref<200x8x8x4096xf32, #tpu.memory_space<hbm>> -> memref<40x1x1x128xf32, #tpu.memory_space<hbm>>
      %dma_start3A_801 = tpu.memref_squeeze %dma_start3A_800 : memref<40x1x1x128xf32, #tpu.memory_space<hbm>> -> memref<40x128xf32, #tpu.memory_space<hbm>>
      %dma_start3A_802 = arith.constant 160 : i32
      %dma_start3A_803 = tpu.memref_slice %arg5[%dma_start3A_802, %select_n3A_781, %select_n3A_797, %mul3A_2] : memref<200x8x8x4096xf32, #tpu.memory_space<hbm>> -> memref<40x1x1x128xf32, #tpu.memory_space<hbm>>
      %dma_start3A_804 = tpu.memref_squeeze %dma_start3A_803 : memref<40x1x1x128xf32, #tpu.memory_space<hbm>> -> memref<40x128xf32, #tpu.memory_space<hbm>>
      %dma_start3A_805 = tpu.memref_reshape %arg10 : memref<1x5120xf32, #tpu.memory_space<vmem>> -> memref<40x128xf32, #tpu.memory_space<vmem>>
      tpu.enqueue_dma source(%dma_start3A_805 : memref<40x128xf32, #tpu.memory_space<vmem>>) target(%dma_start3A_804 : memref<40x128xf32, #tpu.memory_space<hbm>>) target_semaphore(%arg14 : memref<!tpu.dma_semaphore, #tpu.memory_space<semaphore_mem>>)
      %barrier3A_806 = arith.constant 0 : index
      tpu.barrier barrier_id(%barrier3A_806)
      %add3A_807 = arith.constant 1 : i32
      %add3A_808 = arith.addi %add3A_453, %add3A_807 : i32
      %lt3A_809 = arith.constant 64 : i32
      %lt3A_810 = arith.cmpi slt, %add3A_808, %lt3A_809 : i32
      %convert_element_type3A_811 = arith.extui %lt3A_810 : i1 to i32
      %cond3A_812 = arith.constant 0 : i32
      %cond3A_813 = arith.cmpi ne, %convert_element_type3A_811, %cond3A_812 : i32
      scf.if %cond3A_813 {
        %add3A_822 = arith.constant 1 : i32
        %add3A_823 = arith.addi %add3A_453, %add3A_822 : i32
        %add3A_824 = arith.constant 0 : i32
        %add3A_825 = arith.addi %arg1, %add3A_824 : i32
        %lt3A_826 = arith.constant 126 : i32
        %lt3A_827 = arith.cmpi slt, %add3A_825, %lt3A_826 : i32
        %convert_element_type3A_828 = arith.extui %lt3A_827 : i1 to i32
        %cond3A_829 = arith.constant 0 : i32
        %cond3A_830 = arith.cmpi ne, %convert_element_type3A_828, %cond3A_829 : i32
        scf.if %cond3A_830 {
          %mul3A_885 = arith.constant 7936 : i32
          %mul3A_886 = arith.muli %add3A_825, %mul3A_885 : i32
          "tpu.region"() ({
            %run_scoped3A = tpu.sem_alloc : memref<!tpu.dma_semaphore, #tpu.memory_space<semaphore_mem>>
            %dma_start3A_889 = tpu.memref_slice %arg3[%add3A_823, %mul3A_886] : memref<64x1000000xf32, #tpu.memory_space<hbm>> -> memref<1x7936xf32, #tpu.memory_space<hbm>>
            %dma_start3A_890 = tpu.memref_squeeze %dma_start3A_889 : memref<1x7936xf32, #tpu.memory_space<hbm>> -> memref<7936xf32, #tpu.memory_space<hbm>>
            %dma_start3A_891 = tpu.memref_slice %arg3[%add3A_823, %mul3A_886] : memref<64x1000000xf32, #tpu.memory_space<hbm>> -> memref<1x7936xf32, #tpu.memory_space<hbm>>
            %dma_start3A_892 = tpu.memref_squeeze %dma_start3A_891 : memref<1x7936xf32, #tpu.memory_space<hbm>> -> memref<7936xf32, #tpu.memory_space<hbm>>
            tpu.enqueue_dma source(%dma_start3A_892 : memref<7936xf32, #tpu.memory_space<hbm>>) target(%arg8 : memref<7936xf32, #tpu.memory_space<vmem>>) target_semaphore(%run_scoped3A : memref<!tpu.dma_semaphore, #tpu.memory_space<semaphore_mem>>)
            %dma_wait3A_893 = tpu.memref_slice %arg3[%add3A_823, %mul3A_886] : memref<64x1000000xf32, #tpu.memory_space<hbm>> -> memref<1x7936xf32, #tpu.memory_space<hbm>>
            %dma_wait3A_894 = tpu.memref_squeeze %dma_wait3A_893 : memref<1x7936xf32, #tpu.memory_space<hbm>> -> memref<7936xf32, #tpu.memory_space<hbm>>
            %dma_wait3A_895 = tpu.memref_slice %arg3[%add3A_823, %mul3A_886] : memref<64x1000000xf32, #tpu.memory_space<hbm>> -> memref<1x7936xf32, #tpu.memory_space<hbm>>
            %dma_wait3A_896 = tpu.memref_squeeze %dma_wait3A_895 : memref<1x7936xf32, #tpu.memory_space<hbm>> -> memref<7936xf32, #tpu.memory_space<hbm>>
            tpu.wait_dma2 semaphore(%run_scoped3A : memref<!tpu.dma_semaphore, #tpu.memory_space<semaphore_mem>>) src(%dma_wait3A_896 : memref<7936xf32, #tpu.memory_space<hbm>>) dst(%arg8 : memref<7936xf32, #tpu.memory_space<vmem>>)
            tpu.yield
          }) : () -> ()
          %mul3A_887 = arith.constant 7936 : i32
          %mul3A_888 = arith.muli %add3A_825, %mul3A_887 : i32
          "tpu.region"() ({
            %run_scoped3A = tpu.sem_alloc : memref<!tpu.dma_semaphore, #tpu.memory_space<semaphore_mem>>
            %dma_start3A_889 = tpu.memref_slice %arg6[%mul3A_888] : memref<1000000xf32, #tpu.memory_space<vmem_shared>> -> memref<7936xf32, #tpu.memory_space<vmem_shared>>
            %dma_start3A_890 = tpu.memref_slice %arg6[%mul3A_888] : memref<1000000xf32, #tpu.memory_space<vmem_shared>> -> memref<7936xf32, #tpu.memory_space<vmem_shared>>
            tpu.enqueue_dma source(%arg8 : memref<7936xf32, #tpu.memory_space<vmem>>) target(%dma_start3A_890 : memref<7936xf32, #tpu.memory_space<vmem_shared>>) target_semaphore(%run_scoped3A : memref<!tpu.dma_semaphore, #tpu.memory_space<semaphore_mem>>)
            %dma_wait3A_891 = tpu.memref_slice %arg6[%mul3A_888] : memref<1000000xf32, #tpu.memory_space<vmem_shared>> -> memref<7936xf32, #tpu.memory_space<vmem_shared>>
            %dma_wait3A_892 = tpu.memref_slice %arg6[%mul3A_888] : memref<1000000xf32, #tpu.memory_space<vmem_shared>> -> memref<7936xf32, #tpu.memory_space<vmem_shared>>
            tpu.wait_dma2 semaphore(%run_scoped3A : memref<!tpu.dma_semaphore, #tpu.memory_space<semaphore_mem>>) src(%arg8 : memref<7936xf32, #tpu.memory_space<vmem>>) dst(%dma_wait3A_892 : memref<7936xf32, #tpu.memory_space<vmem_shared>>)
            tpu.yield
          }) : () -> ()
        } else {
        }
        %add3A_831 = arith.constant 16 : i32
        %add3A_832 = arith.addi %arg1, %add3A_831 : i32
        %lt3A_833 = arith.constant 126 : i32
        %lt3A_834 = arith.cmpi slt, %add3A_832, %lt3A_833 : i32
        %convert_element_type3A_835 = arith.extui %lt3A_834 : i1 to i32
        %cond3A_836 = arith.constant 0 : i32
        %cond3A_837 = arith.cmpi ne, %convert_element_type3A_835, %cond3A_836 : i32
        scf.if %cond3A_837 {
          %mul3A_885 = arith.constant 7936 : i32
          %mul3A_886 = arith.muli %add3A_832, %mul3A_885 : i32
          "tpu.region"() ({
            %run_scoped3A = tpu.sem_alloc : memref<!tpu.dma_semaphore, #tpu.memory_space<semaphore_mem>>
            %dma_start3A_889 = tpu.memref_slice %arg3[%add3A_823, %mul3A_886] : memref<64x1000000xf32, #tpu.memory_space<hbm>> -> memref<1x7936xf32, #tpu.memory_space<hbm>>
            %dma_start3A_890 = tpu.memref_squeeze %dma_start3A_889 : memref<1x7936xf32, #tpu.memory_space<hbm>> -> memref<7936xf32, #tpu.memory_space<hbm>>
            %dma_start3A_891 = tpu.memref_slice %arg3[%add3A_823, %mul3A_886] : memref<64x1000000xf32, #tpu.memory_space<hbm>> -> memref<1x7936xf32, #tpu.memory_space<hbm>>
            %dma_start3A_892 = tpu.memref_squeeze %dma_start3A_891 : memref<1x7936xf32, #tpu.memory_space<hbm>> -> memref<7936xf32, #tpu.memory_space<hbm>>
            tpu.enqueue_dma source(%dma_start3A_892 : memref<7936xf32, #tpu.memory_space<hbm>>) target(%arg8 : memref<7936xf32, #tpu.memory_space<vmem>>) target_semaphore(%run_scoped3A : memref<!tpu.dma_semaphore, #tpu.memory_space<semaphore_mem>>)
            %dma_wait3A_893 = tpu.memref_slice %arg3[%add3A_823, %mul3A_886] : memref<64x1000000xf32, #tpu.memory_space<hbm>> -> memref<1x7936xf32, #tpu.memory_space<hbm>>
            %dma_wait3A_894 = tpu.memref_squeeze %dma_wait3A_893 : memref<1x7936xf32, #tpu.memory_space<hbm>> -> memref<7936xf32, #tpu.memory_space<hbm>>
            %dma_wait3A_895 = tpu.memref_slice %arg3[%add3A_823, %mul3A_886] : memref<64x1000000xf32, #tpu.memory_space<hbm>> -> memref<1x7936xf32, #tpu.memory_space<hbm>>
            %dma_wait3A_896 = tpu.memref_squeeze %dma_wait3A_895 : memref<1x7936xf32, #tpu.memory_space<hbm>> -> memref<7936xf32, #tpu.memory_space<hbm>>
            tpu.wait_dma2 semaphore(%run_scoped3A : memref<!tpu.dma_semaphore, #tpu.memory_space<semaphore_mem>>) src(%dma_wait3A_896 : memref<7936xf32, #tpu.memory_space<hbm>>) dst(%arg8 : memref<7936xf32, #tpu.memory_space<vmem>>)
            tpu.yield
          }) : () -> ()
          %mul3A_887 = arith.constant 7936 : i32
          %mul3A_888 = arith.muli %add3A_832, %mul3A_887 : i32
          "tpu.region"() ({
            %run_scoped3A = tpu.sem_alloc : memref<!tpu.dma_semaphore, #tpu.memory_space<semaphore_mem>>
            %dma_start3A_889 = tpu.memref_slice %arg6[%mul3A_888] : memref<1000000xf32, #tpu.memory_space<vmem_shared>> -> memref<7936xf32, #tpu.memory_space<vmem_shared>>
            %dma_start3A_890 = tpu.memref_slice %arg6[%mul3A_888] : memref<1000000xf32, #tpu.memory_space<vmem_shared>> -> memref<7936xf32, #tpu.memory_space<vmem_shared>>
            tpu.enqueue_dma source(%arg8 : memref<7936xf32, #tpu.memory_space<vmem>>) target(%dma_start3A_890 : memref<7936xf32, #tpu.memory_space<vmem_shared>>) target_semaphore(%run_scoped3A : memref<!tpu.dma_semaphore, #tpu.memory_space<semaphore_mem>>)
            %dma_wait3A_891 = tpu.memref_slice %arg6[%mul3A_888] : memref<1000000xf32, #tpu.memory_space<vmem_shared>> -> memref<7936xf32, #tpu.memory_space<vmem_shared>>
            %dma_wait3A_892 = tpu.memref_slice %arg6[%mul3A_888] : memref<1000000xf32, #tpu.memory_space<vmem_shared>> -> memref<7936xf32, #tpu.memory_space<vmem_shared>>
            tpu.wait_dma2 semaphore(%run_scoped3A : memref<!tpu.dma_semaphore, #tpu.memory_space<semaphore_mem>>) src(%arg8 : memref<7936xf32, #tpu.memory_space<vmem>>) dst(%dma_wait3A_892 : memref<7936xf32, #tpu.memory_space<vmem_shared>>)
            tpu.yield
          }) : () -> ()
        } else {
        }
        %add3A_838 = arith.constant 32 : i32
        %add3A_839 = arith.addi %arg1, %add3A_838 : i32
        %lt3A_840 = arith.constant 126 : i32
        %lt3A_841 = arith.cmpi slt, %add3A_839, %lt3A_840 : i32
        %convert_element_type3A_842 = arith.extui %lt3A_841 : i1 to i32
        %cond3A_843 = arith.constant 0 : i32
        %cond3A_844 = arith.cmpi ne, %convert_element_type3A_842, %cond3A_843 : i32
        scf.if %cond3A_844 {
          %mul3A_885 = arith.constant 7936 : i32
          %mul3A_886 = arith.muli %add3A_839, %mul3A_885 : i32
          "tpu.region"() ({
            %run_scoped3A = tpu.sem_alloc : memref<!tpu.dma_semaphore, #tpu.memory_space<semaphore_mem>>
            %dma_start3A_889 = tpu.memref_slice %arg3[%add3A_823, %mul3A_886] : memref<64x1000000xf32, #tpu.memory_space<hbm>> -> memref<1x7936xf32, #tpu.memory_space<hbm>>
            %dma_start3A_890 = tpu.memref_squeeze %dma_start3A_889 : memref<1x7936xf32, #tpu.memory_space<hbm>> -> memref<7936xf32, #tpu.memory_space<hbm>>
            %dma_start3A_891 = tpu.memref_slice %arg3[%add3A_823, %mul3A_886] : memref<64x1000000xf32, #tpu.memory_space<hbm>> -> memref<1x7936xf32, #tpu.memory_space<hbm>>
            %dma_start3A_892 = tpu.memref_squeeze %dma_start3A_891 : memref<1x7936xf32, #tpu.memory_space<hbm>> -> memref<7936xf32, #tpu.memory_space<hbm>>
            tpu.enqueue_dma source(%dma_start3A_892 : memref<7936xf32, #tpu.memory_space<hbm>>) target(%arg8 : memref<7936xf32, #tpu.memory_space<vmem>>) target_semaphore(%run_scoped3A : memref<!tpu.dma_semaphore, #tpu.memory_space<semaphore_mem>>)
            %dma_wait3A_893 = tpu.memref_slice %arg3[%add3A_823, %mul3A_886] : memref<64x1000000xf32, #tpu.memory_space<hbm>> -> memref<1x7936xf32, #tpu.memory_space<hbm>>
            %dma_wait3A_894 = tpu.memref_squeeze %dma_wait3A_893 : memref<1x7936xf32, #tpu.memory_space<hbm>> -> memref<7936xf32, #tpu.memory_space<hbm>>
            %dma_wait3A_895 = tpu.memref_slice %arg3[%add3A_823, %mul3A_886] : memref<64x1000000xf32, #tpu.memory_space<hbm>> -> memref<1x7936xf32, #tpu.memory_space<hbm>>
            %dma_wait3A_896 = tpu.memref_squeeze %dma_wait3A_895 : memref<1x7936xf32, #tpu.memory_space<hbm>> -> memref<7936xf32, #tpu.memory_space<hbm>>
            tpu.wait_dma2 semaphore(%run_scoped3A : memref<!tpu.dma_semaphore, #tpu.memory_space<semaphore_mem>>) src(%dma_wait3A_896 : memref<7936xf32, #tpu.memory_space<hbm>>) dst(%arg8 : memref<7936xf32, #tpu.memory_space<vmem>>)
            tpu.yield
          }) : () -> ()
          %mul3A_887 = arith.constant 7936 : i32
          %mul3A_888 = arith.muli %add3A_839, %mul3A_887 : i32
          "tpu.region"() ({
            %run_scoped3A = tpu.sem_alloc : memref<!tpu.dma_semaphore, #tpu.memory_space<semaphore_mem>>
            %dma_start3A_889 = tpu.memref_slice %arg6[%mul3A_888] : memref<1000000xf32, #tpu.memory_space<vmem_shared>> -> memref<7936xf32, #tpu.memory_space<vmem_shared>>
            %dma_start3A_890 = tpu.memref_slice %arg6[%mul3A_888] : memref<1000000xf32, #tpu.memory_space<vmem_shared>> -> memref<7936xf32, #tpu.memory_space<vmem_shared>>
            tpu.enqueue_dma source(%arg8 : memref<7936xf32, #tpu.memory_space<vmem>>) target(%dma_start3A_890 : memref<7936xf32, #tpu.memory_space<vmem_shared>>) target_semaphore(%run_scoped3A : memref<!tpu.dma_semaphore, #tpu.memory_space<semaphore_mem>>)
            %dma_wait3A_891 = tpu.memref_slice %arg6[%mul3A_888] : memref<1000000xf32, #tpu.memory_space<vmem_shared>> -> memref<7936xf32, #tpu.memory_space<vmem_shared>>
            %dma_wait3A_892 = tpu.memref_slice %arg6[%mul3A_888] : memref<1000000xf32, #tpu.memory_space<vmem_shared>> -> memref<7936xf32, #tpu.memory_space<vmem_shared>>
            tpu.wait_dma2 semaphore(%run_scoped3A : memref<!tpu.dma_semaphore, #tpu.memory_space<semaphore_mem>>) src(%arg8 : memref<7936xf32, #tpu.memory_space<vmem>>) dst(%dma_wait3A_892 : memref<7936xf32, #tpu.memory_space<vmem_shared>>)
            tpu.yield
          }) : () -> ()
        } else {
        }
        %add3A_845 = arith.constant 48 : i32
        %add3A_846 = arith.addi %arg1, %add3A_845 : i32
        %lt3A_847 = arith.constant 126 : i32
        %lt3A_848 = arith.cmpi slt, %add3A_846, %lt3A_847 : i32
        %convert_element_type3A_849 = arith.extui %lt3A_848 : i1 to i32
        %cond3A_850 = arith.constant 0 : i32
        %cond3A_851 = arith.cmpi ne, %convert_element_type3A_849, %cond3A_850 : i32
        scf.if %cond3A_851 {
          %mul3A_885 = arith.constant 7936 : i32
          %mul3A_886 = arith.muli %add3A_846, %mul3A_885 : i32
          "tpu.region"() ({
            %run_scoped3A = tpu.sem_alloc : memref<!tpu.dma_semaphore, #tpu.memory_space<semaphore_mem>>
            %dma_start3A_889 = tpu.memref_slice %arg3[%add3A_823, %mul3A_886] : memref<64x1000000xf32, #tpu.memory_space<hbm>> -> memref<1x7936xf32, #tpu.memory_space<hbm>>
            %dma_start3A_890 = tpu.memref_squeeze %dma_start3A_889 : memref<1x7936xf32, #tpu.memory_space<hbm>> -> memref<7936xf32, #tpu.memory_space<hbm>>
            %dma_start3A_891 = tpu.memref_slice %arg3[%add3A_823, %mul3A_886] : memref<64x1000000xf32, #tpu.memory_space<hbm>> -> memref<1x7936xf32, #tpu.memory_space<hbm>>
            %dma_start3A_892 = tpu.memref_squeeze %dma_start3A_891 : memref<1x7936xf32, #tpu.memory_space<hbm>> -> memref<7936xf32, #tpu.memory_space<hbm>>
            tpu.enqueue_dma source(%dma_start3A_892 : memref<7936xf32, #tpu.memory_space<hbm>>) target(%arg8 : memref<7936xf32, #tpu.memory_space<vmem>>) target_semaphore(%run_scoped3A : memref<!tpu.dma_semaphore, #tpu.memory_space<semaphore_mem>>)
            %dma_wait3A_893 = tpu.memref_slice %arg3[%add3A_823, %mul3A_886] : memref<64x1000000xf32, #tpu.memory_space<hbm>> -> memref<1x7936xf32, #tpu.memory_space<hbm>>
            %dma_wait3A_894 = tpu.memref_squeeze %dma_wait3A_893 : memref<1x7936xf32, #tpu.memory_space<hbm>> -> memref<7936xf32, #tpu.memory_space<hbm>>
            %dma_wait3A_895 = tpu.memref_slice %arg3[%add3A_823, %mul3A_886] : memref<64x1000000xf32, #tpu.memory_space<hbm>> -> memref<1x7936xf32, #tpu.memory_space<hbm>>
            %dma_wait3A_896 = tpu.memref_squeeze %dma_wait3A_895 : memref<1x7936xf32, #tpu.memory_space<hbm>> -> memref<7936xf32, #tpu.memory_space<hbm>>
            tpu.wait_dma2 semaphore(%run_scoped3A : memref<!tpu.dma_semaphore, #tpu.memory_space<semaphore_mem>>) src(%dma_wait3A_896 : memref<7936xf32, #tpu.memory_space<hbm>>) dst(%arg8 : memref<7936xf32, #tpu.memory_space<vmem>>)
            tpu.yield
          }) : () -> ()
          %mul3A_887 = arith.constant 7936 : i32
          %mul3A_888 = arith.muli %add3A_846, %mul3A_887 : i32
          "tpu.region"() ({
            %run_scoped3A = tpu.sem_alloc : memref<!tpu.dma_semaphore, #tpu.memory_space<semaphore_mem>>
            %dma_start3A_889 = tpu.memref_slice %arg6[%mul3A_888] : memref<1000000xf32, #tpu.memory_space<vmem_shared>> -> memref<7936xf32, #tpu.memory_space<vmem_shared>>
            %dma_start3A_890 = tpu.memref_slice %arg6[%mul3A_888] : memref<1000000xf32, #tpu.memory_space<vmem_shared>> -> memref<7936xf32, #tpu.memory_space<vmem_shared>>
            tpu.enqueue_dma source(%arg8 : memref<7936xf32, #tpu.memory_space<vmem>>) target(%dma_start3A_890 : memref<7936xf32, #tpu.memory_space<vmem_shared>>) target_semaphore(%run_scoped3A : memref<!tpu.dma_semaphore, #tpu.memory_space<semaphore_mem>>)
            %dma_wait3A_891 = tpu.memref_slice %arg6[%mul3A_888] : memref<1000000xf32, #tpu.memory_space<vmem_shared>> -> memref<7936xf32, #tpu.memory_space<vmem_shared>>
            %dma_wait3A_892 = tpu.memref_slice %arg6[%mul3A_888] : memref<1000000xf32, #tpu.memory_space<vmem_shared>> -> memref<7936xf32, #tpu.memory_space<vmem_shared>>
            tpu.wait_dma2 semaphore(%run_scoped3A : memref<!tpu.dma_semaphore, #tpu.memory_space<semaphore_mem>>) src(%arg8 : memref<7936xf32, #tpu.memory_space<vmem>>) dst(%dma_wait3A_892 : memref<7936xf32, #tpu.memory_space<vmem_shared>>)
            tpu.yield
          }) : () -> ()
        } else {
        }
        %add3A_852 = arith.constant 64 : i32
        %add3A_853 = arith.addi %arg1, %add3A_852 : i32
        %lt3A_854 = arith.constant 126 : i32
        %lt3A_855 = arith.cmpi slt, %add3A_853, %lt3A_854 : i32
        %convert_element_type3A_856 = arith.extui %lt3A_855 : i1 to i32
        %cond3A_857 = arith.constant 0 : i32
        %cond3A_858 = arith.cmpi ne, %convert_element_type3A_856, %cond3A_857 : i32
        scf.if %cond3A_858 {
          %mul3A_885 = arith.constant 7936 : i32
          %mul3A_886 = arith.muli %add3A_853, %mul3A_885 : i32
          "tpu.region"() ({
            %run_scoped3A = tpu.sem_alloc : memref<!tpu.dma_semaphore, #tpu.memory_space<semaphore_mem>>
            %dma_start3A_889 = tpu.memref_slice %arg3[%add3A_823, %mul3A_886] : memref<64x1000000xf32, #tpu.memory_space<hbm>> -> memref<1x7936xf32, #tpu.memory_space<hbm>>
            %dma_start3A_890 = tpu.memref_squeeze %dma_start3A_889 : memref<1x7936xf32, #tpu.memory_space<hbm>> -> memref<7936xf32, #tpu.memory_space<hbm>>
            %dma_start3A_891 = tpu.memref_slice %arg3[%add3A_823, %mul3A_886] : memref<64x1000000xf32, #tpu.memory_space<hbm>> -> memref<1x7936xf32, #tpu.memory_space<hbm>>
            %dma_start3A_892 = tpu.memref_squeeze %dma_start3A_891 : memref<1x7936xf32, #tpu.memory_space<hbm>> -> memref<7936xf32, #tpu.memory_space<hbm>>
            tpu.enqueue_dma source(%dma_start3A_892 : memref<7936xf32, #tpu.memory_space<hbm>>) target(%arg8 : memref<7936xf32, #tpu.memory_space<vmem>>) target_semaphore(%run_scoped3A : memref<!tpu.dma_semaphore, #tpu.memory_space<semaphore_mem>>)
            %dma_wait3A_893 = tpu.memref_slice %arg3[%add3A_823, %mul3A_886] : memref<64x1000000xf32, #tpu.memory_space<hbm>> -> memref<1x7936xf32, #tpu.memory_space<hbm>>
            %dma_wait3A_894 = tpu.memref_squeeze %dma_wait3A_893 : memref<1x7936xf32, #tpu.memory_space<hbm>> -> memref<7936xf32, #tpu.memory_space<hbm>>
            %dma_wait3A_895 = tpu.memref_slice %arg3[%add3A_823, %mul3A_886] : memref<64x1000000xf32, #tpu.memory_space<hbm>> -> memref<1x7936xf32, #tpu.memory_space<hbm>>
            %dma_wait3A_896 = tpu.memref_squeeze %dma_wait3A_895 : memref<1x7936xf32, #tpu.memory_space<hbm>> -> memref<7936xf32, #tpu.memory_space<hbm>>
            tpu.wait_dma2 semaphore(%run_scoped3A : memref<!tpu.dma_semaphore, #tpu.memory_space<semaphore_mem>>) src(%dma_wait3A_896 : memref<7936xf32, #tpu.memory_space<hbm>>) dst(%arg8 : memref<7936xf32, #tpu.memory_space<vmem>>)
            tpu.yield
          }) : () -> ()
          %mul3A_887 = arith.constant 7936 : i32
          %mul3A_888 = arith.muli %add3A_853, %mul3A_887 : i32
          "tpu.region"() ({
            %run_scoped3A = tpu.sem_alloc : memref<!tpu.dma_semaphore, #tpu.memory_space<semaphore_mem>>
            %dma_start3A_889 = tpu.memref_slice %arg6[%mul3A_888] : memref<1000000xf32, #tpu.memory_space<vmem_shared>> -> memref<7936xf32, #tpu.memory_space<vmem_shared>>
            %dma_start3A_890 = tpu.memref_slice %arg6[%mul3A_888] : memref<1000000xf32, #tpu.memory_space<vmem_shared>> -> memref<7936xf32, #tpu.memory_space<vmem_shared>>
            tpu.enqueue_dma source(%arg8 : memref<7936xf32, #tpu.memory_space<vmem>>) target(%dma_start3A_890 : memref<7936xf32, #tpu.memory_space<vmem_shared>>) target_semaphore(%run_scoped3A : memref<!tpu.dma_semaphore, #tpu.memory_space<semaphore_mem>>)
            %dma_wait3A_891 = tpu.memref_slice %arg6[%mul3A_888] : memref<1000000xf32, #tpu.memory_space<vmem_shared>> -> memref<7936xf32, #tpu.memory_space<vmem_shared>>
            %dma_wait3A_892 = tpu.memref_slice %arg6[%mul3A_888] : memref<1000000xf32, #tpu.memory_space<vmem_shared>> -> memref<7936xf32, #tpu.memory_space<vmem_shared>>
            tpu.wait_dma2 semaphore(%run_scoped3A : memref<!tpu.dma_semaphore, #tpu.memory_space<semaphore_mem>>) src(%arg8 : memref<7936xf32, #tpu.memory_space<vmem>>) dst(%dma_wait3A_892 : memref<7936xf32, #tpu.memory_space<vmem_shared>>)
            tpu.yield
          }) : () -> ()
        } else {
        }
        %add3A_859 = arith.constant 80 : i32
        %add3A_860 = arith.addi %arg1, %add3A_859 : i32
        %lt3A_861 = arith.constant 126 : i32
        %lt3A_862 = arith.cmpi slt, %add3A_860, %lt3A_861 : i32
        %convert_element_type3A_863 = arith.extui %lt3A_862 : i1 to i32
        %cond3A_864 = arith.constant 0 : i32
        %cond3A_865 = arith.cmpi ne, %convert_element_type3A_863, %cond3A_864 : i32
        scf.if %cond3A_865 {
          %mul3A_885 = arith.constant 7936 : i32
          %mul3A_886 = arith.muli %add3A_860, %mul3A_885 : i32
          "tpu.region"() ({
            %run_scoped3A = tpu.sem_alloc : memref<!tpu.dma_semaphore, #tpu.memory_space<semaphore_mem>>
            %dma_start3A_889 = tpu.memref_slice %arg3[%add3A_823, %mul3A_886] : memref<64x1000000xf32, #tpu.memory_space<hbm>> -> memref<1x7936xf32, #tpu.memory_space<hbm>>
            %dma_start3A_890 = tpu.memref_squeeze %dma_start3A_889 : memref<1x7936xf32, #tpu.memory_space<hbm>> -> memref<7936xf32, #tpu.memory_space<hbm>>
            %dma_start3A_891 = tpu.memref_slice %arg3[%add3A_823, %mul3A_886] : memref<64x1000000xf32, #tpu.memory_space<hbm>> -> memref<1x7936xf32, #tpu.memory_space<hbm>>
            %dma_start3A_892 = tpu.memref_squeeze %dma_start3A_891 : memref<1x7936xf32, #tpu.memory_space<hbm>> -> memref<7936xf32, #tpu.memory_space<hbm>>
            tpu.enqueue_dma source(%dma_start3A_892 : memref<7936xf32, #tpu.memory_space<hbm>>) target(%arg8 : memref<7936xf32, #tpu.memory_space<vmem>>) target_semaphore(%run_scoped3A : memref<!tpu.dma_semaphore, #tpu.memory_space<semaphore_mem>>)
            %dma_wait3A_893 = tpu.memref_slice %arg3[%add3A_823, %mul3A_886] : memref<64x1000000xf32, #tpu.memory_space<hbm>> -> memref<1x7936xf32, #tpu.memory_space<hbm>>
            %dma_wait3A_894 = tpu.memref_squeeze %dma_wait3A_893 : memref<1x7936xf32, #tpu.memory_space<hbm>> -> memref<7936xf32, #tpu.memory_space<hbm>>
            %dma_wait3A_895 = tpu.memref_slice %arg3[%add3A_823, %mul3A_886] : memref<64x1000000xf32, #tpu.memory_space<hbm>> -> memref<1x7936xf32, #tpu.memory_space<hbm>>
            %dma_wait3A_896 = tpu.memref_squeeze %dma_wait3A_895 : memref<1x7936xf32, #tpu.memory_space<hbm>> -> memref<7936xf32, #tpu.memory_space<hbm>>
            tpu.wait_dma2 semaphore(%run_scoped3A : memref<!tpu.dma_semaphore, #tpu.memory_space<semaphore_mem>>) src(%dma_wait3A_896 : memref<7936xf32, #tpu.memory_space<hbm>>) dst(%arg8 : memref<7936xf32, #tpu.memory_space<vmem>>)
            tpu.yield
          }) : () -> ()
          %mul3A_887 = arith.constant 7936 : i32
          %mul3A_888 = arith.muli %add3A_860, %mul3A_887 : i32
          "tpu.region"() ({
            %run_scoped3A = tpu.sem_alloc : memref<!tpu.dma_semaphore, #tpu.memory_space<semaphore_mem>>
            %dma_start3A_889 = tpu.memref_slice %arg6[%mul3A_888] : memref<1000000xf32, #tpu.memory_space<vmem_shared>> -> memref<7936xf32, #tpu.memory_space<vmem_shared>>
            %dma_start3A_890 = tpu.memref_slice %arg6[%mul3A_888] : memref<1000000xf32, #tpu.memory_space<vmem_shared>> -> memref<7936xf32, #tpu.memory_space<vmem_shared>>
            tpu.enqueue_dma source(%arg8 : memref<7936xf32, #tpu.memory_space<vmem>>) target(%dma_start3A_890 : memref<7936xf32, #tpu.memory_space<vmem_shared>>) target_semaphore(%run_scoped3A : memref<!tpu.dma_semaphore, #tpu.memory_space<semaphore_mem>>)
            %dma_wait3A_891 = tpu.memref_slice %arg6[%mul3A_888] : memref<1000000xf32, #tpu.memory_space<vmem_shared>> -> memref<7936xf32, #tpu.memory_space<vmem_shared>>
            %dma_wait3A_892 = tpu.memref_slice %arg6[%mul3A_888] : memref<1000000xf32, #tpu.memory_space<vmem_shared>> -> memref<7936xf32, #tpu.memory_space<vmem_shared>>
            tpu.wait_dma2 semaphore(%run_scoped3A : memref<!tpu.dma_semaphore, #tpu.memory_space<semaphore_mem>>) src(%arg8 : memref<7936xf32, #tpu.memory_space<vmem>>) dst(%dma_wait3A_892 : memref<7936xf32, #tpu.memory_space<vmem_shared>>)
            tpu.yield
          }) : () -> ()
        } else {
        }
        %add3A_866 = arith.constant 96 : i32
        %add3A_867 = arith.addi %arg1, %add3A_866 : i32
        %lt3A_868 = arith.constant 126 : i32
        %lt3A_869 = arith.cmpi slt, %add3A_867, %lt3A_868 : i32
        %convert_element_type3A_870 = arith.extui %lt3A_869 : i1 to i32
        %cond3A_871 = arith.constant 0 : i32
        %cond3A_872 = arith.cmpi ne, %convert_element_type3A_870, %cond3A_871 : i32
        scf.if %cond3A_872 {
          %mul3A_885 = arith.constant 7936 : i32
          %mul3A_886 = arith.muli %add3A_867, %mul3A_885 : i32
          "tpu.region"() ({
            %run_scoped3A = tpu.sem_alloc : memref<!tpu.dma_semaphore, #tpu.memory_space<semaphore_mem>>
            %dma_start3A_889 = tpu.memref_slice %arg3[%add3A_823, %mul3A_886] : memref<64x1000000xf32, #tpu.memory_space<hbm>> -> memref<1x7936xf32, #tpu.memory_space<hbm>>
            %dma_start3A_890 = tpu.memref_squeeze %dma_start3A_889 : memref<1x7936xf32, #tpu.memory_space<hbm>> -> memref<7936xf32, #tpu.memory_space<hbm>>
            %dma_start3A_891 = tpu.memref_slice %arg3[%add3A_823, %mul3A_886] : memref<64x1000000xf32, #tpu.memory_space<hbm>> -> memref<1x7936xf32, #tpu.memory_space<hbm>>
            %dma_start3A_892 = tpu.memref_squeeze %dma_start3A_891 : memref<1x7936xf32, #tpu.memory_space<hbm>> -> memref<7936xf32, #tpu.memory_space<hbm>>
            tpu.enqueue_dma source(%dma_start3A_892 : memref<7936xf32, #tpu.memory_space<hbm>>) target(%arg8 : memref<7936xf32, #tpu.memory_space<vmem>>) target_semaphore(%run_scoped3A : memref<!tpu.dma_semaphore, #tpu.memory_space<semaphore_mem>>)
            %dma_wait3A_893 = tpu.memref_slice %arg3[%add3A_823, %mul3A_886] : memref<64x1000000xf32, #tpu.memory_space<hbm>> -> memref<1x7936xf32, #tpu.memory_space<hbm>>
            %dma_wait3A_894 = tpu.memref_squeeze %dma_wait3A_893 : memref<1x7936xf32, #tpu.memory_space<hbm>> -> memref<7936xf32, #tpu.memory_space<hbm>>
            %dma_wait3A_895 = tpu.memref_slice %arg3[%add3A_823, %mul3A_886] : memref<64x1000000xf32, #tpu.memory_space<hbm>> -> memref<1x7936xf32, #tpu.memory_space<hbm>>
            %dma_wait3A_896 = tpu.memref_squeeze %dma_wait3A_895 : memref<1x7936xf32, #tpu.memory_space<hbm>> -> memref<7936xf32, #tpu.memory_space<hbm>>
            tpu.wait_dma2 semaphore(%run_scoped3A : memref<!tpu.dma_semaphore, #tpu.memory_space<semaphore_mem>>) src(%dma_wait3A_896 : memref<7936xf32, #tpu.memory_space<hbm>>) dst(%arg8 : memref<7936xf32, #tpu.memory_space<vmem>>)
            tpu.yield
          }) : () -> ()
          %mul3A_887 = arith.constant 7936 : i32
          %mul3A_888 = arith.muli %add3A_867, %mul3A_887 : i32
          "tpu.region"() ({
            %run_scoped3A = tpu.sem_alloc : memref<!tpu.dma_semaphore, #tpu.memory_space<semaphore_mem>>
            %dma_start3A_889 = tpu.memref_slice %arg6[%mul3A_888] : memref<1000000xf32, #tpu.memory_space<vmem_shared>> -> memref<7936xf32, #tpu.memory_space<vmem_shared>>
            %dma_start3A_890 = tpu.memref_slice %arg6[%mul3A_888] : memref<1000000xf32, #tpu.memory_space<vmem_shared>> -> memref<7936xf32, #tpu.memory_space<vmem_shared>>
            tpu.enqueue_dma source(%arg8 : memref<7936xf32, #tpu.memory_space<vmem>>) target(%dma_start3A_890 : memref<7936xf32, #tpu.memory_space<vmem_shared>>) target_semaphore(%run_scoped3A : memref<!tpu.dma_semaphore, #tpu.memory_space<semaphore_mem>>)
            %dma_wait3A_891 = tpu.memref_slice %arg6[%mul3A_888] : memref<1000000xf32, #tpu.memory_space<vmem_shared>> -> memref<7936xf32, #tpu.memory_space<vmem_shared>>
            %dma_wait3A_892 = tpu.memref_slice %arg6[%mul3A_888] : memref<1000000xf32, #tpu.memory_space<vmem_shared>> -> memref<7936xf32, #tpu.memory_space<vmem_shared>>
            tpu.wait_dma2 semaphore(%run_scoped3A : memref<!tpu.dma_semaphore, #tpu.memory_space<semaphore_mem>>) src(%arg8 : memref<7936xf32, #tpu.memory_space<vmem>>) dst(%dma_wait3A_892 : memref<7936xf32, #tpu.memory_space<vmem_shared>>)
            tpu.yield
          }) : () -> ()
        } else {
        }
        %add3A_873 = arith.constant 112 : i32
        %add3A_874 = arith.addi %arg1, %add3A_873 : i32
        %lt3A_875 = arith.constant 126 : i32
        %lt3A_876 = arith.cmpi slt, %add3A_874, %lt3A_875 : i32
        %convert_element_type3A_877 = arith.extui %lt3A_876 : i1 to i32
        %cond3A_878 = arith.constant 0 : i32
        %cond3A_879 = arith.cmpi ne, %convert_element_type3A_877, %cond3A_878 : i32
        scf.if %cond3A_879 {
          %mul3A_885 = arith.constant 7936 : i32
          %mul3A_886 = arith.muli %add3A_874, %mul3A_885 : i32
          "tpu.region"() ({
            %run_scoped3A = tpu.sem_alloc : memref<!tpu.dma_semaphore, #tpu.memory_space<semaphore_mem>>
            %dma_start3A_889 = tpu.memref_slice %arg3[%add3A_823, %mul3A_886] : memref<64x1000000xf32, #tpu.memory_space<hbm>> -> memref<1x7936xf32, #tpu.memory_space<hbm>>
            %dma_start3A_890 = tpu.memref_squeeze %dma_start3A_889 : memref<1x7936xf32, #tpu.memory_space<hbm>> -> memref<7936xf32, #tpu.memory_space<hbm>>
            %dma_start3A_891 = tpu.memref_slice %arg3[%add3A_823, %mul3A_886] : memref<64x1000000xf32, #tpu.memory_space<hbm>> -> memref<1x7936xf32, #tpu.memory_space<hbm>>
            %dma_start3A_892 = tpu.memref_squeeze %dma_start3A_891 : memref<1x7936xf32, #tpu.memory_space<hbm>> -> memref<7936xf32, #tpu.memory_space<hbm>>
            tpu.enqueue_dma source(%dma_start3A_892 : memref<7936xf32, #tpu.memory_space<hbm>>) target(%arg8 : memref<7936xf32, #tpu.memory_space<vmem>>) target_semaphore(%run_scoped3A : memref<!tpu.dma_semaphore, #tpu.memory_space<semaphore_mem>>)
            %dma_wait3A_893 = tpu.memref_slice %arg3[%add3A_823, %mul3A_886] : memref<64x1000000xf32, #tpu.memory_space<hbm>> -> memref<1x7936xf32, #tpu.memory_space<hbm>>
            %dma_wait3A_894 = tpu.memref_squeeze %dma_wait3A_893 : memref<1x7936xf32, #tpu.memory_space<hbm>> -> memref<7936xf32, #tpu.memory_space<hbm>>
            %dma_wait3A_895 = tpu.memref_slice %arg3[%add3A_823, %mul3A_886] : memref<64x1000000xf32, #tpu.memory_space<hbm>> -> memref<1x7936xf32, #tpu.memory_space<hbm>>
            %dma_wait3A_896 = tpu.memref_squeeze %dma_wait3A_895 : memref<1x7936xf32, #tpu.memory_space<hbm>> -> memref<7936xf32, #tpu.memory_space<hbm>>
            tpu.wait_dma2 semaphore(%run_scoped3A : memref<!tpu.dma_semaphore, #tpu.memory_space<semaphore_mem>>) src(%dma_wait3A_896 : memref<7936xf32, #tpu.memory_space<hbm>>) dst(%arg8 : memref<7936xf32, #tpu.memory_space<vmem>>)
            tpu.yield
          }) : () -> ()
          %mul3A_887 = arith.constant 7936 : i32
          %mul3A_888 = arith.muli %add3A_874, %mul3A_887 : i32
          "tpu.region"() ({
            %run_scoped3A = tpu.sem_alloc : memref<!tpu.dma_semaphore, #tpu.memory_space<semaphore_mem>>
            %dma_start3A_889 = tpu.memref_slice %arg6[%mul3A_888] : memref<1000000xf32, #tpu.memory_space<vmem_shared>> -> memref<7936xf32, #tpu.memory_space<vmem_shared>>
            %dma_start3A_890 = tpu.memref_slice %arg6[%mul3A_888] : memref<1000000xf32, #tpu.memory_space<vmem_shared>> -> memref<7936xf32, #tpu.memory_space<vmem_shared>>
            tpu.enqueue_dma source(%arg8 : memref<7936xf32, #tpu.memory_space<vmem>>) target(%dma_start3A_890 : memref<7936xf32, #tpu.memory_space<vmem_shared>>) target_semaphore(%run_scoped3A : memref<!tpu.dma_semaphore, #tpu.memory_space<semaphore_mem>>)
            %dma_wait3A_891 = tpu.memref_slice %arg6[%mul3A_888] : memref<1000000xf32, #tpu.memory_space<vmem_shared>> -> memref<7936xf32, #tpu.memory_space<vmem_shared>>
            %dma_wait3A_892 = tpu.memref_slice %arg6[%mul3A_888] : memref<1000000xf32, #tpu.memory_space<vmem_shared>> -> memref<7936xf32, #tpu.memory_space<vmem_shared>>
            tpu.wait_dma2 semaphore(%run_scoped3A : memref<!tpu.dma_semaphore, #tpu.memory_space<semaphore_mem>>) src(%arg8 : memref<7936xf32, #tpu.memory_space<vmem>>) dst(%dma_wait3A_892 : memref<7936xf32, #tpu.memory_space<vmem_shared>>)
            tpu.yield
          }) : () -> ()
        } else {
        }
        %eq3A_880 = arith.constant 0 : i32
        %eq3A_881 = arith.cmpi eq, %arg1, %eq3A_880 : i32
        %convert_element_type3A_882 = arith.extui %eq3A_881 : i1 to i32
        %cond3A_883 = arith.constant 0 : i32
        %cond3A_884 = arith.cmpi ne, %convert_element_type3A_882, %cond3A_883 : i32
        scf.if %cond3A_884 {
          %mul3A_885 = arith.constant 64 : i32
          %mul3A_886 = arith.muli %add3A_823, %mul3A_885 : i32
          "tpu.region"() ({
            %run_scoped3A = tpu.sem_alloc : memref<!tpu.dma_semaphore, #tpu.memory_space<semaphore_mem>>
            %dma_start3A_887 = arith.constant 0 : i32
            %dma_start3A_888 = tpu.memref_slice %arg8[%dma_start3A_887] : memref<7936xf32, #tpu.memory_space<vmem>> -> memref<64xf32, #tpu.memory_space<vmem>>
            %dma_start3A_889 = tpu.memref_slice %arg4[%mul3A_886] : memref<4096xf32, #tpu.memory_space<hbm>> -> memref<64xf32, #tpu.memory_space<hbm>>
            %dma_start3A_890 = arith.constant 0 : i32
            %dma_start3A_891 = tpu.memref_slice %arg8[%dma_start3A_890] : memref<7936xf32, #tpu.memory_space<vmem>> -> memref<64xf32, #tpu.memory_space<vmem>>
            %dma_start3A_892 = tpu.memref_slice %arg4[%mul3A_886] : memref<4096xf32, #tpu.memory_space<hbm>> -> memref<64xf32, #tpu.memory_space<hbm>>
            tpu.enqueue_dma source(%dma_start3A_892 : memref<64xf32, #tpu.memory_space<hbm>>) target(%dma_start3A_891 : memref<64xf32, #tpu.memory_space<vmem>>) target_semaphore(%run_scoped3A : memref<!tpu.dma_semaphore, #tpu.memory_space<semaphore_mem>>)
            %dma_wait3A_893 = arith.constant 0 : i32
            %dma_wait3A_894 = tpu.memref_slice %arg8[%dma_wait3A_893] : memref<7936xf32, #tpu.memory_space<vmem>> -> memref<64xf32, #tpu.memory_space<vmem>>
            %dma_wait3A_895 = tpu.memref_slice %arg4[%mul3A_886] : memref<4096xf32, #tpu.memory_space<hbm>> -> memref<64xf32, #tpu.memory_space<hbm>>
            %dma_wait3A_896 = arith.constant 0 : i32
            %dma_wait3A_897 = tpu.memref_slice %arg8[%dma_wait3A_896] : memref<7936xf32, #tpu.memory_space<vmem>> -> memref<64xf32, #tpu.memory_space<vmem>>
            %dma_wait3A_898 = tpu.memref_slice %arg4[%mul3A_886] : memref<4096xf32, #tpu.memory_space<hbm>> -> memref<64xf32, #tpu.memory_space<hbm>>
            tpu.wait_dma2 semaphore(%run_scoped3A : memref<!tpu.dma_semaphore, #tpu.memory_space<semaphore_mem>>) src(%dma_wait3A_898 : memref<64xf32, #tpu.memory_space<hbm>>) dst(%dma_wait3A_897 : memref<64xf32, #tpu.memory_space<vmem>>)
            tpu.yield
          }) : () -> ()
          "tpu.region"() ({
            %run_scoped3A = tpu.sem_alloc : memref<!tpu.dma_semaphore, #tpu.memory_space<semaphore_mem>>
            %dma_start3A_887 = arith.constant 0 : i32
            %dma_start3A_888 = tpu.memref_slice %arg8[%dma_start3A_887] : memref<7936xf32, #tpu.memory_space<vmem>> -> memref<64xf32, #tpu.memory_space<vmem>>
            %dma_start3A_889 = arith.constant 999936 : i32
            %dma_start3A_890 = tpu.memref_slice %arg6[%dma_start3A_889] : memref<1000000xf32, #tpu.memory_space<vmem_shared>> -> memref<64xf32, #tpu.memory_space<vmem_shared>>
            %dma_start3A_891 = arith.constant 999936 : i32
            %dma_start3A_892 = tpu.memref_slice %arg6[%dma_start3A_891] : memref<1000000xf32, #tpu.memory_space<vmem_shared>> -> memref<64xf32, #tpu.memory_space<vmem_shared>>
            %dma_start3A_893 = arith.constant 0 : i32
            %dma_start3A_894 = tpu.memref_slice %arg8[%dma_start3A_893] : memref<7936xf32, #tpu.memory_space<vmem>> -> memref<64xf32, #tpu.memory_space<vmem>>
            tpu.enqueue_dma source(%dma_start3A_894 : memref<64xf32, #tpu.memory_space<vmem>>) target(%dma_start3A_892 : memref<64xf32, #tpu.memory_space<vmem_shared>>) target_semaphore(%run_scoped3A : memref<!tpu.dma_semaphore, #tpu.memory_space<semaphore_mem>>)
            %dma_wait3A_895 = arith.constant 0 : i32
            %dma_wait3A_896 = tpu.memref_slice %arg8[%dma_wait3A_895] : memref<7936xf32, #tpu.memory_space<vmem>> -> memref<64xf32, #tpu.memory_space<vmem>>
            %dma_wait3A_897 = arith.constant 999936 : i32
            %dma_wait3A_898 = tpu.memref_slice %arg6[%dma_wait3A_897] : memref<1000000xf32, #tpu.memory_space<vmem_shared>> -> memref<64xf32, #tpu.memory_space<vmem_shared>>
            %dma_wait3A_899 = arith.constant 999936 : i32
            %dma_wait3A_900 = tpu.memref_slice %arg6[%dma_wait3A_899] : memref<1000000xf32, #tpu.memory_space<vmem_shared>> -> memref<64xf32, #tpu.memory_space<vmem_shared>>
            %dma_wait3A_901 = arith.constant 0 : i32
            %dma_wait3A_902 = tpu.memref_slice %arg8[%dma_wait3A_901] : memref<7936xf32, #tpu.memory_space<vmem>> -> memref<64xf32, #tpu.memory_space<vmem>>
            tpu.wait_dma2 semaphore(%run_scoped3A : memref<!tpu.dma_semaphore, #tpu.memory_space<semaphore_mem>>) src(%dma_wait3A_902 : memref<64xf32, #tpu.memory_space<vmem>>) dst(%dma_wait3A_900 : memref<64xf32, #tpu.memory_space<vmem_shared>>)
            tpu.yield
          }) : () -> ()
        } else {
        }
      } else {
      }
      %barrier3A_814 = arith.constant 0 : index
      tpu.barrier barrier_id(%barrier3A_814)
      %add3A_815 = arith.constant 1 : i32
      %add3A_816 = arith.addi %add3A_453, %add3A_815 : i32
      %lt3A_817 = arith.constant 64 : i32
      %lt3A_818 = arith.cmpi slt, %add3A_816, %lt3A_817 : i32
      %convert_element_type3A_819 = arith.extui %lt3A_818 : i1 to i32
      %cond3A_820 = arith.constant 0 : i32
      %cond3A_821 = arith.cmpi ne, %convert_element_type3A_819, %cond3A_820 : i32
      scf.if %cond3A_821 {
        %dma_wait3A_822 = arith.constant 0 : i32
        %dma_wait3A_823 = arith.constant 0 : i32
        %dma_wait3A_824 = tpu.memref_reshape %arg9 : memref<1x5120xf32, #tpu.memory_space<vmem>> -> memref<40x128xf32, #tpu.memory_space<vmem>>
        %dma_wait3A_825 = arith.constant 0 : i32
        %dma_wait3A_826 = tpu.memref_slice %arg5[%dma_wait3A_825, %dma_wait3A_822, %dma_wait3A_823, %mul3A_2] : memref<200x8x8x4096xf32, #tpu.memory_space<hbm>> -> memref<40x1x1x128xf32, #tpu.memory_space<hbm>>
        %dma_wait3A_827 = tpu.memref_squeeze %dma_wait3A_826 : memref<40x1x1x128xf32, #tpu.memory_space<hbm>> -> memref<40x128xf32, #tpu.memory_space<hbm>>
        %dma_wait3A_828 = arith.constant 0 : i32
        %dma_wait3A_829 = tpu.memref_slice %arg5[%dma_wait3A_828, %dma_wait3A_822, %dma_wait3A_823, %mul3A_2] : memref<200x8x8x4096xf32, #tpu.memory_space<hbm>> -> memref<40x1x1x128xf32, #tpu.memory_space<hbm>>
        %dma_wait3A_830 = tpu.memref_squeeze %dma_wait3A_829 : memref<40x1x1x128xf32, #tpu.memory_space<hbm>> -> memref<40x128xf32, #tpu.memory_space<hbm>>
        %dma_wait3A_831 = tpu.memref_reshape %arg9 : memref<1x5120xf32, #tpu.memory_space<vmem>> -> memref<40x128xf32, #tpu.memory_space<vmem>>
        tpu.wait_dma2 semaphore(%arg13 : memref<!tpu.dma_semaphore, #tpu.memory_space<semaphore_mem>>) src(%dma_wait3A_831 : memref<40x128xf32, #tpu.memory_space<vmem>>) dst(%dma_wait3A_830 : memref<40x128xf32, #tpu.memory_space<hbm>>)
        %dma_start3A_832 = arith.constant 0 : i32
        %dma_start3A_833 = arith.constant 0 : i32
        %dma_start3A_834 = tpu.memref_slice %arg9[%dma_start3A_832, %dma_start3A_833] : memref<1x5120xf32, #tpu.memory_space<vmem>> -> memref<1x5120xf32, #tpu.memory_space<vmem>>
        %dma_start3A_835 = tpu.memref_squeeze %dma_start3A_834 : memref<1x5120xf32, #tpu.memory_space<vmem>> -> memref<5120xf32, #tpu.memory_space<vmem>>
        %dma_start3A_836 = arith.constant 0 : i32
        %dma_start3A_837 = tpu.memref_slice %arg7[%dma_start3A_836] : memref<25600xi32, #tpu.memory_space<vmem>> -> memref<5120xi32, #tpu.memory_space<vmem>>
        %dma_start3A_838 = arith.constant 0 : i32
        %dma_start3A_839 = tpu.memref_slice %arg6[%dma_start3A_838] : memref<1000000xf32, #tpu.memory_space<vmem_shared>> -> memref<1000000xf32, #tpu.memory_space<vmem_shared>>
        tpu.enqueue_indirect_dma source(%dma_start3A_839 : memref<1000000xf32, #tpu.memory_space<vmem_shared>>) target(%dma_start3A_835 : memref<5120xf32, #tpu.memory_space<vmem>>) offsets(%dma_start3A_837 : memref<5120xi32, #tpu.memory_space<vmem>>) semaphore(%arg11 : memref<!tpu.dma_semaphore, #tpu.memory_space<semaphore_mem>>)
      } else {
      }
    }
    %scan3A_71 = arith.constant 32 : i32
    %dma_wait3A = arith.constant 0 : i32
    %dma_wait3A_72 = arith.constant 0 : i32
    %dma_wait3A_73 = tpu.memref_reshape %arg9 : memref<1x5120xf32, #tpu.memory_space<vmem>> -> memref<40x128xf32, #tpu.memory_space<vmem>>
    %dma_wait3A_74 = arith.constant 0 : i32
    %dma_wait3A_75 = tpu.memref_slice %arg5[%dma_wait3A_74, %dma_wait3A, %dma_wait3A_72, %mul3A_2] : memref<200x8x8x4096xf32, #tpu.memory_space<hbm>> -> memref<40x1x1x128xf32, #tpu.memory_space<hbm>>
    %dma_wait3A_76 = tpu.memref_squeeze %dma_wait3A_75 : memref<40x1x1x128xf32, #tpu.memory_space<hbm>> -> memref<40x128xf32, #tpu.memory_space<hbm>>
    %dma_wait3A_77 = arith.constant 0 : i32
    %dma_wait3A_78 = tpu.memref_slice %arg5[%dma_wait3A_77, %dma_wait3A, %dma_wait3A_72, %mul3A_2] : memref<200x8x8x4096xf32, #tpu.memory_space<hbm>> -> memref<40x1x1x128xf32, #tpu.memory_space<hbm>>
    %dma_wait3A_79 = tpu.memref_squeeze %dma_wait3A_78 : memref<40x1x1x128xf32, #tpu.memory_space<hbm>> -> memref<40x128xf32, #tpu.memory_space<hbm>>
    %dma_wait3A_80 = tpu.memref_reshape %arg9 : memref<1x5120xf32, #tpu.memory_space<vmem>> -> memref<40x128xf32, #tpu.memory_space<vmem>>
    tpu.wait_dma2 semaphore(%arg13 : memref<!tpu.dma_semaphore, #tpu.memory_space<semaphore_mem>>) src(%dma_wait3A_80 : memref<40x128xf32, #tpu.memory_space<vmem>>) dst(%dma_wait3A_79 : memref<40x128xf32, #tpu.memory_space<hbm>>)
    %dma_wait3A_81 = arith.constant 0 : i32
    %dma_wait3A_82 = arith.constant 0 : i32
    %dma_wait3A_83 = tpu.memref_reshape %arg10 : memref<1x5120xf32, #tpu.memory_space<vmem>> -> memref<40x128xf32, #tpu.memory_space<vmem>>
    %dma_wait3A_84 = arith.constant 0 : i32
    %dma_wait3A_85 = tpu.memref_slice %arg5[%dma_wait3A_84, %dma_wait3A_81, %dma_wait3A_82, %mul3A_2] : memref<200x8x8x4096xf32, #tpu.memory_space<hbm>> -> memref<40x1x1x128xf32, #tpu.memory_space<hbm>>
    %dma_wait3A_86 = tpu.memref_squeeze %dma_wait3A_85 : memref<40x1x1x128xf32, #tpu.memory_space<hbm>> -> memref<40x128xf32, #tpu.memory_space<hbm>>
    %dma_wait3A_87 = arith.constant 0 : i32
    %dma_wait3A_88 = tpu.memref_slice %arg5[%dma_wait3A_87, %dma_wait3A_81, %dma_wait3A_82, %mul3A_2] : memref<200x8x8x4096xf32, #tpu.memory_space<hbm>> -> memref<40x1x1x128xf32, #tpu.memory_space<hbm>>
    %dma_wait3A_89 = tpu.memref_squeeze %dma_wait3A_88 : memref<40x1x1x128xf32, #tpu.memory_space<hbm>> -> memref<40x128xf32, #tpu.memory_space<hbm>>
    %dma_wait3A_90 = tpu.memref_reshape %arg10 : memref<1x5120xf32, #tpu.memory_space<vmem>> -> memref<40x128xf32, #tpu.memory_space<vmem>>
    tpu.wait_dma2 semaphore(%arg14 : memref<!tpu.dma_semaphore, #tpu.memory_space<semaphore_mem>>) src(%dma_wait3A_90 : memref<40x128xf32, #tpu.memory_space<vmem>>) dst(%dma_wait3A_89 : memref<40x128xf32, #tpu.memory_space<hbm>>)
    return
  }
}

</mosaic_0001>

<sc_bundles>
// kernel: _sc_embedding_lookup.3.cloned.1.call-start
scs
__scs_entry_jumppad:
0x0: {  	(pc) =	sbr.rel $0x88, $3  }
0x1: {  	(tag) =	ssettag $0x0;
	lr =	simm.s32 $0x1  }
0x2: {  	[smem:$0x3F9E] =	sst lr;
	_ =	strace $0xD0000000  }
0x3: {  	_ = 	snop  }
0x4: {  	_ = 	snop  }
0x5: {  	_ = 	snop  }
0x6: {  	_ = 	snop  }
0x7: {  	_ = 	snop  }
__scs_overlays_trampoline_lowered:
0x8: {  	[smem:$0x3FAD] =	sst s0  }
0x9: {  	[smem:$0x3FAE] =	sst s1  }
0xa: {  	[smem:$0x3FAF] =	sst s2  }
0xb: {  	[smem:$0x3FB0] =	sst s3  }
0xc: {  	[smem:$0x3FB1] =	sst s4  }
0xd: {  	[smem:$0x3FB2] =	sst s5  }
0xe: {  	[smem:$0x3FB3] =	sst s6  }
0xf: {  	[smem:$0x3FB4] =	sst s7  }
0x10: {  	[smem:$0x3FB5] =	sst s8  }
0x11: {  	[smem:$0x3FB6] =	sst s9;
	s0 =	simm.s32 @!p0 $0x0  }
0x12: {  	s1 =	sld [smem:$0x3F9C];
	s0 =	simm.s32 @p0 $0x1  }
0x13: {  	[smem:$0x3FB7] =	sst s0;
	s0 =	simm.s32 @!p1 $0x0  }
0x14: {  	s2 =	sld [smem:$0x3F9B];
	s0 =	simm.s32 @p1 $0x1  }
0x15: {  	[smem:$0x3FB8] =	sst s0;
	s0 =	simm.s32 @!p2 $0x0  }
0x16: {  	s3 =	sld [smem:$0x3FDB];
	s0 =	simm.s32 @p2 $0x1  }
0x17: {  	s4 =	simm.s32 $0x1BF5;
	[smem:$0x3FBA] =	sst s0  }
0x18: {  	s0 =	sld [smem:$0x3F9D];
	_ =	swait.ge [sflag:s4], $0x0  }
0x19: {  	s7 =	sld [smem:$0x3F9E]  }
0x1a: {  	s8 =	sadd.s32 $0xFFFFE003, lr  }
0x1b: {  	s9 =	sadd.s32 $0xFFFFFEF7, lr;
	s5 =	simm.s32 $0xFFFFFFFF;
	p2 =	slt.u32 s8, $0xFFFFF086  }
0x1c: {  	p1 =	slt.u32 s9, $0xF7A;
	s5 =	simm.s32 @!p2 $0x0  }
0x1d: {  	s5 =	simm.s32 @p1 $0x1;
	p0 =	seq.s32 s7, s2  }
0x1e: {  	s7 =	smul.u32 @!p0 $0xF7A, s2;
	p2 =	seq.s32 @!p0 s5, $0x0  }
0x1f: {  	s9 =	smul.u32 $0xF7A, s1;
	s8 =	simm.s32 @!p0 $0x1BF5;
	p2 =	por !p2, p0  }
0x20: {  	[sflag:s8] =	ssyncset.s32 @!p0 $0xFFFFF086;
	s6 =	sadd.s32 @!p0 s3, s7;
	s7 =	simm.s32 @!p0 $0x108  }
0x21: {  	s3 =	sadd.s32 s3, s9;
	s6 =	sadd.s32 @!p0 $0x88, s6;
	s7 =	simm.s32 @p2 $0x1082  }
0x22: {  	[simem:s7], [sflag:s8] =	dma.local @!p0 [hbm:s6], $0xF7A  }
0x23: {  	s9 =	sor.u32 $0xD0000000, s2;
	s6 =	simm.s32 $0x108;
	_ =	swait.ge @!p0 [sflag:s8], $0x0  }
0x24: {  	s3 =	sadd.s32 $0x88, s3;
	s6 =	simm.s32 @!p1 $0x1082;
	[sflag:s4] =	ssyncset.s32 $0xFFFFF086  }
0x25: {  	[simem:s6], [sflag:s4] =	dma.local [hbm:s3], $0xF7A  }
0x26: {  	[smem:$0x3F9E] =	sst s1;
	(tag) =	ssettag s2;
	_ =	strace s9  }
0x27: {  	s1 =	sld [smem:$0x3FAE]  }
0x28: {  	s2 =	sld [smem:$0x3FAF]  }
0x29: {  	s4 =	sld [smem:$0x3FB1]  }
0x2a: {  	p0 =	seq.s32 s5, $0x0;
	s5 =	sld [smem:$0x3FB2]  }
0x2b: {  	s6 =	sld [smem:$0x3FB3]  }
0x2c: {  	s7 =	sld [smem:$0x3FB4]  }
0x2d: {  	s3 =	simm.s32 $0x108;
	s8 =	sld [smem:$0x3FB5]  }
0x2e: {  	s3 =	simm.s32 @!p0 $0x1082;
	s9 =	sld [smem:$0x3FB6]  }
0x2f: {  	lr =	sadd.s32 s0, s3;
	s0 =	sld [smem:$0x3FAD]  }
0x30: {  	s3 =	sld [smem:$0x3FB0]  }
0x31: {  	[smem:$0x3FB9] =	sst s10  }
0x32: {  	s10 =	sld [smem:$0x3FB7];
	_ =	sdelay $0x3  }
0x33: {  	p0 =	seq.s32 s10, $0x1;
	s10 =	sld [smem:$0x3FB9];
	_ =	sdelay $0x3  }
0x34: {  	[smem:$0x3FB9] =	sst s10  }
0x35: {  	s10 =	sld [smem:$0x3FB8];
	_ =	sdelay $0x3  }
0x36: {  	p1 =	seq.s32 s10, $0x1;
	s10 =	sld [smem:$0x3FB9];
	_ =	sdelay $0x3  }
0x37: {  	[smem:$0x3FB9] =	sst s10  }
0x38: {  	s10 =	sld [smem:$0x3FBA]  }
0x39: {  	_ = 	snop;
	(pc) =	sbr.ind lr, $3  }
0x3a: {  	_ = 	snop  }
0x3b: {  	_ = 	snop  }
0x3c: {  	p2 =	seq.s32 s10, $0x1;
	s10 =	sld [smem:$0x3FB9]  }
0x3d: {  	_ =	shalt  }
0x3e: {  	_ =	shalt  }
0x3f: {  	_ =	shalt  }
0x40: {  	_ =	shalt  }
0x41: {  	_ =	shalt  }
0x42: {  	_ =	shalt  }
0x43: {  	_ =	shalt  }
0x44: {  	_ =	shalt  }
0x45: {  	_ =	shalt  }
0x46: {  	_ =	shalt  }
0x47: {  	_ =	shalt  }
0x48: {  	_ =	shalt  }
0x49: {  	_ =	shalt  }
0x4a: {  	_ =	shalt  }
0x4b: {  	_ =	shalt  }
0x4c: {  	_ =	shalt  }
0x4d: {  	_ =	shalt  }
0x4e: {  	_ =	shalt  }
0x4f: {  	_ =	shalt  }
0x50: {  	_ =	shalt  }
0x51: {  	_ =	shalt  }
0x52: {  	_ =	shalt  }
0x53: {  	_ =	shalt  }
0x54: {  	_ =	shalt  }
0x55: {  	_ =	shalt  }
0x56: {  	_ =	shalt  }
0x57: {  	_ =	shalt  }
0x58: {  	_ =	shalt  }
0x59: {  	_ =	shalt  }
0x5a: {  	_ =	shalt  }
0x5b: {  	_ =	shalt  }
0x5c: {  	_ =	shalt  }
0x5d: {  	_ =	shalt  }
0x5e: {  	_ =	shalt  }
0x5f: {  	_ =	shalt  }
0x60: {  	_ =	shalt  }
0x61: {  	_ =	shalt  }
0x62: {  	_ =	shalt  }
0x63: {  	_ =	shalt  }
0x64: {  	_ =	shalt  }
0x65: {  	_ =	shalt  }
0x66: {  	_ =	shalt  }
0x67: {  	_ =	shalt  }
0x68: {  	_ =	shalt  }
0x69: {  	_ =	shalt  }
0x6a: {  	_ =	shalt  }
0x6b: {  	_ =	shalt  }
0x6c: {  	_ =	shalt  }
0x6d: {  	_ =	shalt  }
0x6e: {  	_ =	shalt  }
0x6f: {  	_ =	shalt  }
0x70: {  	_ =	shalt  }
0x71: {  	_ =	shalt  }
0x72: {  	_ =	shalt  }
0x73: {  	_ =	shalt  }
0x74: {  	_ =	shalt  }
0x75: {  	_ =	shalt  }
0x76: {  	_ =	shalt  }
0x77: {  	_ =	shalt  }
0x78: {  	_ =	shalt  }
0x79: {  	_ =	shalt  }
0x7a: {  	_ =	shalt  }
0x7b: {  	_ =	shalt  }
0x7c: {  	_ =	shalt  }
0x7d: {  	_ =	shalt  }
0x7e: {  	_ =	shalt  }
0x7f: {  	_ =	shalt  }
0x80: {  	_ =	shalt  }
0x81: {  	_ =	shalt  }
0x82: {  	_ =	shalt  }
0x83: {  	_ =	shalt  }
0x84: {  	_ =	shalt  }
0x85: {  	_ =	shalt  }
0x86: {  	_ =	shalt  }
0x87: {  	_ =	shalt  }
.Lfunc_end0:
.L_simem_size_0:
called_computation_lowered:
.L_overlay_start_0:
0x88: {  	s2 =	sld [smem:$0x3FD9]  }
0x89: {  	s3 =	sld [smem:$0x3FFE];
	_ =	sdelay $0x1  }
0x8a: {  	s1 =	srdreg.scid  }
0x8b: {  	s0 =	sand.u32 $0x1, s1  }
0x8c: {  	s18 =	sshll.u32 s0, $0xA;
	s2 =	sadd.s32 s3, s2  }
0x8d: {  	s2 =	sadd.s32 s2, s18  }
0x8e: {  	[smem:$0x3FC5] =	sst s2  }
0x8f: {  	_ = 	snop  }
0x90: {  	s2 =	sld [smem:$0x3FC9]  }
0x91: {  	s19 =	sld [smem:$0x3FC8]  }
0x92: {  	s4 =	sld [smem:$0x3FC7]  }
0x93: {  	s5 =	sld [smem:$0x3FD0];
	(tm) =	ssettm $0x1  }
0x94: {  	s6 =	sld [smem:$0x3FFB];
	_ =	sdelay $0x3  }
0x95: {  	_ =	strace s6  }
0x96: {  	s6 =	sld [smem:$0x3FFC];
	_ =	sdelay $0x3  }
0x97: {  	_ =	strace s6  }
0x98: {  	s6 =	sld [smem:$0x3FFD];
	_ =	sdelay $0x3  }
0x99: {  	_ =	strace s6  }
0x9a: {  	_ =	strace $0x8FFFFFFF  }
0x9b: {  	s20 =	sld [smem:$0x3FDB];
	_ =	sdelay $0x1  }
0x9c: {  	s7 =	simm.s32 $_scs_section_size  }
0x9d: {  	s8 =	simm.s32 $_size__tile_overlayer_lowered;
	s9 =	simm.s32 $_tile_overlayer_lowered  }
0x9e: {  	s23 =	simm.s32 $0x1BFF;
	s22 =	sshll.u32 s9, $0x1;
	s6 =	sadd.s32 s7, s20  }
0x9f: {  	s10 =	simm.s32 $0x0;
	s21 =	sshll.u32 s8, $0x1;
	s8 =	sadd.s32 s22, s6  }
0xa0: {  	[timem:s10], [sflag:s23] =	dma.local [hbm:s8], s21  }
0xa1: {  	_ =	swait.ge [sflag:s23], s21  }
0xa2: {  	s7 =	ssub.s32 $0x0, s21;
	[sflag:s23] =	ssyncset.done $0x0  }
0xa3: {  	[sflag:s23] =	ssyncadd.s32 s7;
	_ =	sdelay $0x1  }
0xa4: {  	s24 =	simm.s32 $0x1B8B  }
0xa5: {  	_ =	swait.ge [sflag:s24], $0x1  }
0xa6: {  	[sflag:s24] =	ssyncset.done $0x0  }
0xa7: {  	s25 =	simm.s32 $0x1B8E;
	[sflag:s24] =	ssyncadd.s32 $0xFFFFFFFF  }
0xa8: {  	s26 =	simm.s32 $execute0_lowered;
	[smem:$0x3FD2] =	sst s25  }
0xa9: {  	s7 =	sshll.u32 s26, $0x1;
	_ =	strace $0x80000046;
	[dreg:$0x1] =	wrdreg $0xFFFFFFFF  }
0xaa: {  	s28 =	simm.s32 $_size_execute0_lowered;
	s6 =	sadd.s32 s6, s7;
	[dreg:$0x0] =	wrdreg $0x0  }
0xab: {  	s7 =	sshll.u32 s28, $0x1;
	[dreg:$0x2] =	wrdreg s6  }
0xac: {  	[dreg:$0x3] =	wrdreg s7  }
0xad: {  	[dreg:$0x4] =	wrdreg $0xC0  }
0xae: {  	_ =	task [dreg:s10], $0x5FFFF  }
0xaf: {  	[dreg:$0x1] =	wrdreg $0xFFFFFFFF  }
0xb0: {  	[dreg:$0x0] =	wrdreg $0x60  }
0xb1: {  	[dreg:$0x2] =	wrdreg s2  }
0xb2: {  	[dreg:$0x3] =	wrdreg s19  }
0xb3: {  	[dreg:$0x4] =	wrdreg s4  }
0xb4: {  	[dreg:$0x5] =	wrdreg s5  }
0xb5: {  	[dreg:$0x6] =	wrdreg $0x0  }
0xb6: {  	[dreg:$0x7] =	wrdreg $0x9  }
0xb7: {  	_ =	task.clear_ibuf [dreg:s10], $0x8FFFF;
	_ =	strace $0x90000046  }
0xb8: {  	s29 =	simm.s32 $0x9;
	_ =	strace $0x80000048  }
0xb9: {  	_ =	swait.ge [sflag:s29], $0x1  }
0xba: {  	[sflag:s29] =	ssyncadd.s32 $0xFFFFFFFF  }
0xbb: {  	_ =	strace $0x90000048  }
0xbc: {  	_ =	sfence  }
0xbd: {  	s30 =	sld [smem:$0x0];
	_ =	sdelay $0x2  }
0xbe: {  	s31 =	sshll.u32 s1, $0xD;
	s1 =	sshrl.u32 s1, $0x2  }
0xbf: {  	s3 =	sand.u32 $0x4000, s31;
	s1 =	sadd.s32 s1, s30  }
0xc0: {  	s0 =	sor.u32 s3, s0;
	s1 =	sshll.u32 s1, $0x11  }
0xc1: {  	s0 =	sor.u32 s1, s0  }
0xc2: {  	s0 =	sadd.s32 $0x8F2B, s0  }
0xc3: {  	[sflag:s0] =	ssyncadd.remote.s32 $0x1  }
0xc4: {  	_ =	sfence.sel $0xFFFF  }
0xc5: {  	[dreg:$0x0] =	wrdreg $0xFFFFFFFF;
	(pc) =	sbr.abs _section_cstart, $3  }
0xc6: {  	[dreg:$0x1] =	wrdreg $0xFFFFFFFF  }
0xc7: {  	_ =	task.clear_ibuf [dreg:s10], $0x2FFFF;
	_ =	strace $0x9FFFFFFF  }
0xc8: {  	(tm) =	ssettm $0x7FFFFFFF  }
0xc9: {  	_ =	shalt  }
tec
execute0_lowered:
.L_overlay_start_1:
0x0: {  	(tag) =	ssettag $0x1  }
0x1: {  	s2 =	rddreg [dreg:$0x0]  }
0x2: {  	s0 =	rddreg [dreg:$0x1]  }
0x3: {  	s1 =	srdreg.scid;
	s17 =	rddreg [dreg:$0x2]  }
0x4: {  	s16 =	stileid.u32;
	s5 =	rddreg [dreg:$0x4];
	s19 =	simm.s32 $0x0  }
0x5: {  	s30 =	simm.s32 $0x18B28;
	s28 =	simm.s32 $0x11C28;
	s6 =	smul.u32 $0x1F00, s16  }
0x6: {  	s3 =	sand.u32 $0x1, s1;
	[smem:$0x7FF] =	sst s19;
	s7 =	smul.u32 $0x7C00, s16  }
0x7: {  	s8 =	sor.u32 $0x10, s16;
	s10 =	sshll.u32 s16, $0x7;
	s29 =	smul.u32 $0xF800, s16  }
0x8: {  	s13 =	sor.u32 $0x20, s16;
	s14 =	sor.u32 $0x30, s16;
	s11 =	smul.u32 $0x1F00, s8  }
0x9: {  	s15 =	sor.u32 $0x50, s16;
	p0 =	sgt.u32 s16, $0xD;
	s12 =	smul.u32 $0x7C00, s8  }
0xa: {  	s1 =	sshll.u32 s3, $0x4;
	_ =	strace $0x80000047;
	s25 =	smul.u32 $0x7C00, s13  }
0xb: {  	s3 =	ssub.s32 $0x2, s3;
	s10 =	sand.u32 $0x380, s10;
	s31 =	smul.u32 $0x7C00, s14  }
0xc: {  	p2 =	sne.s32 @!p0 s16, $0x0;
	s1 =	sor.u32 s16, s1;
	s9 =	sshrl.u32 s3, $0x1  }
0xd: {  	s23 =	sadd.s32 s0, s6;
	s26 =	sshrl.u32 s7, $0x2;
	s7 =	sor.u32 $0x40, s16  }
0xe: {  	s6 =	smul.u32 $0x7C00, s15;
	p1 =	por p2, p0;
	p2 =	por !p2, p0  }
0xf: {  	s4 =	sshrl.u32 s1, $0x3;
	s9 =	ssub.s32 s3, s9;
	[dreg:$0x8] =	wrdreg s23  }
0x10: {  	s18 =	sadd.s32 s0, s11;
	s20 =	smul.u32 $0x1F00, s7;
	s21 =	sshrl.u32 s12, $0x2  }
0x11: {  	s22 =	smul.u32 $0x7C00, s7;
	s1 =	sshll.u32 s1, $0xA;
	[dreg:$0x9] =	wrdreg s18  }
0x12: {  	s4 =	smul.u32 $0x32000, s4;
	s11 =	sadd.s32 s21, s5;
	[dreg:$0x16] =	wrdreg s1  }
0x13: {  	s23 =	smul.u32 $0x1F00, s15;
	s1 =	simm.s32 $0x1;
	[dreg:$0xa] =	wrdreg s11  }
0x14: {  	s18 =	sshrl.u32 s22, $0x2;
	s24 =	sor.u32 s10, s4;
	s4 =	smul.u32 $0x1F00, s13  }
0x15: {  	s23 =	sadd.s32 s0, s23;
	s10 =	sshrl.u32 s25, $0x2;
	s25 =	smul.u32 $0xF800, s8  }
0x16: {  	s8 =	sor.u32 $0x70, s16;
	[dreg:$0x10] =	wrdreg s23;
	s3 =	sshrl.u32 s24, $0x3  }
0x17: {  	s24 =	smul.u32 $0x1F00, s14;
	s2 =	sadd.s32 s2, s3;
	[dreg:$0xc] =	wrdreg s25  }
0x18: {  	s21 =	sadd.s32 s10, s5;
	s3 =	sadd.s32 s26, s5;
	[dreg:$0x7] =	wrdreg s2  }
0x19: {  	s4 =	sadd.s32 s0, s4;
	s26 =	sshrl.u32 s31, $0x2;
	[dreg:$0x1e] =	wrdreg s3  }
0x1a: {  	s31 =	smul.u32 $0xF800, s13;
	[dreg:$0xb] =	wrdreg s4;
	s2 =	sadd.s32 s0, s24  }
0x1b: {  	s25 =	smul.u32 $0x1F00, s8;
	s13 =	sadd.s32 s26, s5;
	[dreg:$0xd] =	wrdreg s2  }
0x1c: {  	s4 =	sor.u32 $0x60, s16;
	s3 =	sadd.s32 s0, s20;
	[dreg:$0xe] =	wrdreg s31  }
0x1d: {  	s24 =	sadd.s32 s18, s5;
	s18 =	smul.u32 $0xF800, s7;
	[dreg:$0xf] =	wrdreg s3  }
0x1e: {  	s10 =	simm.s32 $0x80;
	s20 =	smul.u32 $0x1F00, s4;
	[dreg:$0x1d] =	wrdreg s13  }
0x1f: {  	s22 =	smul.u32 $0x7C00, s4;
	s12 =	sadd.s32 s0, s25;
	[smem:$0x7FC] =	sst s24  }
0x20: {  	s16 =	simm.s32 $0xF428;
	s25 =	smul.u32 $0xF800, s8;
	[dreg:$0x13] =	wrdreg s12  }
0x21: {  	s2 =	sshrl.u32 s6, $0x2;
	s31 =	smul.u32 $0x7C00, s8;
	[dreg:$0x14] =	wrdreg s18  }
0x22: {  	s8 =	simm.s32 $0x40000;
	s11 =	sadd.s32 s2, s5;
	[dreg:$0x18] =	wrdreg s25  }
0x23: {  	s6 =	sadd.s32 s0, s20;
	s20 =	smul.u32 $0xF800, s15;
	[dreg:$0x1b] =	wrdreg s11  }
0x24: {  	s26 =	sshrl.u32 s22, $0x2;
	s22 =	smul.u32 $0xF800, s4;
	[dreg:$0x11] =	wrdreg s6  }
0x25: {  	s12 =	simm.s32 $0x400;
	s23 =	sadd.s32 s26, s5;
	[dreg:$0x15] =	wrdreg s20  }
0x26: {  	s6 =	smul.u32 $0xF800, s14;
	s26 =	smax.u32 s9, $0x1;
	[dreg:$0x17] =	wrdreg s22  }
0x27: {  	s14 =	sshrl.u32 s31, $0x2;
	s31 =	sadd.s32 $0x8, s17;
	[dreg:$0x19] =	wrdreg s26  }
.Ltmp0:
0x28: {  	s18 =	simm.s32 $0x5;
	[dreg:$0x1a] =	wrdreg s31;
	(pc) =	sbr.rel .LBB2_1-.Ltmp0, $4  }
0x29: {  	s25 =	simm.s32 $0x17728;
	s15 =	simm.s32 $0x3;
	[dreg:$0x1f] =	wrdreg s23  }
0x2a: {  	s4 =	simm.s32 $0x4;
	s14 =	sadd.s32 s14, s5;
	[dreg:$0x12] =	wrdreg s6  }
0x2b: {  	s26 =	sadd.s32 $0xF4200, s5;
	s20 =	simm.s32 $0x15828;
	[dreg:$0x1c] =	wrdreg s14  }
0x2c: {  	s22 =	simm.s32 $0x1400;
	s6 =	simm.s32 $0x2;
	[smem:$0x7FD] =	sst s26  }
.LBB2_4:
0x2d: {  	[bflag:$0x0] =	sbarrier.arrive $0xFFFF  }
0x2e: {  	_ =	swait.ge [sflag:s15], $0x1400  }
0x2f: {  	[sflag:s15] =	ssyncset.done $0x0  }
0x30: {  	[sflag:s15] =	ssyncadd.s32 $0xFFFFEC00  }
0x31: {  	_ =	swait.ge [sflag:s4], $0x1400  }
0x32: {  	s19 =	rddreg [dreg:$0x6]  }
0x33: {  	s2 =	rddreg [dreg:$0x19];
	s19 =	sadd.s32 $0x1, s19  }
0x34: {  	s13 =	rddreg [dreg:$0x1d];
	p3 =	sne.s32 s19, s2  }
.Ltmp1:
0x35: {  	s24 =	sld [smem:$0x7FC];
	(pc) =	sbr.rel @!p3 .LBB2_5-.Ltmp1, $4  }
0x36: {  	s11 =	rddreg [dreg:$0x1b]  }
0x37: {  	s21 =	smov.u32 s9;
	s23 =	rddreg [dreg:$0x1f]  }
0x38: {  	s29 =	smov.u32 s7;
	[sflag:s4] =	ssyncset.done $0x0;
	s14 =	rddreg [dreg:$0x1c]  }
0x39: {  	s16 =	simm.s32 $0xF428;
	s26 =	sld [smem:$0x7FD];
	[sflag:s4] =	ssyncadd.s32 $0xFFFFEC00  }
.LBB2_1:
0x3a: {  	[dreg:$0x6] =	wrdreg s19  }
0x3b: {  	s9 =	rddreg [dreg:$0x7]  }
0x3c: {  	[tilespmem:s16], [sflag:$0x5] =	stream.strided.gather [hbm4b:s9+s10], $0x6400, s12, s10, $0x38;
	[tilespmem:$0x19F28] =	vst v63  }
0x3d: {  	_ =	swait.ge [sflag:s18], $0x6400  }
0x3e: {  	[sflag:s18] =	ssyncset.done $0x0  }
0x3f: {  	s3 =	rddreg [dreg:$0x8];
	[sflag:s18] =	ssyncadd.s32 $0xFFFF9C00  }
0x40: {  	[tilespmem:s20], [sflag:$0x5] =	stream.strided.gather [hbm4b:s3+s10], $0x1F00, s12, s10, $0x38;
	[tilespmem:$0x19F28] =	vst v63  }
0x41: {  	_ =	swait.ge [sflag:s18], $0x1F00  }
0x42: {  	[sflag:s18] =	ssyncset.done $0x0  }
0x43: {  	s2 =	rddreg [dreg:$0x1e];
	[sflag:s18] =	ssyncadd.s32 $0xFFFFE100  }
0x44: {  	[spmem:s2] =	stream.linear.scatter [tilespmem:s20], [sflag:$0x5], $0x1F00, $0x38;
	[tilespmem:$0x19F28] =	vst v63  }
0x45: {  	_ =	swait.ge [sflag:s18], $0x1F00  }
0x46: {  	[sflag:s18] =	ssyncset.done $0x0  }
0x47: {  	s3 =	rddreg [dreg:$0x9];
	[sflag:s18] =	ssyncadd.s32 $0xFFFFE100  }
0x48: {  	[tilespmem:s20], [sflag:$0x5] =	stream.strided.gather [hbm4b:s3+s10], $0x1F00, s12, s10, $0x38;
	[tilespmem:$0x19F28] =	vst v63  }
0x49: {  	_ =	swait.ge [sflag:s18], $0x1F00  }
0x4a: {  	[sflag:s18] =	ssyncset.done $0x0  }
0x4b: {  	s3 =	rddreg [dreg:$0xa];
	[sflag:s18] =	ssyncadd.s32 $0xFFFFE100  }
0x4c: {  	[spmem:s3] =	stream.linear.scatter [tilespmem:s20], [sflag:$0x5], $0x1F00, $0x38;
	[tilespmem:$0x19F28] =	vst v63  }
0x4d: {  	_ =	swait.ge [sflag:s18], $0x1F00  }
0x4e: {  	[sflag:s18] =	ssyncset.done $0x0  }
0x4f: {  	s7 =	rddreg [dreg:$0xb];
	[sflag:s18] =	ssyncadd.s32 $0xFFFFE100  }
0x50: {  	[tilespmem:s20], [sflag:$0x5] =	stream.strided.gather [hbm4b:s7+s10], $0x1F00, s12, s10, $0x38;
	[tilespmem:$0x19F28] =	vst v63  }
0x51: {  	_ =	swait.ge [sflag:s18], $0x1F00  }
0x52: {  	[sflag:s18] =	ssyncset.done $0x0  }
0x53: {  	[sflag:s18] =	ssyncadd.s32 $0xFFFFE100  }
0x54: {  	[spmem:s21] =	stream.linear.scatter [tilespmem:s20], [sflag:$0x5], $0x1F00, $0x38;
	[tilespmem:$0x19F28] =	vst v63  }
0x55: {  	_ =	swait.ge [sflag:s18], $0x1F00  }
0x56: {  	[sflag:s18] =	ssyncset.done $0x0  }
0x57: {  	s7 =	rddreg [dreg:$0xd];
	[sflag:s18] =	ssyncadd.s32 $0xFFFFE100  }
0x58: {  	[tilespmem:s20], [sflag:$0x5] =	stream.strided.gather [hbm4b:s7+s10], $0x1F00, s12, s10, $0x38;
	[tilespmem:$0x19F28] =	vst v63  }
0x59: {  	_ =	swait.ge [sflag:s18], $0x1F00  }
0x5a: {  	[sflag:s18] =	ssyncset.done $0x0  }
0x5b: {  	[sflag:s18] =	ssyncadd.s32 $0xFFFFE100  }
0x5c: {  	[spmem:s13] =	stream.linear.scatter [tilespmem:s20], [sflag:$0x5], $0x1F00, $0x38;
	[tilespmem:$0x19F28] =	vst v63  }
0x5d: {  	_ =	swait.ge [sflag:s18], $0x1F00  }
0x5e: {  	[sflag:s18] =	ssyncset.done $0x0  }
0x5f: {  	s17 =	rddreg [dreg:$0xf];
	[sflag:s18] =	ssyncadd.s32 $0xFFFFE100  }
0x60: {  	[tilespmem:s20], [sflag:$0x5] =	stream.strided.gather [hbm4b:s17+s10], $0x1F00, s12, s10, $0x38;
	[tilespmem:$0x19F28] =	vst v63  }
0x61: {  	_ =	swait.ge [sflag:s18], $0x1F00  }
0x62: {  	[sflag:s18] =	ssyncset.done $0x0  }
0x63: {  	[sflag:s18] =	ssyncadd.s32 $0xFFFFE100  }
0x64: {  	[spmem:s24] =	stream.linear.scatter [tilespmem:s20], [sflag:$0x5], $0x1F00, $0x38;
	[tilespmem:$0x19F28] =	vst v63  }
0x65: {  	_ =	swait.ge [sflag:s18], $0x1F00  }
0x66: {  	[sflag:s18] =	ssyncset.done $0x0  }
0x67: {  	s19 =	rddreg [dreg:$0x10];
	[sflag:s18] =	ssyncadd.s32 $0xFFFFE100  }
0x68: {  	[tilespmem:s20], [sflag:$0x5] =	stream.strided.gather [hbm4b:s19+s10], $0x1F00, s12, s10, $0x38;
	[tilespmem:$0x19F28] =	vst v63  }
0x69: {  	_ =	swait.ge [sflag:s18], $0x1F00  }
0x6a: {  	[sflag:s18] =	ssyncset.done $0x0  }
0x6b: {  	[sflag:s18] =	ssyncadd.s32 $0xFFFFE100  }
0x6c: {  	[spmem:s11] =	stream.linear.scatter [tilespmem:s20], [sflag:$0x5], $0x1F00, $0x38;
	[tilespmem:$0x19F28] =	vst v63  }
0x6d: {  	_ =	swait.ge [sflag:s18], $0x1F00  }
0x6e: {  	[sflag:s18] =	ssyncset.done $0x0  }
0x6f: {  	s24 =	rddreg [dreg:$0x11];
	[sflag:s18] =	ssyncadd.s32 $0xFFFFE100  }
0x70: {  	[tilespmem:s20], [sflag:$0x5] =	stream.strided.gather [hbm4b:s24+s10], $0x1F00, s12, s10, $0x38;
	[tilespmem:$0x19F28] =	vst v63  }
0x71: {  	_ =	swait.ge [sflag:s18], $0x1F00  }
0x72: {  	[sflag:s18] =	ssyncset.done $0x0  }
0x73: {  	[sflag:s18] =	ssyncadd.s32 $0xFFFFE100  }
0x74: {  	[spmem:s23] =	stream.linear.scatter [tilespmem:s20], [sflag:$0x5], $0x1F00, $0x38;
	[tilespmem:$0x19F28] =	vst v63  }
0x75: {  	_ =	swait.ge [sflag:s18], $0x1F00  }
0x76: {  	s9 =	simm.s32 @!p0 $0x400;
	s7 =	simm.s32 @!p0 $0x80;
	[sflag:s18] =	ssyncset.done $0x0  }
0x77: {  	s11 =	simm.s32 @!p0 $0x15828;
	s2 =	rddreg [dreg:$0x13];
	[sflag:s18] =	ssyncadd.s32 $0xFFFFE100  }
0x78: {  	[tilespmem:s11], [sflag:$0x5] =	stream.strided.gather @!p0 [hbm4b:s2+s7], $0x1F00, s9, s7, $0x38;
	[tilespmem:$0x19F28] =	vst v63  }
0x79: {  	s2 =	simm.s32 @!p0 $0x5  }
0x7a: {  	_ =	swait.ge @!p0 [sflag:s2], $0x1F00  }
0x7b: {  	[sflag:s2] =	ssyncset.done @!p0 $0x0  }
0x7c: {  	[sflag:s2] =	ssyncadd.s32 @!p0 $0xFFFFE100  }
0x7d: {  	[spmem:s14] =	stream.linear.scatter @!p0 [tilespmem:s11], [sflag:$0x5], $0x1F00, $0x38;
	[tilespmem:$0x19F28] =	vst v63  }
0x7e: {  	_ =	swait.ge @!p0 [sflag:s2], $0x1F00  }
0x7f: {  	[sflag:s2] =	ssyncset.done @!p0 $0x0  }
0x80: {  	[sflag:s2] =	ssyncadd.s32 @!p0 $0xFFFFE100  }
0x81: {  	s13 =	simm.s32 @!p1 $0x15828;
	s11 =	simm.s32 @!p1 $0x0;
	s14 =	rddreg [dreg:$0x2]  }
0x82: {  	[tilespmem:s13], [sflag:$0x5] =	stream.linear.gather @!p1 [hbm4b:s14+s11], $0x40, $0x38;
	[tilespmem:$0x19F28] =	vst v63  }
0x83: {  	s11 =	simm.s32 @!p1 $0x5  }
0x84: {  	_ =	swait.ge @!p1 [sflag:s11], $0x40  }
0x85: {  	[sflag:s11] =	ssyncset.done @!p1 $0x0  }
0x86: {  	[sflag:s11] =	ssyncadd.s32 @!p1 $0xFFFFFFC0  }
0x87: {  	[spmem:s26] =	stream.linear.scatter @!p1 [tilespmem:s13], [sflag:$0x5], $0x40, $0x38;
	[tilespmem:$0x19F28] =	vst v63  }
0x88: {  	_ =	swait.ge @!p1 [sflag:s11], $0x40  }
0x89: {  	p3 =	por @!p0 $0x0, $0x0;
	p4 =	por @!p1 $0x1, $0x1;
	[sflag:s11] =	ssyncset.done @!p1 $0x0  }
0x8a: {  	p4 =	por @!p2 p3, p3;
	p3 =	por $0x0, $0x0;
	[sflag:s11] =	ssyncadd.s32 @!p1 $0xFFFFFFC0  }
0x8b: {  	s31 =	simm.s32 $0x2;
	p3 =	por @!p0 p4, p4;
	[bflag:$0x0] =	sbarrier.arrive $0xFFFF  }
0x8c: {  	[tilespmem:s25], [sflag:$0x1] =	stream.indirect.gather [spmem:s5], $0x1, s16, s22, $0xb8;
	[tilespmem:$0x19F28] =	vst v63  }
0x8d: {  	s17 =	simm.s32 $0x0;
	s2 =	simm.s32 $0x0;
	[smem:$0x7FB] =	sst s31  }
0x8e: {  	s14 =	simm.s32 $0x100;
	s13 =	rddreg [dreg:$0x1a];
	s16 =	smov.u32 s21  }
.LBB2_2:
0x8f: {  	s19 =	sand.u32 $0x38000, s2  }
0x90: {  	s21 =	sadd.s32 $0xFFFFFF00, s14;
	s23 =	rddreg [dreg:$0x16];
	_ =	swait.ge [sflag:s1], $0x1400  }
0x91: {  	s21 =	sand.u32 $0x300, s21;
	s26 =	sor.u32 s23, s19;
	[sflag:s1] =	ssyncset.done $0x0  }
0x92: {  	s19 =	sor.u32 s21, s26;
	[sflag:s1] =	ssyncadd.s32 $0xFFFFEC00  }
0x93: {  	p4 =	seq.s32 s14, $0x100;
	s19 =	sshrl.u32 s19, $0x3;
	s23 =	rddreg [dreg:$0x3]  }
0x94: {  	s31 =	smov.u32 s2;
	s21 =	simm.s32 @!p4 $0x4;
	s2 =	sadd.s32 s23, s19  }
0x95: {  	[hbm4b:s2+s10] =	stream.strided.scatter [tilespmem:s25], [sflag:$0x3], $0x1400, s8, s10, $0x38;
	[tilespmem:$0x19F28] =	vst v63  }
0x96: {  	_ =	swait.ge @!p4 [sflag:s21], $0x1400  }
0x97: {  	[sflag:s21] =	ssyncset.done @!p4 $0x0  }
0x98: {  	s7 =	simm.s32 $0x10828;
	[sflag:s21] =	ssyncadd.s32 @!p4 $0xFFFFEC00  }
0x99: {  	[tilespmem:s30], [sflag:$0x2] =	stream.indirect.gather [spmem:s5], $0x1, s7, s22, $0xb8;
	[tilespmem:$0x19F28] =	vst v63  }
0x9a: {  	_ =	swait.ge [sflag:s6], $0x1400  }
0x9b: {  	s19 =	sadd.s32 s19, s23;
	[sflag:s6] =	ssyncset.done $0x0  }
0x9c: {  	s9 =	sadd.s32 $0x140000, s19;
	[sflag:s6] =	ssyncadd.s32 $0xFFFFEC00  }
0x9d: {  	[hbm4b:s9+s10] =	stream.strided.scatter [tilespmem:s30], [sflag:$0x4], $0x1400, s8, s10, $0x38;
	[tilespmem:$0x19F28] =	vst v63  }
0x9e: {  	_ =	swait.ge [sflag:s15], $0x1400  }
0x9f: {  	[sflag:s15] =	ssyncset.done $0x0  }
0xa0: {  	[sflag:s15] =	ssyncadd.s32 $0xFFFFEC00  }
0xa1: {  	[tilespmem:s25], [sflag:$0x1] =	stream.indirect.gather [spmem:s5], $0x1, s28, s22, $0xb8;
	[tilespmem:$0x19F28] =	vst v63  }
0xa2: {  	_ =	swait.ge [sflag:s1], $0x1400  }
0xa3: {  	[sflag:s1] =	ssyncset.done $0x0  }
0xa4: {  	s11 =	sadd.s32 $0x280000, s19;
	[sflag:s1] =	ssyncadd.s32 $0xFFFFEC00  }
0xa5: {  	[hbm4b:s11+s10] =	stream.strided.scatter [tilespmem:s25], [sflag:$0x3], $0x1400, s8, s10, $0x38;
	[tilespmem:$0x19F28] =	vst v63  }
0xa6: {  	_ =	swait.ge [sflag:s4], $0x1400  }
0xa7: {  	[sflag:s4] =	ssyncset.done $0x0  }
0xa8: {  	s2 =	simm.s32 $0x13028;
	[sflag:s4] =	ssyncadd.s32 $0xFFFFEC00  }
0xa9: {  	[tilespmem:s30], [sflag:$0x2] =	stream.indirect.gather [spmem:s5], $0x1, s2, s22, $0xb8;
	[tilespmem:$0x19F28] =	vst v63  }
0xaa: {  	_ =	swait.ge [sflag:s6], $0x1400  }
0xab: {  	[sflag:s6] =	ssyncset.done $0x0  }
0xac: {  	s24 =	sadd.s32 $0x3C0000, s19;
	[sflag:s6] =	ssyncadd.s32 $0xFFFFEC00  }
0xad: {  	[hbm4b:s24+s10] =	stream.strided.scatter [tilespmem:s30], [sflag:$0x4], $0x1400, s8, s10, $0x38;
	[tilespmem:$0x19F28] =	vst v63  }
0xae: {  	_ =	swait.ge [sflag:s15], $0x1400  }
0xaf: {  	[sflag:s15] =	ssyncset.done $0x0  }
0xb0: {  	s11 =	simm.s32 $0x14428;
	[sflag:s15] =	ssyncadd.s32 $0xFFFFEC00  }
0xb1: {  	[tilespmem:s25], [sflag:$0x1] =	stream.indirect.gather [spmem:s5], $0x1, s11, s22, $0xb8;
	[tilespmem:$0x19F28] =	vst v63  }
0xb2: {  	_ =	swait.ge [sflag:s1], $0x1400  }
0xb3: {  	[sflag:s1] =	ssyncset.done $0x0  }
0xb4: {  	s19 =	sadd.s32 $0x500000, s19;
	s7 =	sshrl.u32 s17, $0x2;
	[sflag:s1] =	ssyncadd.s32 $0xFFFFEC00  }
0xb5: {  	[hbm4b:s19+s10] =	stream.strided.scatter [tilespmem:s25], [sflag:$0x3], $0x1400, s8, s10, $0x38;
	[tilespmem:$0x19F28] =	vst v63  }
0xb6: {  	s19 =	smul.u32 $0x7A1400, s7  }
0xb7: {  	s9 =	sadd.s32 $0xFFFFFF80, s14  }
0xb8: {  	s7 =	smov.u32 s29;
	s24 =	sadd.s32 s29, s19;
	s29 =	sand.u32 $0x380, s9  }
0xb9: {  	s21 =	sor.u32 s24, s29  }
0xba: {  	s21 =	sshrl.u32 s21, $0x3  }
0xbb: {  	[bflag:$0x0] =	sbarrier.arrive $0xFFFF;
	s21 =	sadd.s32 s0, s21  }
0xbc: {  	[tilespmem:s20], [sflag:$0x5] =	stream.strided.gather [hbm4b:s21+s10], $0x1F00, s12, s10, $0x38;
	[tilespmem:$0x19F28] =	vst v63  }
0xbd: {  	_ =	swait.ge [sflag:s18], $0x1F00  }
0xbe: {  	[sflag:s18] =	ssyncset.done $0x0;
	s9 =	rddreg [dreg:$0x1e]  }
0xbf: {  	s24 =	rddreg [dreg:$0xc];
	[sflag:s18] =	ssyncadd.s32 $0xFFFFE100  }
0xc0: {  	[spmem:s9] =	stream.linear.scatter [tilespmem:s20], [sflag:$0x5], $0x1F00, $0x38;
	[tilespmem:$0x19F28] =	vst v63  }
0xc1: {  	s9 =	sadd.s32 s24, s19  }
0xc2: {  	_ =	swait.ge [sflag:s18], $0x1F00;
	s21 =	sor.u32 s9, s29  }
0xc3: {  	[sflag:s18] =	ssyncset.done $0x0;
	s21 =	sshrl.u32 s21, $0x3  }
0xc4: {  	[sflag:s18] =	ssyncadd.s32 $0xFFFFE100;
	s21 =	sadd.s32 s0, s21  }
0xc5: {  	[tilespmem:s20], [sflag:$0x5] =	stream.strided.gather [hbm4b:s21+s10], $0x1F00, s12, s10, $0x38;
	[tilespmem:$0x19F28] =	vst v63  }
0xc6: {  	_ =	swait.ge [sflag:s18], $0x1F00  }
0xc7: {  	[sflag:s18] =	ssyncset.done $0x0;
	s24 =	rddreg [dreg:$0xe]  }
0xc8: {  	[sflag:s18] =	ssyncadd.s32 $0xFFFFE100;
	s9 =	sadd.s32 s24, s19  }
0xc9: {  	[spmem:s3] =	stream.linear.scatter [tilespmem:s20], [sflag:$0x5], $0x1F00, $0x38;
	[tilespmem:$0x19F28] =	vst v63  }
0xca: {  	s21 =	sor.u32 s9, s29;
	_ =	swait.ge [sflag:s18], $0x1F00  }
0xcb: {  	s21 =	sshrl.u32 s21, $0x3;
	[sflag:s18] =	ssyncset.done $0x0  }
0xcc: {  	s21 =	sadd.s32 s0, s21;
	[sflag:s18] =	ssyncadd.s32 $0xFFFFE100  }
0xcd: {  	[tilespmem:s20], [sflag:$0x5] =	stream.strided.gather [hbm4b:s21+s10], $0x1F00, s12, s10, $0x38;
	[tilespmem:$0x19F28] =	vst v63  }
0xce: {  	_ =	swait.ge [sflag:s18], $0x1F00  }
0xcf: {  	[sflag:s18] =	ssyncset.done $0x0  }
0xd0: {  	s24 =	rddreg [dreg:$0x12];
	[sflag:s18] =	ssyncadd.s32 $0xFFFFE100  }
0xd1: {  	[spmem:s16] =	stream.linear.scatter [tilespmem:s20], [sflag:$0x5], $0x1F00, $0x38;
	[tilespmem:$0x19F28] =	vst v63  }
0xd2: {  	s9 =	smov.u32 s16;
	s16 =	sadd.s32 s24, s19  }
0xd3: {  	_ =	swait.ge [sflag:s18], $0x1F00;
	s21 =	sor.u32 s16, s29  }
0xd4: {  	[sflag:s18] =	ssyncset.done $0x0;
	s21 =	sshrl.u32 s21, $0x3  }
0xd5: {  	[sflag:s18] =	ssyncadd.s32 $0xFFFFE100;
	s21 =	sadd.s32 s0, s21  }
0xd6: {  	[tilespmem:s20], [sflag:$0x5] =	stream.strided.gather [hbm4b:s21+s10], $0x1F00, s12, s10, $0x38;
	[tilespmem:$0x19F28] =	vst v63  }
0xd7: {  	_ =	swait.ge [sflag:s18], $0x1F00  }
0xd8: {  	[sflag:s18] =	ssyncset.done $0x0;
	s24 =	rddreg [dreg:$0x14]  }
0xd9: {  	s21 =	rddreg [dreg:$0x1d];
	[sflag:s18] =	ssyncadd.s32 $0xFFFFE100;
	s16 =	sadd.s32 s24, s19  }
0xda: {  	[spmem:s21] =	stream.linear.scatter [tilespmem:s20], [sflag:$0x5], $0x1F00, $0x38;
	[tilespmem:$0x19F28] =	vst v63  }
0xdb: {  	s21 =	sor.u32 s16, s29;
	_ =	swait.ge [sflag:s18], $0x1F00  }
0xdc: {  	s21 =	sshrl.u32 s21, $0x3;
	[sflag:s18] =	ssyncset.done $0x0  }
0xdd: {  	s21 =	sadd.s32 s0, s21;
	[sflag:s18] =	ssyncadd.s32 $0xFFFFE100  }
0xde: {  	[tilespmem:s20], [sflag:$0x5] =	stream.strided.gather [hbm4b:s21+s10], $0x1F00, s12, s10, $0x38;
	[tilespmem:$0x19F28] =	vst v63  }
0xdf: {  	_ =	swait.ge [sflag:s18], $0x1F00  }
0xe0: {  	s24 =	sld [smem:$0x7FC]  }
0xe1: {  	[sflag:s18] =	ssyncset.done $0x0  }
0xe2: {  	s21 =	rddreg [dreg:$0x15];
	[sflag:s18] =	ssyncadd.s32 $0xFFFFE100  }
0xe3: {  	[spmem:s24] =	stream.linear.scatter [tilespmem:s20], [sflag:$0x5], $0x1F00, $0x38;
	[tilespmem:$0x19F28] =	vst v63  }
0xe4: {  	s24 =	sadd.s32 s21, s19  }
0xe5: {  	_ =	swait.ge [sflag:s18], $0x1F00;
	s21 =	sor.u32 s24, s29  }
0xe6: {  	[sflag:s18] =	ssyncset.done $0x0;
	s21 =	sshrl.u32 s21, $0x3  }
0xe7: {  	[sflag:s18] =	ssyncadd.s32 $0xFFFFE100;
	s21 =	sadd.s32 s0, s21  }
0xe8: {  	[tilespmem:s20], [sflag:$0x5] =	stream.strided.gather [hbm4b:s21+s10], $0x1F00, s12, s10, $0x38;
	[tilespmem:$0x19F28] =	vst v63  }
0xe9: {  	_ =	swait.ge [sflag:s18], $0x1F00  }
0xea: {  	[sflag:s18] =	ssyncset.done $0x0;
	s16 =	rddreg [dreg:$0x1b]  }
0xeb: {  	s24 =	rddreg [dreg:$0x17];
	[sflag:s18] =	ssyncadd.s32 $0xFFFFE100  }
0xec: {  	[spmem:s16] =	stream.linear.scatter [tilespmem:s20], [sflag:$0x5], $0x1F00, $0x38;
	[tilespmem:$0x19F28] =	vst v63  }
0xed: {  	s16 =	sadd.s32 s24, s19  }
0xee: {  	_ =	swait.ge [sflag:s18], $0x1F00;
	s21 =	sor.u32 s16, s29  }
0xef: {  	[sflag:s18] =	ssyncset.done $0x0;
	s21 =	sshrl.u32 s21, $0x3  }
0xf0: {  	[sflag:s18] =	ssyncadd.s32 $0xFFFFE100;
	s21 =	sadd.s32 s0, s21  }
0xf1: {  	[tilespmem:s20], [sflag:$0x5] =	stream.strided.gather [hbm4b:s21+s10], $0x1F00, s12, s10, $0x38;
	[tilespmem:$0x19F28] =	vst v63  }
0xf2: {  	_ =	swait.ge [sflag:s18], $0x1F00  }
0xf3: {  	[sflag:s18] =	ssyncset.done $0x0;
	s16 =	rddreg [dreg:$0x18]  }
0xf4: {  	s24 =	rddreg [dreg:$0x1f];
	[sflag:s18] =	ssyncadd.s32 $0xFFFFE100;
	s19 =	sadd.s32 @!p0 s16, s19  }
0xf5: {  	[spmem:s24] =	stream.linear.scatter [tilespmem:s20], [sflag:$0x5], $0x1F00, $0x38;
	[tilespmem:$0x19F28] =	vst v63  }
0xf6: {  	s21 =	simm.s32 @!p0 $0x80;
	s19 =	sor.u32 @!p0 s19, s29;
	_ =	swait.ge [sflag:s18], $0x1F00  }
0xf7: {  	s16 =	simm.s32 @!p0 $0x15828;
	s19 =	sshrl.u32 @!p0 s19, $0x3;
	[sflag:s18] =	ssyncset.done $0x0  }
0xf8: {  	s24 =	simm.s32 @!p0 $0x400;
	s19 =	sadd.s32 @!p0 s0, s19;
	[sflag:s18] =	ssyncadd.s32 $0xFFFFE100  }
0xf9: {  	[tilespmem:s16], [sflag:$0x5] =	stream.strided.gather @!p0 [hbm4b:s19+s21], $0x1F00, s24, s21, $0x38;
	[tilespmem:$0x19F28] =	vst v63  }
0xfa: {  	s21 =	simm.s32 @!p0 $0x5  }
0xfb: {  	_ =	swait.ge @!p0 [sflag:s21], $0x1F00  }
0xfc: {  	[sflag:s21] =	ssyncset.done @!p0 $0x0  }
0xfd: {  	s19 =	rddreg [dreg:$0x1c];
	[sflag:s21] =	ssyncadd.s32 @!p0 $0xFFFFE100  }
0xfe: {  	[spmem:s19] =	stream.linear.scatter @!p0 [tilespmem:s16], [sflag:$0x5], $0x1F00, $0x38;
	[tilespmem:$0x19F28] =	vst v63  }
0xff: {  	_ =	swait.ge @!p0 [sflag:s21], $0x1F00  }
0x100: {  	s24 =	simm.s32 @p3 $0x15828;
	[sflag:s21] =	ssyncset.done @!p0 $0x0  }
0x101: {  	s19 =	simm.s32 @p3 $0x5;
	[sflag:s21] =	ssyncadd.s32 @!p0 $0xFFFFE100;
	s21 =	simm.s32 @p3 $0x0  }
0x102: {  	[tilespmem:s24], [sflag:$0x5] =	stream.linear.gather @p3 [hbm4b:s13+s21], $0x40, $0x38;
	[tilespmem:$0x19F28] =	vst v63  }
0x103: {  	_ =	swait.ge @p3 [sflag:s19], $0x40  }
0x104: {  	s16 =	sld [smem:$0x7FD]  }
0x105: {  	[sflag:s19] =	ssyncset.done @p3 $0x0  }
0x106: {  	[sflag:s19] =	ssyncadd.s32 @p3 $0xFFFFFFC0  }
0x107: {  	[spmem:s16] =	stream.linear.scatter @p3 [tilespmem:s24], [sflag:$0x5], $0x40, $0x38;
	[tilespmem:$0x19F28] =	vst v63  }
0x108: {  	_ =	swait.ge @p3 [sflag:s19], $0x40  }
0x109: {  	[sflag:s19] =	ssyncset.done @p3 $0x0  }
0x10a: {  	[sflag:s19] =	ssyncadd.s32 @p3 $0xFFFFFFC0  }
0x10b: {  	[bflag:$0x0] =	sbarrier.arrive $0xFFFF  }
0x10c: {  	_ =	swait.ge [sflag:s4], $0x1400  }
0x10d: {  	[sflag:s4] =	ssyncset.done $0x0  }
0x10e: {  	s16 =	simm.s32 $0xF428;
	[sflag:s4] =	ssyncadd.s32 $0xFFFFEC00  }
0x10f: {  	[tilespmem:s30], [sflag:$0x2] =	stream.indirect.gather [spmem:s5], $0x1, s16, s22, $0xb8;
	[tilespmem:$0x19F28] =	vst v63  }
0x110: {  	s26 =	sor.u32 s26, s29;
	_ =	swait.ge [sflag:s6], $0x1400  }
0x111: {  	s26 =	sshrl.u32 s26, $0x3;
	[sflag:s6] =	ssyncset.done $0x0  }
0x112: {  	s26 =	sadd.s32 s23, s26;
	[sflag:s6] =	ssyncadd.s32 $0xFFFFEC00  }
0x113: {  	[hbm4b:s26+s10] =	stream.strided.scatter [tilespmem:s30], [sflag:$0x4], $0x1400, s8, s10, $0x38;
	[tilespmem:$0x19F28] =	vst v63  }
0x114: {  	_ =	swait.ge [sflag:s15], $0x1400  }
0x115: {  	[sflag:s15] =	ssyncset.done $0x0  }
0x116: {  	s29 =	simm.s32 $0x10828;
	[sflag:s15] =	ssyncadd.s32 $0xFFFFEC00  }
0x117: {  	[tilespmem:s25], [sflag:$0x1] =	stream.indirect.gather [spmem:s5], $0x1, s29, s22, $0xb8;
	[tilespmem:$0x19F28] =	vst v63  }
0x118: {  	_ =	swait.ge [sflag:s1], $0x1400  }
0x119: {  	[sflag:s1] =	ssyncset.done $0x0  }
0x11a: {  	s23 =	sadd.s32 $0x140000, s26;
	[sflag:s1] =	ssyncadd.s32 $0xFFFFEC00  }
0x11b: {  	[hbm4b:s23+s10] =	stream.strided.scatter [tilespmem:s25], [sflag:$0x3], $0x1400, s8, s10, $0x38;
	[tilespmem:$0x19F28] =	vst v63  }
0x11c: {  	_ =	swait.ge [sflag:s4], $0x1400  }
0x11d: {  	[sflag:s4] =	ssyncset.done $0x0  }
0x11e: {  	[sflag:s4] =	ssyncadd.s32 $0xFFFFEC00  }
0x11f: {  	[tilespmem:s30], [sflag:$0x2] =	stream.indirect.gather [spmem:s5], $0x1, s28, s22, $0xb8;
	[tilespmem:$0x19F28] =	vst v63  }
0x120: {  	_ =	swait.ge [sflag:s6], $0x1400  }
0x121: {  	[sflag:s6] =	ssyncset.done $0x0  }
0x122: {  	s16 =	sadd.s32 $0x280000, s26;
	[sflag:s6] =	ssyncadd.s32 $0xFFFFEC00  }
0x123: {  	[hbm4b:s16+s10] =	stream.strided.scatter [tilespmem:s30], [sflag:$0x4], $0x1400, s8, s10, $0x38;
	[tilespmem:$0x19F28] =	vst v63  }
0x124: {  	_ =	swait.ge [sflag:s15], $0x1400  }
0x125: {  	[sflag:s15] =	ssyncset.done $0x0  }
0x126: {  	[sflag:s15] =	ssyncadd.s32 $0xFFFFEC00  }
0x127: {  	[tilespmem:s25], [sflag:$0x1] =	stream.indirect.gather [spmem:s5], $0x1, s2, s22, $0xb8;
	[tilespmem:$0x19F28] =	vst v63  }
0x128: {  	_ =	swait.ge [sflag:s1], $0x1400  }
0x129: {  	[sflag:s1] =	ssyncset.done $0x0  }
0x12a: {  	s23 =	sadd.s32 $0x3C0000, s26;
	[sflag:s1] =	ssyncadd.s32 $0xFFFFEC00  }
0x12b: {  	[hbm4b:s23+s10] =	stream.strided.scatter [tilespmem:s25], [sflag:$0x3], $0x1400, s8, s10, $0x38;
	[tilespmem:$0x19F28] =	vst v63  }
0x12c: {  	_ =	swait.ge [sflag:s4], $0x1400  }
0x12d: {  	[sflag:s4] =	ssyncset.done $0x0  }
0x12e: {  	[sflag:s4] =	ssyncadd.s32 $0xFFFFEC00  }
0x12f: {  	[tilespmem:s30], [sflag:$0x2] =	stream.indirect.gather [spmem:s5], $0x1, s11, s22, $0xb8;
	[tilespmem:$0x19F28] =	vst v63  }
0x130: {  	p4 =	seq.s32 s14, $0x2000;
	_ =	swait.ge [sflag:s6], $0x1400  }
.Ltmp2:
0x131: {  	[sflag:s6] =	ssyncset.done $0x0;
	(pc) =	sbr.rel @p4 .LBB2_4-.Ltmp2, $3  }
0x132: {  	s26 =	sadd.s32 $0x500000, s26;
	[sflag:s6] =	ssyncadd.s32 $0xFFFFEC00  }
0x133: {  	[hbm4b:s26+s10] =	stream.strided.scatter [tilespmem:s30], [sflag:$0x4], $0x1400, s8, s10, $0x38;
	[tilespmem:$0x19F28] =	vst v63  }
0x134: {  	[bflag:$0x0] =	sbarrier.arrive $0xFFFF;
	_ =	sdelay $0x1  }
0x135: {  	s11 =	sld [smem:$0x7FB];
	_ =	sdelay $0x2  }
0x136: {  	s26 =	sshrl.u32 s11, $0x3  }
0x137: {  	s26 =	smul.u32 $0x7A1400, s26;
	_ =	sdelay $0x1  }
0x138: {  	s29 =	sand.u32 $0x300, s14;
	s23 =	sadd.s32 s7, s26  }
0x139: {  	s23 =	sor.u32 s29, s23  }
0x13a: {  	s23 =	sshrl.u32 s23, $0x3  }
0x13b: {  	s23 =	sadd.s32 s0, s23  }
0x13c: {  	[tilespmem:s20], [sflag:$0x5] =	stream.strided.gather [hbm4b:s23+s10], $0x1F00, s12, s10, $0x38;
	[tilespmem:$0x19F28] =	vst v63  }
0x13d: {  	_ =	swait.ge [sflag:s18], $0x1F00  }
0x13e: {  	[sflag:s18] =	ssyncset.done $0x0;
	s23 =	rddreg [dreg:$0xc]  }
0x13f: {  	s2 =	rddreg [dreg:$0x1e];
	[sflag:s18] =	ssyncadd.s32 $0xFFFFE100;
	s16 =	sadd.s32 s23, s26  }
0x140: {  	[spmem:s2] =	stream.linear.scatter [tilespmem:s20], [sflag:$0x5], $0x1F00, $0x38;
	[tilespmem:$0x19F28] =	vst v63  }
0x141: {  	s23 =	sor.u32 s29, s16;
	_ =	swait.ge [sflag:s18], $0x1F00  }
0x142: {  	s23 =	sshrl.u32 s23, $0x3;
	[sflag:s18] =	ssyncset.done $0x0  }
0x143: {  	s23 =	sadd.s32 s0, s23;
	[sflag:s18] =	ssyncadd.s32 $0xFFFFE100  }
0x144: {  	[tilespmem:s20], [sflag:$0x5] =	stream.strided.gather [hbm4b:s23+s10], $0x1F00, s12, s10, $0x38;
	[tilespmem:$0x19F28] =	vst v63  }
0x145: {  	_ =	swait.ge [sflag:s18], $0x1F00  }
0x146: {  	[sflag:s18] =	ssyncset.done $0x0;
	s23 =	rddreg [dreg:$0xe]  }
0x147: {  	[sflag:s18] =	ssyncadd.s32 $0xFFFFE100;
	s2 =	sadd.s32 s23, s26  }
0x148: {  	[spmem:s3] =	stream.linear.scatter [tilespmem:s20], [sflag:$0x5], $0x1F00, $0x38;
	[tilespmem:$0x19F28] =	vst v63  }
0x149: {  	s23 =	sor.u32 s29, s2;
	_ =	swait.ge [sflag:s18], $0x1F00  }
0x14a: {  	s23 =	sshrl.u32 s23, $0x3;
	[sflag:s18] =	ssyncset.done $0x0  }
0x14b: {  	s23 =	sadd.s32 s0, s23;
	[sflag:s18] =	ssyncadd.s32 $0xFFFFE100  }
0x14c: {  	[tilespmem:s20], [sflag:$0x5] =	stream.strided.gather [hbm4b:s23+s10], $0x1F00, s12, s10, $0x38;
	[tilespmem:$0x19F28] =	vst v63  }
0x14d: {  	_ =	swait.ge [sflag:s18], $0x1F00  }
0x14e: {  	[sflag:s18] =	ssyncset.done $0x0  }
0x14f: {  	s3 =	rddreg [dreg:$0x12];
	[sflag:s18] =	ssyncadd.s32 $0xFFFFE100  }
0x150: {  	[spmem:s9] =	stream.linear.scatter [tilespmem:s20], [sflag:$0x5], $0x1F00, $0x38;
	[tilespmem:$0x19F28] =	vst v63  }
0x151: {  	s16 =	smov.u32 s9;
	s9 =	sadd.s32 s3, s26  }
0x152: {  	_ =	swait.ge [sflag:s18], $0x1F00;
	s23 =	sor.u32 s29, s9  }
0x153: {  	[sflag:s18] =	ssyncset.done $0x0;
	s23 =	sshrl.u32 s23, $0x3  }
0x154: {  	[sflag:s18] =	ssyncadd.s32 $0xFFFFE100;
	s23 =	sadd.s32 s0, s23  }
0x155: {  	[tilespmem:s20], [sflag:$0x5] =	stream.strided.gather [hbm4b:s23+s10], $0x1F00, s12, s10, $0x38;
	[tilespmem:$0x19F28] =	vst v63  }
0x156: {  	_ =	swait.ge [sflag:s18], $0x1F00  }
0x157: {  	[sflag:s18] =	ssyncset.done $0x0;
	s3 =	rddreg [dreg:$0x14]  }
0x158: {  	s23 =	rddreg [dreg:$0x1d];
	[sflag:s18] =	ssyncadd.s32 $0xFFFFE100;
	s9 =	sadd.s32 s3, s26  }
0x159: {  	[spmem:s23] =	stream.linear.scatter [tilespmem:s20], [sflag:$0x5], $0x1F00, $0x38;
	[tilespmem:$0x19F28] =	vst v63  }
0x15a: {  	s23 =	sor.u32 s29, s9;
	_ =	swait.ge [sflag:s18], $0x1F00  }
0x15b: {  	s23 =	sshrl.u32 s23, $0x3;
	[sflag:s18] =	ssyncset.done $0x0  }
0x15c: {  	s23 =	sadd.s32 s0, s23;
	[sflag:s18] =	ssyncadd.s32 $0xFFFFE100  }
0x15d: {  	[tilespmem:s20], [sflag:$0x5] =	stream.strided.gather [hbm4b:s23+s10], $0x1F00, s12, s10, $0x38;
	[tilespmem:$0x19F28] =	vst v63  }
0x15e: {  	_ =	swait.ge [sflag:s18], $0x1F00  }
0x15f: {  	s23 =	sld [smem:$0x7FC]  }
0x160: {  	[sflag:s18] =	ssyncset.done $0x0;
	s3 =	rddreg [dreg:$0x15]  }
0x161: {  	[sflag:s18] =	ssyncadd.s32 $0xFFFFE100;
	s9 =	sadd.s32 s3, s26  }
0x162: {  	[spmem:s23] =	stream.linear.scatter [tilespmem:s20], [sflag:$0x5], $0x1F00, $0x38;
	[tilespmem:$0x19F28] =	vst v63  }
0x163: {  	s23 =	sor.u32 s29, s9;
	_ =	swait.ge [sflag:s18], $0x1F00  }
0x164: {  	s23 =	sshrl.u32 s23, $0x3;
	[sflag:s18] =	ssyncset.done $0x0  }
0x165: {  	s23 =	sadd.s32 s0, s23;
	[sflag:s18] =	ssyncadd.s32 $0xFFFFE100  }
0x166: {  	[tilespmem:s20], [sflag:$0x5] =	stream.strided.gather [hbm4b:s23+s10], $0x1F00, s12, s10, $0x38;
	[tilespmem:$0x19F28] =	vst v63  }
0x167: {  	_ =	swait.ge [sflag:s18], $0x1F00  }
0x168: {  	[sflag:s18] =	ssyncset.done $0x0;
	s3 =	rddreg [dreg:$0x17]  }
0x169: {  	s23 =	rddreg [dreg:$0x1b];
	[sflag:s18] =	ssyncadd.s32 $0xFFFFE100;
	s9 =	sadd.s32 s3, s26  }
0x16a: {  	[spmem:s23] =	stream.linear.scatter [tilespmem:s20], [sflag:$0x5], $0x1F00, $0x38;
	[tilespmem:$0x19F28] =	vst v63  }
0x16b: {  	s23 =	sor.u32 s29, s9;
	_ =	swait.ge [sflag:s18], $0x1F00  }
0x16c: {  	s23 =	sshrl.u32 s23, $0x3;
	[sflag:s18] =	ssyncset.done $0x0  }
0x16d: {  	s23 =	sadd.s32 s0, s23;
	[sflag:s18] =	ssyncadd.s32 $0xFFFFE100  }
0x16e: {  	[tilespmem:s20], [sflag:$0x5] =	stream.strided.gather [hbm4b:s23+s10], $0x1F00, s12, s10, $0x38;
	[tilespmem:$0x19F28] =	vst v63  }
0x16f: {  	_ =	swait.ge [sflag:s18], $0x1F00  }
0x170: {  	[sflag:s18] =	ssyncset.done $0x0;
	s23 =	rddreg [dreg:$0x1f]  }
0x171: {  	s2 =	rddreg [dreg:$0x18];
	[sflag:s18] =	ssyncadd.s32 $0xFFFFE100  }
0x172: {  	[spmem:s23] =	stream.linear.scatter [tilespmem:s20], [sflag:$0x5], $0x1F00, $0x38;
	[tilespmem:$0x19F28] =	vst v63  }
0x173: {  	s23 =	sadd.s32 @!p0 s2, s26  }
0x174: {  	s3 =	simm.s32 @!p0 $0x15828;
	_ =	swait.ge [sflag:s18], $0x1F00;
	s23 =	sor.u32 @!p0 s29, s23  }
0x175: {  	s26 =	simm.s32 @!p0 $0x80;
	[sflag:s18] =	ssyncset.done $0x0;
	s23 =	sshrl.u32 @!p0 s23, $0x3  }
0x176: {  	s29 =	simm.s32 @!p0 $0x400;
	[sflag:s18] =	ssyncadd.s32 $0xFFFFE100;
	s23 =	sadd.s32 @!p0 s0, s23  }
0x177: {  	[tilespmem:s3], [sflag:$0x5] =	stream.strided.gather @!p0 [hbm4b:s23+s26], $0x1F00, s29, s26, $0x38;
	[tilespmem:$0x19F28] =	vst v63  }
0x178: {  	s23 =	simm.s32 @!p0 $0x5  }
0x179: {  	_ =	swait.ge @!p0 [sflag:s23], $0x1F00  }
0x17a: {  	[sflag:s23] =	ssyncset.done @!p0 $0x0  }
0x17b: {  	s2 =	rddreg [dreg:$0x1c];
	[sflag:s23] =	ssyncadd.s32 @!p0 $0xFFFFE100  }
0x17c: {  	[spmem:s2] =	stream.linear.scatter @!p0 [tilespmem:s3], [sflag:$0x5], $0x1F00, $0x38;
	[tilespmem:$0x19F28] =	vst v63  }
0x17d: {  	s3 =	rddreg [dreg:$0xa];
	_ =	swait.ge @!p0 [sflag:s23], $0x1F00  }
0x17e: {  	[sflag:s23] =	ssyncset.done @!p0 $0x0  }
0x17f: {  	[sflag:s23] =	ssyncadd.s32 @!p0 $0xFFFFE100;
	s23 =	sadd.s32 @p3 $0x8, s13  }
0x180: {  	[tilespmem:s24], [sflag:$0x5] =	stream.linear.gather @p3 [hbm4b:s23+s21], $0x40, $0x38;
	[tilespmem:$0x19F28] =	vst v63  }
0x181: {  	_ =	swait.ge @p3 [sflag:s19], $0x40  }
0x182: {  	s2 =	sld [smem:$0x7FD]  }
0x183: {  	[sflag:s19] =	ssyncset.done @p3 $0x0  }
0x184: {  	[sflag:s19] =	ssyncadd.s32 @p3 $0xFFFFFFC0  }
0x185: {  	[spmem:s2] =	stream.linear.scatter @p3 [tilespmem:s24], [sflag:$0x5], $0x40, $0x38;
	[tilespmem:$0x19F28] =	vst v63  }
0x186: {  	_ =	swait.ge @p3 [sflag:s19], $0x40  }
0x187: {  	[sflag:s19] =	ssyncset.done @p3 $0x0  }
0x188: {  	s17 =	sadd.s32 $0x1, s17;
	[sflag:s19] =	ssyncadd.s32 @p3 $0xFFFFFFC0  }
.Ltmp3:
0x189: {  	s14 =	sadd.s32 $0x100, s14;
	[bflag:$0x0] =	sbarrier.arrive $0xFFFF;
	(pc) =	sbr.rel .LBB2_2-.Ltmp3, $4  }
0x18a: {  	s11 =	sadd.s32 $0x2, s11;
	s26 =	simm.s32 $0xF428;
	_ =	swait.ge [sflag:s15], $0x1400  }
0x18b: {  	s29 =	smov.u32 s7;
	s13 =	sadd.s32 $0x10, s13;
	[sflag:s15] =	ssyncset.done $0x0  }
0x18c: {  	s2 =	sadd.s32 $0x2000, s31;
	[smem:$0x7FB] =	sst s11;
	[sflag:s15] =	ssyncadd.s32 $0xFFFFEC00  }
0x18d: {  	[tilespmem:s25], [sflag:$0x1] =	stream.indirect.gather [spmem:s5], $0x1, s26, s22, $0xb8;
	[tilespmem:$0x19F28] =	vst v63  }
.LBB2_5:
0x18e: {  	_ =	sfence.sel $0x180000  }
0x18f: {  	[bflag:$0x0] =	sbarrier.arrive $0xFFFF  }
0x190: {  	_ =	strace $0x90000047  }
0x191: {  	s0 =	stileid.u32;
	[bflag:$0x2] =	sbarrier.arrive $0xFFFF  }
0x192: {  	p0 =	sne.s32 s0, $0x0;
	s0 =	rddreg [dreg:$0x5]  }
0x193: {  	s0 =	sadd.s32 @!p0 $0x100000, s0  }
0x194: {  	[sflag:s0] =	ssyncadd.tile.s32 @!p0 $0x1;
	_ =	shalt  }
.Lfunc_end2:
_tile_overlayer_lowered:
.L_overlay_start_2:
0x195: {  	(tag) =	ssettag $0x2  }
0x196: {  	s0 =	rddreg [dreg:$0x0];
	s2 =	stileid.u32  }
0x197: {  	s1 =	rddreg [dreg:$0x1];
	p0 =	sne.s32 s2, $0x0  }
0x198: {  	s3 =	rddreg [dreg:$0x2];
	[bflag:$0x3] =	sbarrier.arrive $0xFFFF;
	s2 =	simm.s32 @!p0 $0x1C05  }
0x199: {  	[timem:s3], [sflag:s2] =	dma.local @!p0 [hbm:s0], s1  }
0x19a: {  	s0 =	simm.s32 @!p0 $0x5  }
0x19b: {  	_ =	swait.ge @!p0 [sflag:s0], s1  }
0x19c: {  	s1 =	ssub.s32 @!p0 $0x0, s1;
	[sflag:s0] =	ssyncset.done @!p0 $0x0  }
0x19d: {  	[sflag:s0] =	ssyncadd.s32 @!p0 s1  }
0x19e: {  	[bflag:$0x3] =	sbarrier.arrive $0xFFFF  }
0x19f: {  	_ =	shalt  }

</sc_bundles>
